<compile_context>
chip_gen: v7x
topology: tpu7x:2x2x1
jax: 0.10.2.dev20260603
libtpu: 0.0.44.dev20260713+nightly
codegen_flags: <defaults>
</compile_context>

<pallas_src>
import functools

import jax
import jax.numpy as jnp
from jax import lax
from jax.experimental import pallas as pl
from jax.experimental.pallas import tpu as pltpu
from jax.experimental.pallas import tpu_sc as plsc

N = 10000
D = 128
E = 320000
BN_EPS_CONST = 1e-5

NC = 2
NS = 16
NW = NC * NS
CK = 80
CHUNKS_PER_W = E // NW // CK
G = 25
NG = CHUNKS_PER_W // G

ROW_STRIDE = 624
ZCHUNK = 80
NZ = 8


def _sc_scatter_body(x_hbm, ei_hbm, out_hbm, acc, src_v, dst_v,
                     src_w, dst_w,
                     rows_0, rows_1, rows_2, gsem0, gsem1, gsem2,
                     ssem0, ssem1, ssem2, isem):
    cid = lax.axis_index("c")
    sid = lax.axis_index("s")
    wid = sid * NC + cid
    row0 = sid * ROW_STRIDE

    bufs = (rows_0, rows_1, rows_2)
    gsems = (gsem0, gsem1, gsem2)
    ssems = (ssem0, ssem1, ssem2)
    idx_ab = ((src_v, dst_v), (src_w, dst_w))

    H = CK // 2

    def start_gather(sv, j, b):
        pltpu.async_copy(x_hbm.at[sv.at[j, pl.ds(0, H)]],
                         bufs[b].at[pl.ds(0, H)], gsems[b])
        pltpu.async_copy(x_hbm.at[sv.at[j, pl.ds(H, H)]],
                         bufs[b].at[pl.ds(H, H)], gsems[b])

    def wait_gather(b):
        pltpu.make_async_copy(x_hbm.at[src_v.at[0, pl.ds(0, H)]],
                              bufs[b].at[pl.ds(0, H)], gsems[b]).wait()
        pltpu.make_async_copy(x_hbm.at[src_v.at[0, pl.ds(H, H)]],
                              bufs[b].at[pl.ds(H, H)], gsems[b]).wait()

    def start_scatter(dv, j, b):
        pltpu.async_copy(bufs[b], acc.at[dv.at[j]], ssems[b], add=True)

    def wait_scatter(b):
        pltpu.make_async_copy(bufs[b], acc.at[dst_v.at[0]], ssems[b]).wait()

    def load_idx(g, sv, dv):
        pltpu.async_copy(ei_hbm.at[0, wid, g], sv, isem)
        pltpu.async_copy(ei_hbm.at[1, wid, g], dv, isem)

    def wait_idx(sv, dv):
        pltpu.make_async_copy(ei_hbm.at[0, wid, 0], sv, isem).wait()
        pltpu.make_async_copy(ei_hbm.at[1, wid, 0], dv, isem).wait()

    def edge_loop(sv, dv):
        wait_gather(0)
        start_scatter(dv, 0, 0)

        def edge_body(t, _):
            for i in range(3):
                j = 3 * t + 1 + i
                s = (1 + i) % 3
                wait_scatter((s + 2) % 3)

                @pl.when(j + 2 <= G - 1)
                def _():
                    start_gather(sv, j + 2, (s + 2) % 3)
                wait_gather(s)
                start_scatter(dv, j, s)
            return 0
        lax.fori_loop(0, (G - 1) // 3, edge_body, 0, unroll=False)

    sv, dv = idx_ab[0]
    load_idx(0, sv, dv)

    def zbody(i, _):
        r = i // (D // 16)
        c = (i % (D // 16)) * 16
        rows_0[r, pl.ds(c, 16)] = jnp.zeros((16,), jnp.float32)
        return 0
    lax.fori_loop(0, ZCHUNK * (D // 16), zbody, 0)

    def zcopy(i, _):
        pltpu.async_copy(rows_0, acc.at[pl.ds(row0 + i * ZCHUNK, ZCHUNK)],
                         ssem0)
        return 0
    lax.fori_loop(0, NZ, zcopy, 0)
    wait_idx(sv, dv)
    load_idx(1, *idx_ab[1])
    start_gather(sv, 1, 1)
    start_gather(sv, 2, 2)

    def zwait(i, _):
        pltpu.make_async_copy(rows_0, acc.at[pl.ds(row0, ZCHUNK)],
                              ssem0).wait()
        return 0
    lax.fori_loop(0, NZ, zwait, 0)
    plsc.subcore_barrier()
    start_gather(sv, 0, 0)
    edge_loop(sv, dv)

    for g in range(1, NG):
        sv, dv = idx_ab[g % 2]
        wait_idx(sv, dv)
        start_gather(sv, 1, 1)
        start_gather(sv, 2, 2)
        wait_scatter(0)
        if g + 1 < NG:
            load_idx(g + 1, *idx_ab[(g + 1) % 2])
        start_gather(sv, 0, 0)
        edge_loop(sv, dv)

    wait_scatter(0)
    plsc.subcore_barrier()

    def ocopy(i, _):
        pltpu.async_copy(acc.at[pl.ds(row0 + i * ZCHUNK, ZCHUNK)],
                         out_hbm.at[cid, pl.ds(row0 + i * ZCHUNK, ZCHUNK)],
                         ssem0)
        return 0
    lax.fori_loop(0, NZ, ocopy, 0)
    def owait(i, _):
        pltpu.make_async_copy(acc.at[pl.ds(row0, ZCHUNK)],
                              out_hbm.at[cid, pl.ds(row0, ZCHUNK)],
                              ssem0).wait()
        return 0
    lax.fori_loop(0, NZ, owait, 0)


_sc_scatter = functools.partial(
    pl.kernel,
    out_type=jax.ShapeDtypeStruct((NC, N, D), jnp.float32),
    mesh=plsc.VectorSubcoreMesh(core_axis_name="c", subcore_axis_name="s"),
    scratch_types=[
        pltpu.VMEM_SHARED((N, D), jnp.float32),
        pltpu.VMEM((G, CK), jnp.int32),
        pltpu.VMEM((G, CK), jnp.int32),
        pltpu.VMEM((G, CK), jnp.int32),
        pltpu.VMEM((G, CK), jnp.int32),
        pltpu.VMEM((CK, D), jnp.float32),
        pltpu.VMEM((CK, D), jnp.float32),
        pltpu.VMEM((CK, D), jnp.float32),
        pltpu.SemaphoreType.DMA,
        pltpu.SemaphoreType.DMA,
        pltpu.SemaphoreType.DMA,
        pltpu.SemaphoreType.DMA,
        pltpu.SemaphoreType.DMA,
        pltpu.SemaphoreType.DMA,
        pltpu.SemaphoreType.DMA,
    ],
)(_sc_scatter_body)


def _tc_body(p_ref, x_ref, epsb_ref, W1_ref, b1_ref, W2_ref, b2_ref,
             gamma_ref, beta_ref, o_ref):
    agg = p_ref[0] + p_ref[1] + (1.0 + epsb_ref[0, 0]) * x_ref[...]
    h1 = jax.lax.dot_general(agg, W1_ref[...], (((1,), (1,)), ((), ())),
                             preferred_element_type=jnp.float32)
    h1 = jnp.maximum(h1 + b1_ref[...], 0.0)
    h2 = jax.lax.dot_general(h1, W2_ref[...], (((1,), (1,)), ((), ())),
                             preferred_element_type=jnp.float32)
    h2 = h2 + b2_ref[...]
    mean = jnp.mean(h2, axis=0, keepdims=True)
    var = jnp.mean(h2 * h2, axis=0, keepdims=True) - mean * mean
    inv = jax.lax.rsqrt(var + BN_EPS_CONST)
    o_ref[...] = jnp.maximum(
        (h2 - mean) * (inv * gamma_ref[...]) + beta_ref[...], 0.0)


def kernel(x, edge_index, W1, b1, W2, b2, gamma, beta, epsilon):
    ei = edge_index.reshape(2, NW, NG, G, CK)
    partials = _sc_scatter(x, ei)

    epsb = epsilon.reshape(1, 1)
    out = pl.pallas_call(
        _tc_body,
        out_shape=jax.ShapeDtypeStruct((N, D), jnp.float32),
    )(partials, x, epsb, W1, b1.reshape(1, D), W2, b2.reshape(1, D),
      gamma.reshape(1, D), beta.reshape(1, D))
    return out

# --- scband reference (transcript-rebuilt; emitter-appended) ---
"""Pipeline reference for scband-ginlayer-15049565405785 (READ-ONLY COPY).

The authoritative reference and input builder live on the scoring server;
editing this copy changes nothing except your own understanding.
"""

import jax, jax.numpy as jnp
import numpy as np

BN_EPS = 1e-5

def setup_inputs(seed: int = 0) -> dict:
    key = jax.random.key(seed)
    ks = jax.random.split(key, 8)
    N, D, E = 10000, 128, 320000
    x = jax.random.normal(ks[0], (N, D), dtype=jnp.float32)
    edge_index = jax.random.randint(ks[1], (2, E), 0, N, dtype=jnp.int32)
    W1 = jax.random.normal(ks[2], (D, D), dtype=jnp.float32) * 0.05
    b1 = jnp.zeros((D,), dtype=jnp.float32)
    W2 = jax.random.normal(ks[3], (D, D), dtype=jnp.float32) * 0.05
    b2 = jnp.zeros((D,), dtype=jnp.float32)
    gamma = jnp.ones((D,), dtype=jnp.float32)
    beta = jnp.zeros((D,), dtype=jnp.float32)
    epsilon = jnp.zeros((1,), dtype=jnp.float32)  # nn.Parameter init to [0]
    return {"x": x, "edge_index": edge_index, "W1": W1, "b1": b1, "W2": W2, "b2": b2, "gamma": gamma, "beta": beta, "epsilon": epsilon}

def reference(x, edge_index, W1, b1, W2, b2, gamma, beta, epsilon):
    src = edge_index[0]
    dst = edge_index[1]
    # out = zeros_like(x); out.index_add_(0, dst, x[src])
    agg = jnp.zeros_like(x).at[dst].add(x[src])
    out = agg + (1.0 + epsilon) * x
    # mlp: Linear -> ReLU -> Linear -> BatchNorm1d (training-mode batch stats) -> ReLU
    h = jnp.maximum(out @ W1.T + b1, 0.0)
    h = h @ W2.T + b2
    mean = jnp.mean(h, axis=0)
    var = jnp.var(h, axis=0)  # biased variance, matching torch BN normalization
    h = (h - mean) / jnp.sqrt(var + BN_EPS) * gamma + beta
    return jnp.maximum(h, 0.0)

if __name__ == "__main__":
    import jax
    _d = setup_inputs()
    print(jax.jit(kernel)(*tuple(_d.values())))

</pallas_src>

<mosaic_0001>
#map = affine_map<(d0, d1) -> (0, 0)>
#map1 = affine_map<(d0, d1) -> (0, 0, 0, 0, 0)>
#map2 = affine_map<(d0, d1) -> (0, 0, 0)>
module attributes {stable_mosaic.version = 14 : i64} {
  func.func @_sc_scatter_body(%arg0: i32, %arg1: i32, %arg2: memref<10000x128xf32, #tpu.memory_space<hbm>>, %arg3: memref<2x32x5x25x80xi32, #tpu.memory_space<hbm>>, %arg4: memref<2x10000x128xf32, #tpu.memory_space<hbm>>, %arg5: memref<10000x128xf32, #tpu.memory_space<vmem_shared>>, %arg6: memref<25x80xi32, #tpu.memory_space<vmem>>, %arg7: memref<25x80xi32, #tpu.memory_space<vmem>>, %arg8: memref<25x80xi32, #tpu.memory_space<vmem>>, %arg9: memref<25x80xi32, #tpu.memory_space<vmem>>, %arg10: memref<80x128xf32, #tpu.memory_space<vmem>>, %arg11: memref<80x128xf32, #tpu.memory_space<vmem>>, %arg12: memref<80x128xf32, #tpu.memory_space<vmem>>, %arg13: memref<!tpu.dma_semaphore, #tpu.memory_space<semaphore_mem>>, %arg14: memref<!tpu.dma_semaphore, #tpu.memory_space<semaphore_mem>>, %arg15: memref<!tpu.dma_semaphore, #tpu.memory_space<semaphore_mem>>, %arg16: memref<!tpu.dma_semaphore, #tpu.memory_space<semaphore_mem>>, %arg17: memref<!tpu.dma_semaphore, #tpu.memory_space<semaphore_mem>>, %arg18: memref<!tpu.dma_semaphore, #tpu.memory_space<semaphore_mem>>, %arg19: memref<!tpu.dma_semaphore, #tpu.memory_space<semaphore_mem>>) attributes {dimension_semantics = [#tpu.dimension_semantics<core_parallel>, #tpu.dimension_semantics<subcore_parallel>], iteration_bounds = array<i64: 2, 16>, scalar_prefetch = 0 : i64, scratch_operands = 15 : i64, tpu.core_type = #tpu.core_type<sc_vector_subcore>, window_params = [{transform_indices = #map}, {transform_indices = #map1}, {transform_indices = #map2}]} {
    %mul3A = arith.constant 2 : i32
    %mul3A_0 = arith.muli %arg1, %mul3A : i32
    %add3A = arith.addi %mul3A_0, %arg0 : i32
    %mul3A_1 = arith.constant 624 : i32
    %mul3A_2 = arith.muli %arg1, %mul3A_1 : i32
    %dma_start3A = arith.constant 0 : i32
    %dma_start3A_3 = arith.constant 0 : i32
    %dma_start3A_4 = arith.constant 0 : i32
    %dma_start3A_5 = arith.constant 0 : i32
    %dma_start3A_6 = tpu.memref_slice %arg3[%dma_start3A, %add3A, %dma_start3A_3, %dma_start3A_4, %dma_start3A_5] : memref<2x32x5x25x80xi32, #tpu.memory_space<hbm>> -> memref<1x1x1x25x80xi32, #tpu.memory_space<hbm>>
    %dma_start3A_7 = tpu.memref_squeeze %dma_start3A_6 : memref<1x1x1x25x80xi32, #tpu.memory_space<hbm>> -> memref<25x80xi32, #tpu.memory_space<hbm>>
    %dma_start3A_8 = arith.constant 0 : i32
    %dma_start3A_9 = arith.constant 0 : i32
    %dma_start3A_10 = tpu.memref_slice %arg3[%dma_start3A, %add3A, %dma_start3A_3, %dma_start3A_8, %dma_start3A_9] : memref<2x32x5x25x80xi32, #tpu.memory_space<hbm>> -> memref<1x1x1x25x80xi32, #tpu.memory_space<hbm>>
    %dma_start3A_11 = tpu.memref_squeeze %dma_start3A_10 : memref<1x1x1x25x80xi32, #tpu.memory_space<hbm>> -> memref<25x80xi32, #tpu.memory_space<hbm>>
    tpu.enqueue_dma source(%dma_start3A_11 : memref<25x80xi32, #tpu.memory_space<hbm>>) target(%arg6 : memref<25x80xi32, #tpu.memory_space<vmem>>) target_semaphore(%arg19 : memref<!tpu.dma_semaphore, #tpu.memory_space<semaphore_mem>>)
    %dma_start3A_12 = arith.constant 1 : i32
    %dma_start3A_13 = arith.constant 0 : i32
    %dma_start3A_14 = arith.constant 0 : i32
    %dma_start3A_15 = arith.constant 0 : i32
    %dma_start3A_16 = tpu.memref_slice %arg3[%dma_start3A_12, %add3A, %dma_start3A_13, %dma_start3A_14, %dma_start3A_15] : memref<2x32x5x25x80xi32, #tpu.memory_space<hbm>> -> memref<1x1x1x25x80xi32, #tpu.memory_space<hbm>>
    %dma_start3A_17 = tpu.memref_squeeze %dma_start3A_16 : memref<1x1x1x25x80xi32, #tpu.memory_space<hbm>> -> memref<25x80xi32, #tpu.memory_space<hbm>>
    %dma_start3A_18 = arith.constant 0 : i32
    %dma_start3A_19 = arith.constant 0 : i32
    %dma_start3A_20 = tpu.memref_slice %arg3[%dma_start3A_12, %add3A, %dma_start3A_13, %dma_start3A_18, %dma_start3A_19] : memref<2x32x5x25x80xi32, #tpu.memory_space<hbm>> -> memref<1x1x1x25x80xi32, #tpu.memory_space<hbm>>
    %dma_start3A_21 = tpu.memref_squeeze %dma_start3A_20 : memref<1x1x1x25x80xi32, #tpu.memory_space<hbm>> -> memref<25x80xi32, #tpu.memory_space<hbm>>
    tpu.enqueue_dma source(%dma_start3A_21 : memref<25x80xi32, #tpu.memory_space<hbm>>) target(%arg7 : memref<25x80xi32, #tpu.memory_space<vmem>>) target_semaphore(%arg19 : memref<!tpu.dma_semaphore, #tpu.memory_space<semaphore_mem>>)
    %scan3A = arith.constant 0 : i32
    %scan3A_22 = arith.constant 0 : i32
    %scan3A_23 = arith.constant 640 : i32
    %scan3A_24 = arith.addi %scan3A_22, %scan3A_23 : i32
    %scan3A_25 = arith.constant 1 : i32
    %scan3A_26 = scf.for %scan3A_741 = %scan3A_22 to %scan3A_24 step %scan3A_25 iter_args(%scan3A_742 = %scan3A) -> (i32)  : i32 {
      %jit3A = arith.constant 8 : i32
      %div3A = arith.divsi %scan3A_741, %jit3A : i32
      %sign3A = arith.constant 0 : i32
      %sign3A_743 = arith.cmpi sgt, %scan3A_741, %sign3A : i32
      %sign3A_744 = arith.extui %sign3A_743 : i1 to i32
      %sign3A_745 = arith.constant 0 : i32
      %sign3A_746 = arith.cmpi slt, %scan3A_741, %sign3A_745 : i32
      %sign3A_747 = arith.extui %sign3A_746 : i1 to i32
      %sign3A_748 = arith.subi %sign3A_744, %sign3A_747 : i32
      %sign3A_749 = arith.constant 0 : i32
      %sign3A_750 = arith.cmpi sgt, %jit3A, %sign3A_749 : i32
      %sign3A_751 = arith.extui %sign3A_750 : i1 to i32
      %sign3A_752 = arith.constant 0 : i32
      %sign3A_753 = arith.cmpi slt, %jit3A, %sign3A_752 : i32
      %sign3A_754 = arith.extui %sign3A_753 : i1 to i32
      %sign3A_755 = arith.subi %sign3A_751, %sign3A_754 : i32
      %ne3A = arith.cmpi ne, %sign3A_748, %sign3A_755 : i32
      %rem3A = arith.remsi %scan3A_741, %jit3A : i32
      %ne3A_756 = arith.constant 0 : i32
      %ne3A_757 = arith.cmpi ne, %rem3A, %ne3A_756 : i32
      %and3A = arith.andi %ne3A, %ne3A_757 : i1
      %sub3A = arith.constant 1 : i32
      %sub3A_758 = arith.subi %div3A, %sub3A : i32
      %select_n3A = arith.select %and3A, %sub3A_758, %div3A : i32
      %jit3A_759 = arith.constant 8 : i32
      %eq3A = arith.constant 0 : i32
      %eq3A_760 = arith.cmpi eq, %jit3A_759, %eq3A : i32
      %jit3A_761 = arith.constant 1 : i32
      %select_n3A_762 = arith.select %eq3A_760, %jit3A_761, %jit3A_759 : i32
      %rem3A_763 = arith.remsi %scan3A_741, %select_n3A_762 : i32
      %ne3A_764 = arith.constant 0 : i32
      %ne3A_765 = arith.cmpi ne, %rem3A_763, %ne3A_764 : i32
      %lt3A = arith.constant 0 : i32
      %lt3A_766 = arith.cmpi slt, %rem3A_763, %lt3A : i32
      %lt3A_767 = arith.constant 0 : i32
      %lt3A_768 = arith.cmpi slt, %select_n3A_762, %lt3A_767 : i32
      %ne3A_769 = arith.xori %lt3A_766, %lt3A_768 : i1
      %and3A_770 = arith.andi %ne3A_769, %ne3A_765 : i1
      %add3A_771 = arith.addi %rem3A_763, %select_n3A_762 : i32
      %select_n3A_772 = arith.select %and3A_770, %add3A_771, %rem3A_763 : i32
      %mul3A_773 = arith.constant 16 : i32
      %mul3A_774 = arith.muli %select_n3A_772, %mul3A_773 : i32
      %broadcast_in_dim3A = arith.constant 0.000000e+00 : f32
      %broadcast_in_dim3A_775 = vector.broadcast %broadcast_in_dim3A : f32 to vector<16xf32>
      %swap3A = arith.index_cast %select_n3A : i32 to index
      %swap3A_776 = arith.index_cast %mul3A_774 : i32 to index
      %swap3A_777 = tpu.vector_load %arg10[%swap3A, %swap3A_776] {strides = array<i32>} : memref<80x128xf32, #tpu.memory_space<vmem>>, vector<1x16xf32>,
      %swap3A_778 = vector.shape_cast %swap3A_777 : vector<1x16xf32> to vector<16xf32>
      %swap3A_779 = vector.shape_cast %broadcast_in_dim3A_775 : vector<16xf32> to vector<1x16xf32>
      tpu.vector_store %arg10[%swap3A, %swap3A_776], %swap3A_779 {strides = array<i32>} : memref<80x128xf32, #tpu.memory_space<vmem>>, vector<1x16xf32>,
      %scan3A_780 = arith.constant 0 : i32
      scf.yield %scan3A_780 : i32
    }
    %scan3A_27 = arith.constant 640 : i32
    %scan3A_28 = arith.constant 0 : i32
    %scan3A_29 = arith.constant 0 : i32
    %scan3A_30 = arith.constant 8 : i32
    %scan3A_31 = arith.addi %scan3A_29, %scan3A_30 : i32
    %scan3A_32 = arith.constant 1 : i32
    %scan3A_33 = scf.for %scan3A_741 = %scan3A_29 to %scan3A_31 step %scan3A_32 iter_args(%scan3A_742 = %scan3A_28) -> (i32)  : i32 {
      %mul3A_743 = arith.constant 80 : i32
      %mul3A_744 = arith.muli %scan3A_741, %mul3A_743 : i32
      %add3A_745 = arith.addi %mul3A_2, %mul3A_744 : i32
      %dma_start3A_746 = arith.constant 0 : i32
      %dma_start3A_747 = tpu.memref_slice %arg5[%add3A_745, %dma_start3A_746] : memref<10000x128xf32, #tpu.memory_space<vmem_shared>> -> memref<80x128xf32, #tpu.memory_space<vmem_shared>>
      %dma_start3A_748 = arith.constant 0 : i32
      %dma_start3A_749 = tpu.memref_slice %arg5[%add3A_745, %dma_start3A_748] : memref<10000x128xf32, #tpu.memory_space<vmem_shared>> -> memref<80x128xf32, #tpu.memory_space<vmem_shared>>
      tpu.enqueue_dma source(%arg10 : memref<80x128xf32, #tpu.memory_space<vmem>>) target(%dma_start3A_749 : memref<80x128xf32, #tpu.memory_space<vmem_shared>>) target_semaphore(%arg16 : memref<!tpu.dma_semaphore, #tpu.memory_space<semaphore_mem>>)
      %scan3A_750 = arith.constant 0 : i32
      scf.yield %scan3A_750 : i32
    }
    %scan3A_34 = arith.constant 8 : i32
    %dma_wait3A = arith.constant 0 : i32
    %dma_wait3A_35 = arith.constant 0 : i32
    %dma_wait3A_36 = arith.constant 0 : i32
    %dma_wait3A_37 = arith.constant 0 : i32
    %dma_wait3A_38 = tpu.memref_slice %arg3[%dma_wait3A, %add3A, %dma_wait3A_35, %dma_wait3A_36, %dma_wait3A_37] : memref<2x32x5x25x80xi32, #tpu.memory_space<hbm>> -> memref<1x1x1x25x80xi32, #tpu.memory_space<hbm>>
    %dma_wait3A_39 = tpu.memref_squeeze %dma_wait3A_38 : memref<1x1x1x25x80xi32, #tpu.memory_space<hbm>> -> memref<25x80xi32, #tpu.memory_space<hbm>>
    %dma_wait3A_40 = arith.constant 0 : i32
    %dma_wait3A_41 = arith.constant 0 : i32
    %dma_wait3A_42 = tpu.memref_slice %arg3[%dma_wait3A, %add3A, %dma_wait3A_35, %dma_wait3A_40, %dma_wait3A_41] : memref<2x32x5x25x80xi32, #tpu.memory_space<hbm>> -> memref<1x1x1x25x80xi32, #tpu.memory_space<hbm>>
    %dma_wait3A_43 = tpu.memref_squeeze %dma_wait3A_42 : memref<1x1x1x25x80xi32, #tpu.memory_space<hbm>> -> memref<25x80xi32, #tpu.memory_space<hbm>>
    tpu.wait_dma2 semaphore(%arg19 : memref<!tpu.dma_semaphore, #tpu.memory_space<semaphore_mem>>) src(%dma_wait3A_43 : memref<25x80xi32, #tpu.memory_space<hbm>>) dst(%arg6 : memref<25x80xi32, #tpu.memory_space<vmem>>)
    %dma_wait3A_44 = arith.constant 1 : i32
    %dma_wait3A_45 = arith.constant 0 : i32
    %dma_wait3A_46 = arith.constant 0 : i32
    %dma_wait3A_47 = arith.constant 0 : i32
    %dma_wait3A_48 = tpu.memref_slice %arg3[%dma_wait3A_44, %add3A, %dma_wait3A_45, %dma_wait3A_46, %dma_wait3A_47] : memref<2x32x5x25x80xi32, #tpu.memory_space<hbm>> -> memref<1x1x1x25x80xi32, #tpu.memory_space<hbm>>
    %dma_wait3A_49 = tpu.memref_squeeze %dma_wait3A_48 : memref<1x1x1x25x80xi32, #tpu.memory_space<hbm>> -> memref<25x80xi32, #tpu.memory_space<hbm>>
    %dma_wait3A_50 = arith.constant 0 : i32
    %dma_wait3A_51 = arith.constant 0 : i32
    %dma_wait3A_52 = tpu.memref_slice %arg3[%dma_wait3A_44, %add3A, %dma_wait3A_45, %dma_wait3A_50, %dma_wait3A_51] : memref<2x32x5x25x80xi32, #tpu.memory_space<hbm>> -> memref<1x1x1x25x80xi32, #tpu.memory_space<hbm>>
    %dma_wait3A_53 = tpu.memref_squeeze %dma_wait3A_52 : memref<1x1x1x25x80xi32, #tpu.memory_space<hbm>> -> memref<25x80xi32, #tpu.memory_space<hbm>>
    tpu.wait_dma2 semaphore(%arg19 : memref<!tpu.dma_semaphore, #tpu.memory_space<semaphore_mem>>) src(%dma_wait3A_53 : memref<25x80xi32, #tpu.memory_space<hbm>>) dst(%arg7 : memref<25x80xi32, #tpu.memory_space<vmem>>)
    %dma_start3A_54 = arith.constant 0 : i32
    %dma_start3A_55 = arith.constant 1 : i32
    %dma_start3A_56 = arith.constant 0 : i32
    %dma_start3A_57 = arith.constant 0 : i32
    %dma_start3A_58 = tpu.memref_slice %arg3[%dma_start3A_54, %add3A, %dma_start3A_55, %dma_start3A_56, %dma_start3A_57] : memref<2x32x5x25x80xi32, #tpu.memory_space<hbm>> -> memref<1x1x1x25x80xi32, #tpu.memory_space<hbm>>
    %dma_start3A_59 = tpu.memref_squeeze %dma_start3A_58 : memref<1x1x1x25x80xi32, #tpu.memory_space<hbm>> -> memref<25x80xi32, #tpu.memory_space<hbm>>
    %dma_start3A_60 = arith.constant 0 : i32
    %dma_start3A_61 = arith.constant 0 : i32
    %dma_start3A_62 = tpu.memref_slice %arg3[%dma_start3A_54, %add3A, %dma_start3A_55, %dma_start3A_60, %dma_start3A_61] : memref<2x32x5x25x80xi32, #tpu.memory_space<hbm>> -> memref<1x1x1x25x80xi32, #tpu.memory_space<hbm>>
    %dma_start3A_63 = tpu.memref_squeeze %dma_start3A_62 : memref<1x1x1x25x80xi32, #tpu.memory_space<hbm>> -> memref<25x80xi32, #tpu.memory_space<hbm>>
    tpu.enqueue_dma source(%dma_start3A_63 : memref<25x80xi32, #tpu.memory_space<hbm>>) target(%arg8 : memref<25x80xi32, #tpu.memory_space<vmem>>) target_semaphore(%arg19 : memref<!tpu.dma_semaphore, #tpu.memory_space<semaphore_mem>>)
    %dma_start3A_64 = arith.constant 1 : i32
    %dma_start3A_65 = arith.constant 1 : i32
    %dma_start3A_66 = arith.constant 0 : i32
    %dma_start3A_67 = arith.constant 0 : i32
    %dma_start3A_68 = tpu.memref_slice %arg3[%dma_start3A_64, %add3A, %dma_start3A_65, %dma_start3A_66, %dma_start3A_67] : memref<2x32x5x25x80xi32, #tpu.memory_space<hbm>> -> memref<1x1x1x25x80xi32, #tpu.memory_space<hbm>>
    %dma_start3A_69 = tpu.memref_squeeze %dma_start3A_68 : memref<1x1x1x25x80xi32, #tpu.memory_space<hbm>> -> memref<25x80xi32, #tpu.memory_space<hbm>>
    %dma_start3A_70 = arith.constant 0 : i32
    %dma_start3A_71 = arith.constant 0 : i32
    %dma_start3A_72 = tpu.memref_slice %arg3[%dma_start3A_64, %add3A, %dma_start3A_65, %dma_start3A_70, %dma_start3A_71] : memref<2x32x5x25x80xi32, #tpu.memory_space<hbm>> -> memref<1x1x1x25x80xi32, #tpu.memory_space<hbm>>
    %dma_start3A_73 = tpu.memref_squeeze %dma_start3A_72 : memref<1x1x1x25x80xi32, #tpu.memory_space<hbm>> -> memref<25x80xi32, #tpu.memory_space<hbm>>
    tpu.enqueue_dma source(%dma_start3A_73 : memref<25x80xi32, #tpu.memory_space<hbm>>) target(%arg9 : memref<25x80xi32, #tpu.memory_space<vmem>>) target_semaphore(%arg19 : memref<!tpu.dma_semaphore, #tpu.memory_space<semaphore_mem>>)
    %dma_start3A_74 = arith.constant 1 : i32
    %dma_start3A_75 = arith.constant 0 : i32
    %dma_start3A_76 = arith.constant 0 : i32
    %dma_start3A_77 = tpu.memref_slice %arg11[%dma_start3A_75, %dma_start3A_76] : memref<80x128xf32, #tpu.memory_space<vmem>> -> memref<40x128xf32, #tpu.memory_space<vmem>>
    %dma_start3A_78 = arith.constant 0 : i32
    %dma_start3A_79 = tpu.memref_slice %arg6[%dma_start3A_74, %dma_start3A_78] : memref<25x80xi32, #tpu.memory_space<vmem>> -> memref<1x40xi32, #tpu.memory_space<vmem>>
    %dma_start3A_80 = tpu.memref_squeeze %dma_start3A_79 : memref<1x40xi32, #tpu.memory_space<vmem>> -> memref<40xi32, #tpu.memory_space<vmem>>
    %dma_start3A_81 = arith.constant 0 : i32
    %dma_start3A_82 = arith.constant 0 : i32
    %dma_start3A_83 = tpu.memref_slice %arg2[%dma_start3A_81, %dma_start3A_82] : memref<10000x128xf32, #tpu.memory_space<hbm>> -> memref<10000x128xf32, #tpu.memory_space<hbm>>
    tpu.enqueue_indirect_dma source(%dma_start3A_83 : memref<10000x128xf32, #tpu.memory_space<hbm>>) target(%dma_start3A_77 : memref<40x128xf32, #tpu.memory_space<vmem>>) offsets(%dma_start3A_80 : memref<40xi32, #tpu.memory_space<vmem>>) semaphore(%arg14 : memref<!tpu.dma_semaphore, #tpu.memory_space<semaphore_mem>>)
    %dma_start3A_84 = arith.constant 1 : i32
    %dma_start3A_85 = arith.constant 40 : i32
    %dma_start3A_86 = arith.constant 0 : i32
    %dma_start3A_87 = tpu.memref_slice %arg11[%dma_start3A_85, %dma_start3A_86] : memref<80x128xf32, #tpu.memory_space<vmem>> -> memref<40x128xf32, #tpu.memory_space<vmem>>
    %dma_start3A_88 = arith.constant 40 : i32
    %dma_start3A_89 = tpu.memref_slice %arg6[%dma_start3A_84, %dma_start3A_88] : memref<25x80xi32, #tpu.memory_space<vmem>> -> memref<1x40xi32, #tpu.memory_space<vmem>>
    %dma_start3A_90 = tpu.memref_squeeze %dma_start3A_89 : memref<1x40xi32, #tpu.memory_space<vmem>> -> memref<40xi32, #tpu.memory_space<vmem>>
    %dma_start3A_91 = arith.constant 0 : i32
    %dma_start3A_92 = arith.constant 0 : i32
    %dma_start3A_93 = tpu.memref_slice %arg2[%dma_start3A_91, %dma_start3A_92] : memref<10000x128xf32, #tpu.memory_space<hbm>> -> memref<10000x128xf32, #tpu.memory_space<hbm>>
    tpu.enqueue_indirect_dma source(%dma_start3A_93 : memref<10000x128xf32, #tpu.memory_space<hbm>>) target(%dma_start3A_87 : memref<40x128xf32, #tpu.memory_space<vmem>>) offsets(%dma_start3A_90 : memref<40xi32, #tpu.memory_space<vmem>>) semaphore(%arg14 : memref<!tpu.dma_semaphore, #tpu.memory_space<semaphore_mem>>)
    %dma_start3A_94 = arith.constant 2 : i32
    %dma_start3A_95 = arith.constant 0 : i32
    %dma_start3A_96 = arith.constant 0 : i32
    %dma_start3A_97 = tpu.memref_slice %arg12[%dma_start3A_95, %dma_start3A_96] : memref<80x128xf32, #tpu.memory_space<vmem>> -> memref<40x128xf32, #tpu.memory_space<vmem>>
    %dma_start3A_98 = arith.constant 0 : i32
    %dma_start3A_99 = tpu.memref_slice %arg6[%dma_start3A_94, %dma_start3A_98] : memref<25x80xi32, #tpu.memory_space<vmem>> -> memref<1x40xi32, #tpu.memory_space<vmem>>
    %dma_start3A_100 = tpu.memref_squeeze %dma_start3A_99 : memref<1x40xi32, #tpu.memory_space<vmem>> -> memref<40xi32, #tpu.memory_space<vmem>>
    %dma_start3A_101 = arith.constant 0 : i32
    %dma_start3A_102 = arith.constant 0 : i32
    %dma_start3A_103 = tpu.memref_slice %arg2[%dma_start3A_101, %dma_start3A_102] : memref<10000x128xf32, #tpu.memory_space<hbm>> -> memref<10000x128xf32, #tpu.memory_space<hbm>>
    tpu.enqueue_indirect_dma source(%dma_start3A_103 : memref<10000x128xf32, #tpu.memory_space<hbm>>) target(%dma_start3A_97 : memref<40x128xf32, #tpu.memory_space<vmem>>) offsets(%dma_start3A_100 : memref<40xi32, #tpu.memory_space<vmem>>) semaphore(%arg15 : memref<!tpu.dma_semaphore, #tpu.memory_space<semaphore_mem>>)
    %dma_start3A_104 = arith.constant 2 : i32
    %dma_start3A_105 = arith.constant 40 : i32
    %dma_start3A_106 = arith.constant 0 : i32
    %dma_start3A_107 = tpu.memref_slice %arg12[%dma_start3A_105, %dma_start3A_106] : memref<80x128xf32, #tpu.memory_space<vmem>> -> memref<40x128xf32, #tpu.memory_space<vmem>>
    %dma_start3A_108 = arith.constant 40 : i32
    %dma_start3A_109 = tpu.memref_slice %arg6[%dma_start3A_104, %dma_start3A_108] : memref<25x80xi32, #tpu.memory_space<vmem>> -> memref<1x40xi32, #tpu.memory_space<vmem>>
    %dma_start3A_110 = tpu.memref_squeeze %dma_start3A_109 : memref<1x40xi32, #tpu.memory_space<vmem>> -> memref<40xi32, #tpu.memory_space<vmem>>
    %dma_start3A_111 = arith.constant 0 : i32
    %dma_start3A_112 = arith.constant 0 : i32
    %dma_start3A_113 = tpu.memref_slice %arg2[%dma_start3A_111, %dma_start3A_112] : memref<10000x128xf32, #tpu.memory_space<hbm>> -> memref<10000x128xf32, #tpu.memory_space<hbm>>
    tpu.enqueue_indirect_dma source(%dma_start3A_113 : memref<10000x128xf32, #tpu.memory_space<hbm>>) target(%dma_start3A_107 : memref<40x128xf32, #tpu.memory_space<vmem>>) offsets(%dma_start3A_110 : memref<40xi32, #tpu.memory_space<vmem>>) semaphore(%arg15 : memref<!tpu.dma_semaphore, #tpu.memory_space<semaphore_mem>>)
    %scan3A_114 = arith.constant 0 : i32
    %scan3A_115 = arith.constant 0 : i32
    %scan3A_116 = arith.constant 8 : i32
    %scan3A_117 = arith.addi %scan3A_115, %scan3A_116 : i32
    %scan3A_118 = arith.constant 1 : i32
    %scan3A_119 = scf.for %scan3A_741 = %scan3A_115 to %scan3A_117 step %scan3A_118 iter_args(%scan3A_742 = %scan3A_114) -> (i32)  : i32 {
      %dma_wait3A_743 = arith.constant 0 : i32
      %dma_wait3A_744 = tpu.memref_slice %arg5[%mul3A_2, %dma_wait3A_743] : memref<10000x128xf32, #tpu.memory_space<vmem_shared>> -> memref<80x128xf32, #tpu.memory_space<vmem_shared>>
      %dma_wait3A_745 = arith.constant 0 : i32
      %dma_wait3A_746 = tpu.memref_slice %arg5[%mul3A_2, %dma_wait3A_745] : memref<10000x128xf32, #tpu.memory_space<vmem_shared>> -> memref<80x128xf32, #tpu.memory_space<vmem_shared>>
      tpu.wait_dma2 semaphore(%arg16 : memref<!tpu.dma_semaphore, #tpu.memory_space<semaphore_mem>>) src(%arg10 : memref<80x128xf32, #tpu.memory_space<vmem>>) dst(%dma_wait3A_746 : memref<80x128xf32, #tpu.memory_space<vmem_shared>>)
      %scan3A_747 = arith.constant 0 : i32
      scf.yield %scan3A_747 : i32
    }
    %scan3A_120 = arith.constant 8 : i32
    %barrier3A = arith.constant 0 : index
    tpu.barrier barrier_id(%barrier3A)
    %dma_start3A_121 = arith.constant 0 : i32
    %dma_start3A_122 = arith.constant 0 : i32
    %dma_start3A_123 = arith.constant 0 : i32
    %dma_start3A_124 = tpu.memref_slice %arg10[%dma_start3A_122, %dma_start3A_123] : memref<80x128xf32, #tpu.memory_space<vmem>> -> memref<40x128xf32, #tpu.memory_space<vmem>>
    %dma_start3A_125 = arith.constant 0 : i32
    %dma_start3A_126 = tpu.memref_slice %arg6[%dma_start3A_121, %dma_start3A_125] : memref<25x80xi32, #tpu.memory_space<vmem>> -> memref<1x40xi32, #tpu.memory_space<vmem>>
    %dma_start3A_127 = tpu.memref_squeeze %dma_start3A_126 : memref<1x40xi32, #tpu.memory_space<vmem>> -> memref<40xi32, #tpu.memory_space<vmem>>
    %dma_start3A_128 = arith.constant 0 : i32
    %dma_start3A_129 = arith.constant 0 : i32
    %dma_start3A_130 = tpu.memref_slice %arg2[%dma_start3A_128, %dma_start3A_129] : memref<10000x128xf32, #tpu.memory_space<hbm>> -> memref<10000x128xf32, #tpu.memory_space<hbm>>
    tpu.enqueue_indirect_dma source(%dma_start3A_130 : memref<10000x128xf32, #tpu.memory_space<hbm>>) target(%dma_start3A_124 : memref<40x128xf32, #tpu.memory_space<vmem>>) offsets(%dma_start3A_127 : memref<40xi32, #tpu.memory_space<vmem>>) semaphore(%arg13 : memref<!tpu.dma_semaphore, #tpu.memory_space<semaphore_mem>>)
    %dma_start3A_131 = arith.constant 0 : i32
    %dma_start3A_132 = arith.constant 40 : i32
    %dma_start3A_133 = arith.constant 0 : i32
    %dma_start3A_134 = tpu.memref_slice %arg10[%dma_start3A_132, %dma_start3A_133] : memref<80x128xf32, #tpu.memory_space<vmem>> -> memref<40x128xf32, #tpu.memory_space<vmem>>
    %dma_start3A_135 = arith.constant 40 : i32
    %dma_start3A_136 = tpu.memref_slice %arg6[%dma_start3A_131, %dma_start3A_135] : memref<25x80xi32, #tpu.memory_space<vmem>> -> memref<1x40xi32, #tpu.memory_space<vmem>>
    %dma_start3A_137 = tpu.memref_squeeze %dma_start3A_136 : memref<1x40xi32, #tpu.memory_space<vmem>> -> memref<40xi32, #tpu.memory_space<vmem>>
    %dma_start3A_138 = arith.constant 0 : i32
    %dma_start3A_139 = arith.constant 0 : i32
    %dma_start3A_140 = tpu.memref_slice %arg2[%dma_start3A_138, %dma_start3A_139] : memref<10000x128xf32, #tpu.memory_space<hbm>> -> memref<10000x128xf32, #tpu.memory_space<hbm>>
    tpu.enqueue_indirect_dma source(%dma_start3A_140 : memref<10000x128xf32, #tpu.memory_space<hbm>>) target(%dma_start3A_134 : memref<40x128xf32, #tpu.memory_space<vmem>>) offsets(%dma_start3A_137 : memref<40xi32, #tpu.memory_space<vmem>>) semaphore(%arg13 : memref<!tpu.dma_semaphore, #tpu.memory_space<semaphore_mem>>)
    %dma_wait3A_141 = arith.constant 0 : i32
    %dma_wait3A_142 = arith.constant 0 : i32
    %dma_wait3A_143 = arith.constant 0 : i32
    %dma_wait3A_144 = tpu.memref_slice %arg10[%dma_wait3A_142, %dma_wait3A_143] : memref<80x128xf32, #tpu.memory_space<vmem>> -> memref<40x128xf32, #tpu.memory_space<vmem>>
    %dma_wait3A_145 = arith.constant 0 : i32
    %dma_wait3A_146 = tpu.memref_slice %arg6[%dma_wait3A_141, %dma_wait3A_145] : memref<25x80xi32, #tpu.memory_space<vmem>> -> memref<1x40xi32, #tpu.memory_space<vmem>>
    %dma_wait3A_147 = tpu.memref_squeeze %dma_wait3A_146 : memref<1x40xi32, #tpu.memory_space<vmem>> -> memref<40xi32, #tpu.memory_space<vmem>>
    %dma_wait3A_148 = arith.constant 0 : i32
    %dma_wait3A_149 = arith.constant 0 : i32
    %dma_wait3A_150 = tpu.memref_slice %arg2[%dma_wait3A_148, %dma_wait3A_149] : memref<10000x128xf32, #tpu.memory_space<hbm>> -> memref<10000x128xf32, #tpu.memory_space<hbm>>
    tpu.wait_indirect_dma semaphore(%arg13 : memref<!tpu.dma_semaphore, #tpu.memory_space<semaphore_mem>>) src(%dma_wait3A_150 : memref<10000x128xf32, #tpu.memory_space<hbm>>) dst(%dma_wait3A_144 : memref<40x128xf32, #tpu.memory_space<vmem>>)
    %dma_wait3A_151 = arith.constant 0 : i32
    %dma_wait3A_152 = arith.constant 40 : i32
    %dma_wait3A_153 = arith.constant 0 : i32
    %dma_wait3A_154 = tpu.memref_slice %arg10[%dma_wait3A_152, %dma_wait3A_153] : memref<80x128xf32, #tpu.memory_space<vmem>> -> memref<40x128xf32, #tpu.memory_space<vmem>>
    %dma_wait3A_155 = arith.constant 40 : i32
    %dma_wait3A_156 = tpu.memref_slice %arg6[%dma_wait3A_151, %dma_wait3A_155] : memref<25x80xi32, #tpu.memory_space<vmem>> -> memref<1x40xi32, #tpu.memory_space<vmem>>
    %dma_wait3A_157 = tpu.memref_squeeze %dma_wait3A_156 : memref<1x40xi32, #tpu.memory_space<vmem>> -> memref<40xi32, #tpu.memory_space<vmem>>
    %dma_wait3A_158 = arith.constant 0 : i32
    %dma_wait3A_159 = arith.constant 0 : i32
    %dma_wait3A_160 = tpu.memref_slice %arg2[%dma_wait3A_158, %dma_wait3A_159] : memref<10000x128xf32, #tpu.memory_space<hbm>> -> memref<10000x128xf32, #tpu.memory_space<hbm>>
    tpu.wait_indirect_dma semaphore(%arg13 : memref<!tpu.dma_semaphore, #tpu.memory_space<semaphore_mem>>) src(%dma_wait3A_160 : memref<10000x128xf32, #tpu.memory_space<hbm>>) dst(%dma_wait3A_154 : memref<40x128xf32, #tpu.memory_space<vmem>>)
    %dma_start3A_161 = arith.constant 0 : i32
    %dma_start3A_162 = arith.constant 0 : i32
    %dma_start3A_163 = tpu.memref_slice %arg7[%dma_start3A_161, %dma_start3A_162] : memref<25x80xi32, #tpu.memory_space<vmem>> -> memref<1x80xi32, #tpu.memory_space<vmem>>
    %dma_start3A_164 = tpu.memref_squeeze %dma_start3A_163 : memref<1x80xi32, #tpu.memory_space<vmem>> -> memref<80xi32, #tpu.memory_space<vmem>>
    %dma_start3A_165 = arith.constant 0 : i32
    %dma_start3A_166 = arith.constant 0 : i32
    %dma_start3A_167 = tpu.memref_slice %arg5[%dma_start3A_165, %dma_start3A_166] : memref<10000x128xf32, #tpu.memory_space<vmem_shared>> -> memref<10000x128xf32, #tpu.memory_space<vmem_shared>>
    tpu.enqueue_indirect_dma source(%arg10 : memref<80x128xf32, #tpu.memory_space<vmem>>) target(%dma_start3A_167 : memref<10000x128xf32, #tpu.memory_space<vmem_shared>>) offsets(%dma_start3A_164 : memref<80xi32, #tpu.memory_space<vmem>>) semaphore(%arg16 : memref<!tpu.dma_semaphore, #tpu.memory_space<semaphore_mem>>) {add = true}
    %scan3A_168 = arith.constant 0 : i32
    %scan3A_169 = arith.constant 0 : i32
    %scan3A_170 = arith.constant 8 : i32
    %scan3A_171 = arith.addi %scan3A_169, %scan3A_170 : i32
    %scan3A_172 = arith.constant 1 : i32
    %scan3A_173 = scf.for %scan3A_741 = %scan3A_169 to %scan3A_171 step %scan3A_172 iter_args(%scan3A_742 = %scan3A_168) -> (i32)  : i32 {
      %mul3A_743 = arith.constant 3 : i32
      %mul3A_744 = arith.muli %mul3A_743, %scan3A_741 : i32
      %add3A_745 = arith.constant 1 : i32
      %add3A_746 = arith.addi %mul3A_744, %add3A_745 : i32
      %add3A_747 = arith.constant 0 : i32
      %add3A_748 = arith.addi %add3A_746, %add3A_747 : i32
      %dma_wait3A_749 = arith.constant 0 : i32
      %dma_wait3A_750 = arith.constant 0 : i32
      %dma_wait3A_751 = tpu.memref_slice %arg7[%dma_wait3A_749, %dma_wait3A_750] : memref<25x80xi32, #tpu.memory_space<vmem>> -> memref<1x80xi32, #tpu.memory_space<vmem>>
      %dma_wait3A_752 = tpu.memref_squeeze %dma_wait3A_751 : memref<1x80xi32, #tpu.memory_space<vmem>> -> memref<80xi32, #tpu.memory_space<vmem>>
      %dma_wait3A_753 = arith.constant 0 : i32
      %dma_wait3A_754 = arith.constant 0 : i32
      %dma_wait3A_755 = tpu.memref_slice %arg5[%dma_wait3A_753, %dma_wait3A_754] : memref<10000x128xf32, #tpu.memory_space<vmem_shared>> -> memref<10000x128xf32, #tpu.memory_space<vmem_shared>>
      tpu.wait_indirect_dma semaphore(%arg16 : memref<!tpu.dma_semaphore, #tpu.memory_space<semaphore_mem>>) src(%arg10 : memref<80x128xf32, #tpu.memory_space<vmem>>) dst(%dma_wait3A_755 : memref<10000x128xf32, #tpu.memory_space<vmem_shared>>)
      %add3A_756 = arith.constant 2 : i32
      %add3A_757 = arith.addi %add3A_748, %add3A_756 : i32
      %le3A = arith.constant 24 : i32
      %le3A_758 = arith.cmpi sle, %add3A_757, %le3A : i32
      %convert_element_type3A = arith.extui %le3A_758 : i1 to i32
      %cond3A = arith.constant 0 : i32
      %cond3A_759 = arith.cmpi ne, %convert_element_type3A, %cond3A : i32
      scf.if %cond3A_759 {
        %add3A_879 = arith.constant 2 : i32
        %add3A_880 = arith.addi %add3A_748, %add3A_879 : i32
        %dma_start3A_881 = arith.constant 0 : i32
        %dma_start3A_882 = arith.constant 0 : i32
        %dma_start3A_883 = tpu.memref_slice %arg10[%dma_start3A_881, %dma_start3A_882] : memref<80x128xf32, #tpu.memory_space<vmem>> -> memref<40x128xf32, #tpu.memory_space<vmem>>
        %dma_start3A_884 = arith.constant 0 : i32
        %dma_start3A_885 = tpu.memref_slice %arg6[%add3A_880, %dma_start3A_884] : memref<25x80xi32, #tpu.memory_space<vmem>> -> memref<1x40xi32, #tpu.memory_space<vmem>>
        %dma_start3A_886 = tpu.memref_squeeze %dma_start3A_885 : memref<1x40xi32, #tpu.memory_space<vmem>> -> memref<40xi32, #tpu.memory_space<vmem>>
        %dma_start3A_887 = arith.constant 0 : i32
        %dma_start3A_888 = arith.constant 0 : i32
        %dma_start3A_889 = tpu.memref_slice %arg2[%dma_start3A_887, %dma_start3A_888] : memref<10000x128xf32, #tpu.memory_space<hbm>> -> memref<10000x128xf32, #tpu.memory_space<hbm>>
        tpu.enqueue_indirect_dma source(%dma_start3A_889 : memref<10000x128xf32, #tpu.memory_space<hbm>>) target(%dma_start3A_883 : memref<40x128xf32, #tpu.memory_space<vmem>>) offsets(%dma_start3A_886 : memref<40xi32, #tpu.memory_space<vmem>>) semaphore(%arg13 : memref<!tpu.dma_semaphore, #tpu.memory_space<semaphore_mem>>)
        %dma_start3A_890 = arith.constant 40 : i32
        %dma_start3A_891 = arith.constant 0 : i32
        %dma_start3A_892 = tpu.memref_slice %arg10[%dma_start3A_890, %dma_start3A_891] : memref<80x128xf32, #tpu.memory_space<vmem>> -> memref<40x128xf32, #tpu.memory_space<vmem>>
        %dma_start3A_893 = arith.constant 40 : i32
        %dma_start3A_894 = tpu.memref_slice %arg6[%add3A_880, %dma_start3A_893] : memref<25x80xi32, #tpu.memory_space<vmem>> -> memref<1x40xi32, #tpu.memory_space<vmem>>
        %dma_start3A_895 = tpu.memref_squeeze %dma_start3A_894 : memref<1x40xi32, #tpu.memory_space<vmem>> -> memref<40xi32, #tpu.memory_space<vmem>>
        %dma_start3A_896 = arith.constant 0 : i32
        %dma_start3A_897 = arith.constant 0 : i32
        %dma_start3A_898 = tpu.memref_slice %arg2[%dma_start3A_896, %dma_start3A_897] : memref<10000x128xf32, #tpu.memory_space<hbm>> -> memref<10000x128xf32, #tpu.memory_space<hbm>>
        tpu.enqueue_indirect_dma source(%dma_start3A_898 : memref<10000x128xf32, #tpu.memory_space<hbm>>) target(%dma_start3A_892 : memref<40x128xf32, #tpu.memory_space<vmem>>) offsets(%dma_start3A_895 : memref<40xi32, #tpu.memory_space<vmem>>) semaphore(%arg13 : memref<!tpu.dma_semaphore, #tpu.memory_space<semaphore_mem>>)
      } else {
      }
      %dma_wait3A_760 = arith.constant 0 : i32
      %dma_wait3A_761 = arith.constant 0 : i32
      %dma_wait3A_762 = arith.constant 0 : i32
      %dma_wait3A_763 = tpu.memref_slice %arg11[%dma_wait3A_761, %dma_wait3A_762] : memref<80x128xf32, #tpu.memory_space<vmem>> -> memref<40x128xf32, #tpu.memory_space<vmem>>
      %dma_wait3A_764 = arith.constant 0 : i32
      %dma_wait3A_765 = tpu.memref_slice %arg6[%dma_wait3A_760, %dma_wait3A_764] : memref<25x80xi32, #tpu.memory_space<vmem>> -> memref<1x40xi32, #tpu.memory_space<vmem>>
      %dma_wait3A_766 = tpu.memref_squeeze %dma_wait3A_765 : memref<1x40xi32, #tpu.memory_space<vmem>> -> memref<40xi32, #tpu.memory_space<vmem>>
      %dma_wait3A_767 = arith.constant 0 : i32
      %dma_wait3A_768 = arith.constant 0 : i32
      %dma_wait3A_769 = tpu.memref_slice %arg2[%dma_wait3A_767, %dma_wait3A_768] : memref<10000x128xf32, #tpu.memory_space<hbm>> -> memref<10000x128xf32, #tpu.memory_space<hbm>>
      tpu.wait_indirect_dma semaphore(%arg14 : memref<!tpu.dma_semaphore, #tpu.memory_space<semaphore_mem>>) src(%dma_wait3A_769 : memref<10000x128xf32, #tpu.memory_space<hbm>>) dst(%dma_wait3A_763 : memref<40x128xf32, #tpu.memory_space<vmem>>)
      %dma_wait3A_770 = arith.constant 0 : i32
      %dma_wait3A_771 = arith.constant 40 : i32
      %dma_wait3A_772 = arith.constant 0 : i32
      %dma_wait3A_773 = tpu.memref_slice %arg11[%dma_wait3A_771, %dma_wait3A_772] : memref<80x128xf32, #tpu.memory_space<vmem>> -> memref<40x128xf32, #tpu.memory_space<vmem>>
      %dma_wait3A_774 = arith.constant 40 : i32
      %dma_wait3A_775 = tpu.memref_slice %arg6[%dma_wait3A_770, %dma_wait3A_774] : memref<25x80xi32, #tpu.memory_space<vmem>> -> memref<1x40xi32, #tpu.memory_space<vmem>>
      %dma_wait3A_776 = tpu.memref_squeeze %dma_wait3A_775 : memref<1x40xi32, #tpu.memory_space<vmem>> -> memref<40xi32, #tpu.memory_space<vmem>>
      %dma_wait3A_777 = arith.constant 0 : i32
      %dma_wait3A_778 = arith.constant 0 : i32
      %dma_wait3A_779 = tpu.memref_slice %arg2[%dma_wait3A_777, %dma_wait3A_778] : memref<10000x128xf32, #tpu.memory_space<hbm>> -> memref<10000x128xf32, #tpu.memory_space<hbm>>
      tpu.wait_indirect_dma semaphore(%arg14 : memref<!tpu.dma_semaphore, #tpu.memory_space<semaphore_mem>>) src(%dma_wait3A_779 : memref<10000x128xf32, #tpu.memory_space<hbm>>) dst(%dma_wait3A_773 : memref<40x128xf32, #tpu.memory_space<vmem>>)
      %dma_start3A_780 = arith.constant 0 : i32
      %dma_start3A_781 = tpu.memref_slice %arg7[%add3A_748, %dma_start3A_780] : memref<25x80xi32, #tpu.memory_space<vmem>> -> memref<1x80xi32, #tpu.memory_space<vmem>>
      %dma_start3A_782 = tpu.memref_squeeze %dma_start3A_781 : memref<1x80xi32, #tpu.memory_space<vmem>> -> memref<80xi32, #tpu.memory_space<vmem>>
      %dma_start3A_783 = arith.constant 0 : i32
      %dma_start3A_784 = arith.constant 0 : i32
      %dma_start3A_785 = tpu.memref_slice %arg5[%dma_start3A_783, %dma_start3A_784] : memref<10000x128xf32, #tpu.memory_space<vmem_shared>> -> memref<10000x128xf32, #tpu.memory_space<vmem_shared>>
      tpu.enqueue_indirect_dma source(%arg11 : memref<80x128xf32, #tpu.memory_space<vmem>>) target(%dma_start3A_785 : memref<10000x128xf32, #tpu.memory_space<vmem_shared>>) offsets(%dma_start3A_782 : memref<80xi32, #tpu.memory_space<vmem>>) semaphore(%arg17 : memref<!tpu.dma_semaphore, #tpu.memory_space<semaphore_mem>>) {add = true}
      %mul3A_786 = arith.constant 3 : i32
      %mul3A_787 = arith.muli %mul3A_786, %scan3A_741 : i32
      %add3A_788 = arith.constant 1 : i32
      %add3A_789 = arith.addi %mul3A_787, %add3A_788 : i32
      %add3A_790 = arith.constant 1 : i32
      %add3A_791 = arith.addi %add3A_789, %add3A_790 : i32
      %dma_wait3A_792 = arith.constant 0 : i32
      %dma_wait3A_793 = arith.constant 0 : i32
      %dma_wait3A_794 = tpu.memref_slice %arg7[%dma_wait3A_792, %dma_wait3A_793] : memref<25x80xi32, #tpu.memory_space<vmem>> -> memref<1x80xi32, #tpu.memory_space<vmem>>
      %dma_wait3A_795 = tpu.memref_squeeze %dma_wait3A_794 : memref<1x80xi32, #tpu.memory_space<vmem>> -> memref<80xi32, #tpu.memory_space<vmem>>
      %dma_wait3A_796 = arith.constant 0 : i32
      %dma_wait3A_797 = arith.constant 0 : i32
      %dma_wait3A_798 = tpu.memref_slice %arg5[%dma_wait3A_796, %dma_wait3A_797] : memref<10000x128xf32, #tpu.memory_space<vmem_shared>> -> memref<10000x128xf32, #tpu.memory_space<vmem_shared>>
      tpu.wait_indirect_dma semaphore(%arg17 : memref<!tpu.dma_semaphore, #tpu.memory_space<semaphore_mem>>) src(%arg11 : memref<80x128xf32, #tpu.memory_space<vmem>>) dst(%dma_wait3A_798 : memref<10000x128xf32, #tpu.memory_space<vmem_shared>>)
      %add3A_799 = arith.constant 2 : i32
      %add3A_800 = arith.addi %add3A_791, %add3A_799 : i32
      %le3A_801 = arith.constant 24 : i32
      %le3A_802 = arith.cmpi sle, %add3A_800, %le3A_801 : i32
      %convert_element_type3A_803 = arith.extui %le3A_802 : i1 to i32
      %cond3A_804 = arith.constant 0 : i32
      %cond3A_805 = arith.cmpi ne, %convert_element_type3A_803, %cond3A_804 : i32
      scf.if %cond3A_805 {
        %add3A_879 = arith.constant 2 : i32
        %add3A_880 = arith.addi %add3A_791, %add3A_879 : i32
        %dma_start3A_881 = arith.constant 0 : i32
        %dma_start3A_882 = arith.constant 0 : i32
        %dma_start3A_883 = tpu.memref_slice %arg11[%dma_start3A_881, %dma_start3A_882] : memref<80x128xf32, #tpu.memory_space<vmem>> -> memref<40x128xf32, #tpu.memory_space<vmem>>
        %dma_start3A_884 = arith.constant 0 : i32
        %dma_start3A_885 = tpu.memref_slice %arg6[%add3A_880, %dma_start3A_884] : memref<25x80xi32, #tpu.memory_space<vmem>> -> memref<1x40xi32, #tpu.memory_space<vmem>>
        %dma_start3A_886 = tpu.memref_squeeze %dma_start3A_885 : memref<1x40xi32, #tpu.memory_space<vmem>> -> memref<40xi32, #tpu.memory_space<vmem>>
        %dma_start3A_887 = arith.constant 0 : i32
        %dma_start3A_888 = arith.constant 0 : i32
        %dma_start3A_889 = tpu.memref_slice %arg2[%dma_start3A_887, %dma_start3A_888] : memref<10000x128xf32, #tpu.memory_space<hbm>> -> memref<10000x128xf32, #tpu.memory_space<hbm>>
        tpu.enqueue_indirect_dma source(%dma_start3A_889 : memref<10000x128xf32, #tpu.memory_space<hbm>>) target(%dma_start3A_883 : memref<40x128xf32, #tpu.memory_space<vmem>>) offsets(%dma_start3A_886 : memref<40xi32, #tpu.memory_space<vmem>>) semaphore(%arg14 : memref<!tpu.dma_semaphore, #tpu.memory_space<semaphore_mem>>)
        %dma_start3A_890 = arith.constant 40 : i32
        %dma_start3A_891 = arith.constant 0 : i32
        %dma_start3A_892 = tpu.memref_slice %arg11[%dma_start3A_890, %dma_start3A_891] : memref<80x128xf32, #tpu.memory_space<vmem>> -> memref<40x128xf32, #tpu.memory_space<vmem>>
        %dma_start3A_893 = arith.constant 40 : i32
        %dma_start3A_894 = tpu.memref_slice %arg6[%add3A_880, %dma_start3A_893] : memref<25x80xi32, #tpu.memory_space<vmem>> -> memref<1x40xi32, #tpu.memory_space<vmem>>
        %dma_start3A_895 = tpu.memref_squeeze %dma_start3A_894 : memref<1x40xi32, #tpu.memory_space<vmem>> -> memref<40xi32, #tpu.memory_space<vmem>>
        %dma_start3A_896 = arith.constant 0 : i32
        %dma_start3A_897 = arith.constant 0 : i32
        %dma_start3A_898 = tpu.memref_slice %arg2[%dma_start3A_896, %dma_start3A_897] : memref<10000x128xf32, #tpu.memory_space<hbm>> -> memref<10000x128xf32, #tpu.memory_space<hbm>>
        tpu.enqueue_indirect_dma source(%dma_start3A_898 : memref<10000x128xf32, #tpu.memory_space<hbm>>) target(%dma_start3A_892 : memref<40x128xf32, #tpu.memory_space<vmem>>) offsets(%dma_start3A_895 : memref<40xi32, #tpu.memory_space<vmem>>) semaphore(%arg14 : memref<!tpu.dma_semaphore, #tpu.memory_space<semaphore_mem>>)
      } else {
      }
      %dma_wait3A_806 = arith.constant 0 : i32
      %dma_wait3A_807 = arith.constant 0 : i32
      %dma_wait3A_808 = arith.constant 0 : i32
      %dma_wait3A_809 = tpu.memref_slice %arg12[%dma_wait3A_807, %dma_wait3A_808] : memref<80x128xf32, #tpu.memory_space<vmem>> -> memref<40x128xf32, #tpu.memory_space<vmem>>
      %dma_wait3A_810 = arith.constant 0 : i32
      %dma_wait3A_811 = tpu.memref_slice %arg6[%dma_wait3A_806, %dma_wait3A_810] : memref<25x80xi32, #tpu.memory_space<vmem>> -> memref<1x40xi32, #tpu.memory_space<vmem>>
      %dma_wait3A_812 = tpu.memref_squeeze %dma_wait3A_811 : memref<1x40xi32, #tpu.memory_space<vmem>> -> memref<40xi32, #tpu.memory_space<vmem>>
      %dma_wait3A_813 = arith.constant 0 : i32
      %dma_wait3A_814 = arith.constant 0 : i32
      %dma_wait3A_815 = tpu.memref_slice %arg2[%dma_wait3A_813, %dma_wait3A_814] : memref<10000x128xf32, #tpu.memory_space<hbm>> -> memref<10000x128xf32, #tpu.memory_space<hbm>>
      tpu.wait_indirect_dma semaphore(%arg15 : memref<!tpu.dma_semaphore, #tpu.memory_space<semaphore_mem>>) src(%dma_wait3A_815 : memref<10000x128xf32, #tpu.memory_space<hbm>>) dst(%dma_wait3A_809 : memref<40x128xf32, #tpu.memory_space<vmem>>)
      %dma_wait3A_816 = arith.constant 0 : i32
      %dma_wait3A_817 = arith.constant 40 : i32
      %dma_wait3A_818 = arith.constant 0 : i32
      %dma_wait3A_819 = tpu.memref_slice %arg12[%dma_wait3A_817, %dma_wait3A_818] : memref<80x128xf32, #tpu.memory_space<vmem>> -> memref<40x128xf32, #tpu.memory_space<vmem>>
      %dma_wait3A_820 = arith.constant 40 : i32
      %dma_wait3A_821 = tpu.memref_slice %arg6[%dma_wait3A_816, %dma_wait3A_820] : memref<25x80xi32, #tpu.memory_space<vmem>> -> memref<1x40xi32, #tpu.memory_space<vmem>>
      %dma_wait3A_822 = tpu.memref_squeeze %dma_wait3A_821 : memref<1x40xi32, #tpu.memory_space<vmem>> -> memref<40xi32, #tpu.memory_space<vmem>>
      %dma_wait3A_823 = arith.constant 0 : i32
      %dma_wait3A_824 = arith.constant 0 : i32
      %dma_wait3A_825 = tpu.memref_slice %arg2[%dma_wait3A_823, %dma_wait3A_824] : memref<10000x128xf32, #tpu.memory_space<hbm>> -> memref<10000x128xf32, #tpu.memory_space<hbm>>
      tpu.wait_indirect_dma semaphore(%arg15 : memref<!tpu.dma_semaphore, #tpu.memory_space<semaphore_mem>>) src(%dma_wait3A_825 : memref<10000x128xf32, #tpu.memory_space<hbm>>) dst(%dma_wait3A_819 : memref<40x128xf32, #tpu.memory_space<vmem>>)
      %dma_start3A_826 = arith.constant 0 : i32
      %dma_start3A_827 = tpu.memref_slice %arg7[%add3A_791, %dma_start3A_826] : memref<25x80xi32, #tpu.memory_space<vmem>> -> memref<1x80xi32, #tpu.memory_space<vmem>>
      %dma_start3A_828 = tpu.memref_squeeze %dma_start3A_827 : memref<1x80xi32, #tpu.memory_space<vmem>> -> memref<80xi32, #tpu.memory_space<vmem>>
      %dma_start3A_829 = arith.constant 0 : i32
      %dma_start3A_830 = arith.constant 0 : i32
      %dma_start3A_831 = tpu.memref_slice %arg5[%dma_start3A_829, %dma_start3A_830] : memref<10000x128xf32, #tpu.memory_space<vmem_shared>> -> memref<10000x128xf32, #tpu.memory_space<vmem_shared>>
      tpu.enqueue_indirect_dma source(%arg12 : memref<80x128xf32, #tpu.memory_space<vmem>>) target(%dma_start3A_831 : memref<10000x128xf32, #tpu.memory_space<vmem_shared>>) offsets(%dma_start3A_828 : memref<80xi32, #tpu.memory_space<vmem>>) semaphore(%arg18 : memref<!tpu.dma_semaphore, #tpu.memory_space<semaphore_mem>>) {add = true}
      %mul3A_832 = arith.constant 3 : i32
      %mul3A_833 = arith.muli %mul3A_832, %scan3A_741 : i32
      %add3A_834 = arith.constant 1 : i32
      %add3A_835 = arith.addi %mul3A_833, %add3A_834 : i32
      %add3A_836 = arith.constant 2 : i32
      %add3A_837 = arith.addi %add3A_835, %add3A_836 : i32
      %dma_wait3A_838 = arith.constant 0 : i32
      %dma_wait3A_839 = arith.constant 0 : i32
      %dma_wait3A_840 = tpu.memref_slice %arg7[%dma_wait3A_838, %dma_wait3A_839] : memref<25x80xi32, #tpu.memory_space<vmem>> -> memref<1x80xi32, #tpu.memory_space<vmem>>
      %dma_wait3A_841 = tpu.memref_squeeze %dma_wait3A_840 : memref<1x80xi32, #tpu.memory_space<vmem>> -> memref<80xi32, #tpu.memory_space<vmem>>
      %dma_wait3A_842 = arith.constant 0 : i32
      %dma_wait3A_843 = arith.constant 0 : i32
      %dma_wait3A_844 = tpu.memref_slice %arg5[%dma_wait3A_842, %dma_wait3A_843] : memref<10000x128xf32, #tpu.memory_space<vmem_shared>> -> memref<10000x128xf32, #tpu.memory_space<vmem_shared>>
      tpu.wait_indirect_dma semaphore(%arg18 : memref<!tpu.dma_semaphore, #tpu.memory_space<semaphore_mem>>) src(%arg12 : memref<80x128xf32, #tpu.memory_space<vmem>>) dst(%dma_wait3A_844 : memref<10000x128xf32, #tpu.memory_space<vmem_shared>>)
      %add3A_845 = arith.constant 2 : i32
      %add3A_846 = arith.addi %add3A_837, %add3A_845 : i32
      %le3A_847 = arith.constant 24 : i32
      %le3A_848 = arith.cmpi sle, %add3A_846, %le3A_847 : i32
      %convert_element_type3A_849 = arith.extui %le3A_848 : i1 to i32
      %cond3A_850 = arith.constant 0 : i32
      %cond3A_851 = arith.cmpi ne, %convert_element_type3A_849, %cond3A_850 : i32
      scf.if %cond3A_851 {
        %add3A_879 = arith.constant 2 : i32
        %add3A_880 = arith.addi %add3A_837, %add3A_879 : i32
        %dma_start3A_881 = arith.constant 0 : i32
        %dma_start3A_882 = arith.constant 0 : i32
        %dma_start3A_883 = tpu.memref_slice %arg12[%dma_start3A_881, %dma_start3A_882] : memref<80x128xf32, #tpu.memory_space<vmem>> -> memref<40x128xf32, #tpu.memory_space<vmem>>
        %dma_start3A_884 = arith.constant 0 : i32
        %dma_start3A_885 = tpu.memref_slice %arg6[%add3A_880, %dma_start3A_884] : memref<25x80xi32, #tpu.memory_space<vmem>> -> memref<1x40xi32, #tpu.memory_space<vmem>>
        %dma_start3A_886 = tpu.memref_squeeze %dma_start3A_885 : memref<1x40xi32, #tpu.memory_space<vmem>> -> memref<40xi32, #tpu.memory_space<vmem>>
        %dma_start3A_887 = arith.constant 0 : i32
        %dma_start3A_888 = arith.constant 0 : i32
        %dma_start3A_889 = tpu.memref_slice %arg2[%dma_start3A_887, %dma_start3A_888] : memref<10000x128xf32, #tpu.memory_space<hbm>> -> memref<10000x128xf32, #tpu.memory_space<hbm>>
        tpu.enqueue_indirect_dma source(%dma_start3A_889 : memref<10000x128xf32, #tpu.memory_space<hbm>>) target(%dma_start3A_883 : memref<40x128xf32, #tpu.memory_space<vmem>>) offsets(%dma_start3A_886 : memref<40xi32, #tpu.memory_space<vmem>>) semaphore(%arg15 : memref<!tpu.dma_semaphore, #tpu.memory_space<semaphore_mem>>)
        %dma_start3A_890 = arith.constant 40 : i32
        %dma_start3A_891 = arith.constant 0 : i32
        %dma_start3A_892 = tpu.memref_slice %arg12[%dma_start3A_890, %dma_start3A_891] : memref<80x128xf32, #tpu.memory_space<vmem>> -> memref<40x128xf32, #tpu.memory_space<vmem>>
        %dma_start3A_893 = arith.constant 40 : i32
        %dma_start3A_894 = tpu.memref_slice %arg6[%add3A_880, %dma_start3A_893] : memref<25x80xi32, #tpu.memory_space<vmem>> -> memref<1x40xi32, #tpu.memory_space<vmem>>
        %dma_start3A_895 = tpu.memref_squeeze %dma_start3A_894 : memref<1x40xi32, #tpu.memory_space<vmem>> -> memref<40xi32, #tpu.memory_space<vmem>>
        %dma_start3A_896 = arith.constant 0 : i32
        %dma_start3A_897 = arith.constant 0 : i32
        %dma_start3A_898 = tpu.memref_slice %arg2[%dma_start3A_896, %dma_start3A_897] : memref<10000x128xf32, #tpu.memory_space<hbm>> -> memref<10000x128xf32, #tpu.memory_space<hbm>>
        tpu.enqueue_indirect_dma source(%dma_start3A_898 : memref<10000x128xf32, #tpu.memory_space<hbm>>) target(%dma_start3A_892 : memref<40x128xf32, #tpu.memory_space<vmem>>) offsets(%dma_start3A_895 : memref<40xi32, #tpu.memory_space<vmem>>) semaphore(%arg15 : memref<!tpu.dma_semaphore, #tpu.memory_space<semaphore_mem>>)
      } else {
      }
      %dma_wait3A_852 = arith.constant 0 : i32
      %dma_wait3A_853 = arith.constant 0 : i32
      %dma_wait3A_854 = arith.constant 0 : i32
      %dma_wait3A_855 = tpu.memref_slice %arg10[%dma_wait3A_853, %dma_wait3A_854] : memref<80x128xf32, #tpu.memory_space<vmem>> -> memref<40x128xf32, #tpu.memory_space<vmem>>
      %dma_wait3A_856 = arith.constant 0 : i32
      %dma_wait3A_857 = tpu.memref_slice %arg6[%dma_wait3A_852, %dma_wait3A_856] : memref<25x80xi32, #tpu.memory_space<vmem>> -> memref<1x40xi32, #tpu.memory_space<vmem>>
      %dma_wait3A_858 = tpu.memref_squeeze %dma_wait3A_857 : memref<1x40xi32, #tpu.memory_space<vmem>> -> memref<40xi32, #tpu.memory_space<vmem>>
      %dma_wait3A_859 = arith.constant 0 : i32
      %dma_wait3A_860 = arith.constant 0 : i32
      %dma_wait3A_861 = tpu.memref_slice %arg2[%dma_wait3A_859, %dma_wait3A_860] : memref<10000x128xf32, #tpu.memory_space<hbm>> -> memref<10000x128xf32, #tpu.memory_space<hbm>>
      tpu.wait_indirect_dma semaphore(%arg13 : memref<!tpu.dma_semaphore, #tpu.memory_space<semaphore_mem>>) src(%dma_wait3A_861 : memref<10000x128xf32, #tpu.memory_space<hbm>>) dst(%dma_wait3A_855 : memref<40x128xf32, #tpu.memory_space<vmem>>)
      %dma_wait3A_862 = arith.constant 0 : i32
      %dma_wait3A_863 = arith.constant 40 : i32
      %dma_wait3A_864 = arith.constant 0 : i32
      %dma_wait3A_865 = tpu.memref_slice %arg10[%dma_wait3A_863, %dma_wait3A_864] : memref<80x128xf32, #tpu.memory_space<vmem>> -> memref<40x128xf32, #tpu.memory_space<vmem>>
      %dma_wait3A_866 = arith.constant 40 : i32
      %dma_wait3A_867 = tpu.memref_slice %arg6[%dma_wait3A_862, %dma_wait3A_866] : memref<25x80xi32, #tpu.memory_space<vmem>> -> memref<1x40xi32, #tpu.memory_space<vmem>>
      %dma_wait3A_868 = tpu.memref_squeeze %dma_wait3A_867 : memref<1x40xi32, #tpu.memory_space<vmem>> -> memref<40xi32, #tpu.memory_space<vmem>>
      %dma_wait3A_869 = arith.constant 0 : i32
      %dma_wait3A_870 = arith.constant 0 : i32
      %dma_wait3A_871 = tpu.memref_slice %arg2[%dma_wait3A_869, %dma_wait3A_870] : memref<10000x128xf32, #tpu.memory_space<hbm>> -> memref<10000x128xf32, #tpu.memory_space<hbm>>
      tpu.wait_indirect_dma semaphore(%arg13 : memref<!tpu.dma_semaphore, #tpu.memory_space<semaphore_mem>>) src(%dma_wait3A_871 : memref<10000x128xf32, #tpu.memory_space<hbm>>) dst(%dma_wait3A_865 : memref<40x128xf32, #tpu.memory_space<vmem>>)
      %dma_start3A_872 = arith.constant 0 : i32
      %dma_start3A_873 = tpu.memref_slice %arg7[%add3A_837, %dma_start3A_872] : memref<25x80xi32, #tpu.memory_space<vmem>> -> memref<1x80xi32, #tpu.memory_space<vmem>>
      %dma_start3A_874 = tpu.memref_squeeze %dma_start3A_873 : memref<1x80xi32, #tpu.memory_space<vmem>> -> memref<80xi32, #tpu.memory_space<vmem>>
      %dma_start3A_875 = arith.constant 0 : i32
      %dma_start3A_876 = arith.constant 0 : i32
      %dma_start3A_877 = tpu.memref_slice %arg5[%dma_start3A_875, %dma_start3A_876] : memref<10000x128xf32, #tpu.memory_space<vmem_shared>> -> memref<10000x128xf32, #tpu.memory_space<vmem_shared>>
      tpu.enqueue_indirect_dma source(%arg10 : memref<80x128xf32, #tpu.memory_space<vmem>>) target(%dma_start3A_877 : memref<10000x128xf32, #tpu.memory_space<vmem_shared>>) offsets(%dma_start3A_874 : memref<80xi32, #tpu.memory_space<vmem>>) semaphore(%arg16 : memref<!tpu.dma_semaphore, #tpu.memory_space<semaphore_mem>>) {add = true}
      %scan3A_878 = arith.constant 0 : i32
      scf.yield %scan3A_878 : i32
    }
    %scan3A_174 = arith.constant 8 : i32
    %dma_wait3A_175 = arith.constant 0 : i32
    %dma_wait3A_176 = arith.constant 0 : i32
    %dma_wait3A_177 = arith.constant 0 : i32
    %dma_wait3A_178 = arith.constant 0 : i32
    %dma_wait3A_179 = tpu.memref_slice %arg3[%dma_wait3A_175, %add3A, %dma_wait3A_176, %dma_wait3A_177, %dma_wait3A_178] : memref<2x32x5x25x80xi32, #tpu.memory_space<hbm>> -> memref<1x1x1x25x80xi32, #tpu.memory_space<hbm>>
    %dma_wait3A_180 = tpu.memref_squeeze %dma_wait3A_179 : memref<1x1x1x25x80xi32, #tpu.memory_space<hbm>> -> memref<25x80xi32, #tpu.memory_space<hbm>>
    %dma_wait3A_181 = arith.constant 0 : i32
    %dma_wait3A_182 = arith.constant 0 : i32
    %dma_wait3A_183 = tpu.memref_slice %arg3[%dma_wait3A_175, %add3A, %dma_wait3A_176, %dma_wait3A_181, %dma_wait3A_182] : memref<2x32x5x25x80xi32, #tpu.memory_space<hbm>> -> memref<1x1x1x25x80xi32, #tpu.memory_space<hbm>>
    %dma_wait3A_184 = tpu.memref_squeeze %dma_wait3A_183 : memref<1x1x1x25x80xi32, #tpu.memory_space<hbm>> -> memref<25x80xi32, #tpu.memory_space<hbm>>
    tpu.wait_dma2 semaphore(%arg19 : memref<!tpu.dma_semaphore, #tpu.memory_space<semaphore_mem>>) src(%dma_wait3A_184 : memref<25x80xi32, #tpu.memory_space<hbm>>) dst(%arg8 : memref<25x80xi32, #tpu.memory_space<vmem>>)
    %dma_wait3A_185 = arith.constant 1 : i32
    %dma_wait3A_186 = arith.constant 0 : i32
    %dma_wait3A_187 = arith.constant 0 : i32
    %dma_wait3A_188 = arith.constant 0 : i32
    %dma_wait3A_189 = tpu.memref_slice %arg3[%dma_wait3A_185, %add3A, %dma_wait3A_186, %dma_wait3A_187, %dma_wait3A_188] : memref<2x32x5x25x80xi32, #tpu.memory_space<hbm>> -> memref<1x1x1x25x80xi32, #tpu.memory_space<hbm>>
    %dma_wait3A_190 = tpu.memref_squeeze %dma_wait3A_189 : memref<1x1x1x25x80xi32, #tpu.memory_space<hbm>> -> memref<25x80xi32, #tpu.memory_space<hbm>>
    %dma_wait3A_191 = arith.constant 0 : i32
    %dma_wait3A_192 = arith.constant 0 : i32
    %dma_wait3A_193 = tpu.memref_slice %arg3[%dma_wait3A_185, %add3A, %dma_wait3A_186, %dma_wait3A_191, %dma_wait3A_192] : memref<2x32x5x25x80xi32, #tpu.memory_space<hbm>> -> memref<1x1x1x25x80xi32, #tpu.memory_space<hbm>>
    %dma_wait3A_194 = tpu.memref_squeeze %dma_wait3A_193 : memref<1x1x1x25x80xi32, #tpu.memory_space<hbm>> -> memref<25x80xi32, #tpu.memory_space<hbm>>
    tpu.wait_dma2 semaphore(%arg19 : memref<!tpu.dma_semaphore, #tpu.memory_space<semaphore_mem>>) src(%dma_wait3A_194 : memref<25x80xi32, #tpu.memory_space<hbm>>) dst(%arg9 : memref<25x80xi32, #tpu.memory_space<vmem>>)
    %dma_start3A_195 = arith.constant 1 : i32
    %dma_start3A_196 = arith.constant 0 : i32
    %dma_start3A_197 = arith.constant 0 : i32
    %dma_start3A_198 = tpu.memref_slice %arg11[%dma_start3A_196, %dma_start3A_197] : memref<80x128xf32, #tpu.memory_space<vmem>> -> memref<40x128xf32, #tpu.memory_space<vmem>>
    %dma_start3A_199 = arith.constant 0 : i32
    %dma_start3A_200 = tpu.memref_slice %arg8[%dma_start3A_195, %dma_start3A_199] : memref<25x80xi32, #tpu.memory_space<vmem>> -> memref<1x40xi32, #tpu.memory_space<vmem>>
    %dma_start3A_201 = tpu.memref_squeeze %dma_start3A_200 : memref<1x40xi32, #tpu.memory_space<vmem>> -> memref<40xi32, #tpu.memory_space<vmem>>
    %dma_start3A_202 = arith.constant 0 : i32
    %dma_start3A_203 = arith.constant 0 : i32
    %dma_start3A_204 = tpu.memref_slice %arg2[%dma_start3A_202, %dma_start3A_203] : memref<10000x128xf32, #tpu.memory_space<hbm>> -> memref<10000x128xf32, #tpu.memory_space<hbm>>
    tpu.enqueue_indirect_dma source(%dma_start3A_204 : memref<10000x128xf32, #tpu.memory_space<hbm>>) target(%dma_start3A_198 : memref<40x128xf32, #tpu.memory_space<vmem>>) offsets(%dma_start3A_201 : memref<40xi32, #tpu.memory_space<vmem>>) semaphore(%arg14 : memref<!tpu.dma_semaphore, #tpu.memory_space<semaphore_mem>>)
    %dma_start3A_205 = arith.constant 1 : i32
    %dma_start3A_206 = arith.constant 40 : i32
    %dma_start3A_207 = arith.constant 0 : i32
    %dma_start3A_208 = tpu.memref_slice %arg11[%dma_start3A_206, %dma_start3A_207] : memref<80x128xf32, #tpu.memory_space<vmem>> -> memref<40x128xf32, #tpu.memory_space<vmem>>
    %dma_start3A_209 = arith.constant 40 : i32
    %dma_start3A_210 = tpu.memref_slice %arg8[%dma_start3A_205, %dma_start3A_209] : memref<25x80xi32, #tpu.memory_space<vmem>> -> memref<1x40xi32, #tpu.memory_space<vmem>>
    %dma_start3A_211 = tpu.memref_squeeze %dma_start3A_210 : memref<1x40xi32, #tpu.memory_space<vmem>> -> memref<40xi32, #tpu.memory_space<vmem>>
    %dma_start3A_212 = arith.constant 0 : i32
    %dma_start3A_213 = arith.constant 0 : i32
    %dma_start3A_214 = tpu.memref_slice %arg2[%dma_start3A_212, %dma_start3A_213] : memref<10000x128xf32, #tpu.memory_space<hbm>> -> memref<10000x128xf32, #tpu.memory_space<hbm>>
    tpu.enqueue_indirect_dma source(%dma_start3A_214 : memref<10000x128xf32, #tpu.memory_space<hbm>>) target(%dma_start3A_208 : memref<40x128xf32, #tpu.memory_space<vmem>>) offsets(%dma_start3A_211 : memref<40xi32, #tpu.memory_space<vmem>>) semaphore(%arg14 : memref<!tpu.dma_semaphore, #tpu.memory_space<semaphore_mem>>)
    %dma_start3A_215 = arith.constant 2 : i32
    %dma_start3A_216 = arith.constant 0 : i32
    %dma_start3A_217 = arith.constant 0 : i32
    %dma_start3A_218 = tpu.memref_slice %arg12[%dma_start3A_216, %dma_start3A_217] : memref<80x128xf32, #tpu.memory_space<vmem>> -> memref<40x128xf32, #tpu.memory_space<vmem>>
    %dma_start3A_219 = arith.constant 0 : i32
    %dma_start3A_220 = tpu.memref_slice %arg8[%dma_start3A_215, %dma_start3A_219] : memref<25x80xi32, #tpu.memory_space<vmem>> -> memref<1x40xi32, #tpu.memory_space<vmem>>
    %dma_start3A_221 = tpu.memref_squeeze %dma_start3A_220 : memref<1x40xi32, #tpu.memory_space<vmem>> -> memref<40xi32, #tpu.memory_space<vmem>>
    %dma_start3A_222 = arith.constant 0 : i32
    %dma_start3A_223 = arith.constant 0 : i32
    %dma_start3A_224 = tpu.memref_slice %arg2[%dma_start3A_222, %dma_start3A_223] : memref<10000x128xf32, #tpu.memory_space<hbm>> -> memref<10000x128xf32, #tpu.memory_space<hbm>>
    tpu.enqueue_indirect_dma source(%dma_start3A_224 : memref<10000x128xf32, #tpu.memory_space<hbm>>) target(%dma_start3A_218 : memref<40x128xf32, #tpu.memory_space<vmem>>) offsets(%dma_start3A_221 : memref<40xi32, #tpu.memory_space<vmem>>) semaphore(%arg15 : memref<!tpu.dma_semaphore, #tpu.memory_space<semaphore_mem>>)
    %dma_start3A_225 = arith.constant 2 : i32
    %dma_start3A_226 = arith.constant 40 : i32
    %dma_start3A_227 = arith.constant 0 : i32
    %dma_start3A_228 = tpu.memref_slice %arg12[%dma_start3A_226, %dma_start3A_227] : memref<80x128xf32, #tpu.memory_space<vmem>> -> memref<40x128xf32, #tpu.memory_space<vmem>>
    %dma_start3A_229 = arith.constant 40 : i32
    %dma_start3A_230 = tpu.memref_slice %arg8[%dma_start3A_225, %dma_start3A_229] : memref<25x80xi32, #tpu.memory_space<vmem>> -> memref<1x40xi32, #tpu.memory_space<vmem>>
    %dma_start3A_231 = tpu.memref_squeeze %dma_start3A_230 : memref<1x40xi32, #tpu.memory_space<vmem>> -> memref<40xi32, #tpu.memory_space<vmem>>
    %dma_start3A_232 = arith.constant 0 : i32
    %dma_start3A_233 = arith.constant 0 : i32
    %dma_start3A_234 = tpu.memref_slice %arg2[%dma_start3A_232, %dma_start3A_233] : memref<10000x128xf32, #tpu.memory_space<hbm>> -> memref<10000x128xf32, #tpu.memory_space<hbm>>
    tpu.enqueue_indirect_dma source(%dma_start3A_234 : memref<10000x128xf32, #tpu.memory_space<hbm>>) target(%dma_start3A_228 : memref<40x128xf32, #tpu.memory_space<vmem>>) offsets(%dma_start3A_231 : memref<40xi32, #tpu.memory_space<vmem>>) semaphore(%arg15 : memref<!tpu.dma_semaphore, #tpu.memory_space<semaphore_mem>>)
    %dma_wait3A_235 = arith.constant 0 : i32
    %dma_wait3A_236 = arith.constant 0 : i32
    %dma_wait3A_237 = tpu.memref_slice %arg7[%dma_wait3A_235, %dma_wait3A_236] : memref<25x80xi32, #tpu.memory_space<vmem>> -> memref<1x80xi32, #tpu.memory_space<vmem>>
    %dma_wait3A_238 = tpu.memref_squeeze %dma_wait3A_237 : memref<1x80xi32, #tpu.memory_space<vmem>> -> memref<80xi32, #tpu.memory_space<vmem>>
    %dma_wait3A_239 = arith.constant 0 : i32
    %dma_wait3A_240 = arith.constant 0 : i32
    %dma_wait3A_241 = tpu.memref_slice %arg5[%dma_wait3A_239, %dma_wait3A_240] : memref<10000x128xf32, #tpu.memory_space<vmem_shared>> -> memref<10000x128xf32, #tpu.memory_space<vmem_shared>>
    tpu.wait_indirect_dma semaphore(%arg16 : memref<!tpu.dma_semaphore, #tpu.memory_space<semaphore_mem>>) src(%arg10 : memref<80x128xf32, #tpu.memory_space<vmem>>) dst(%dma_wait3A_241 : memref<10000x128xf32, #tpu.memory_space<vmem_shared>>)
    %dma_start3A_242 = arith.constant 0 : i32
    %dma_start3A_243 = arith.constant 2 : i32
    %dma_start3A_244 = arith.constant 0 : i32
    %dma_start3A_245 = arith.constant 0 : i32
    %dma_start3A_246 = tpu.memref_slice %arg3[%dma_start3A_242, %add3A, %dma_start3A_243, %dma_start3A_244, %dma_start3A_245] : memref<2x32x5x25x80xi32, #tpu.memory_space<hbm>> -> memref<1x1x1x25x80xi32, #tpu.memory_space<hbm>>
    %dma_start3A_247 = tpu.memref_squeeze %dma_start3A_246 : memref<1x1x1x25x80xi32, #tpu.memory_space<hbm>> -> memref<25x80xi32, #tpu.memory_space<hbm>>
    %dma_start3A_248 = arith.constant 0 : i32
    %dma_start3A_249 = arith.constant 0 : i32
    %dma_start3A_250 = tpu.memref_slice %arg3[%dma_start3A_242, %add3A, %dma_start3A_243, %dma_start3A_248, %dma_start3A_249] : memref<2x32x5x25x80xi32, #tpu.memory_space<hbm>> -> memref<1x1x1x25x80xi32, #tpu.memory_space<hbm>>
    %dma_start3A_251 = tpu.memref_squeeze %dma_start3A_250 : memref<1x1x1x25x80xi32, #tpu.memory_space<hbm>> -> memref<25x80xi32, #tpu.memory_space<hbm>>
    tpu.enqueue_dma source(%dma_start3A_251 : memref<25x80xi32, #tpu.memory_space<hbm>>) target(%arg6 : memref<25x80xi32, #tpu.memory_space<vmem>>) target_semaphore(%arg19 : memref<!tpu.dma_semaphore, #tpu.memory_space<semaphore_mem>>)
    %dma_start3A_252 = arith.constant 1 : i32
    %dma_start3A_253 = arith.constant 2 : i32
    %dma_start3A_254 = arith.constant 0 : i32
    %dma_start3A_255 = arith.constant 0 : i32
    %dma_start3A_256 = tpu.memref_slice %arg3[%dma_start3A_252, %add3A, %dma_start3A_253, %dma_start3A_254, %dma_start3A_255] : memref<2x32x5x25x80xi32, #tpu.memory_space<hbm>> -> memref<1x1x1x25x80xi32, #tpu.memory_space<hbm>>
    %dma_start3A_257 = tpu.memref_squeeze %dma_start3A_256 : memref<1x1x1x25x80xi32, #tpu.memory_space<hbm>> -> memref<25x80xi32, #tpu.memory_space<hbm>>
    %dma_start3A_258 = arith.constant 0 : i32
    %dma_start3A_259 = arith.constant 0 : i32
    %dma_start3A_260 = tpu.memref_slice %arg3[%dma_start3A_252, %add3A, %dma_start3A_253, %dma_start3A_258, %dma_start3A_259] : memref<2x32x5x25x80xi32, #tpu.memory_space<hbm>> -> memref<1x1x1x25x80xi32, #tpu.memory_space<hbm>>
    %dma_start3A_261 = tpu.memref_squeeze %dma_start3A_260 : memref<1x1x1x25x80xi32, #tpu.memory_space<hbm>> -> memref<25x80xi32, #tpu.memory_space<hbm>>
    tpu.enqueue_dma source(%dma_start3A_261 : memref<25x80xi32, #tpu.memory_space<hbm>>) target(%arg7 : memref<25x80xi32, #tpu.memory_space<vmem>>) target_semaphore(%arg19 : memref<!tpu.dma_semaphore, #tpu.memory_space<semaphore_mem>>)
    %dma_start3A_262 = arith.constant 0 : i32
    %dma_start3A_263 = arith.constant 0 : i32
    %dma_start3A_264 = arith.constant 0 : i32
    %dma_start3A_265 = tpu.memref_slice %arg10[%dma_start3A_263, %dma_start3A_264] : memref<80x128xf32, #tpu.memory_space<vmem>> -> memref<40x128xf32, #tpu.memory_space<vmem>>
    %dma_start3A_266 = arith.constant 0 : i32
    %dma_start3A_267 = tpu.memref_slice %arg8[%dma_start3A_262, %dma_start3A_266] : memref<25x80xi32, #tpu.memory_space<vmem>> -> memref<1x40xi32, #tpu.memory_space<vmem>>
    %dma_start3A_268 = tpu.memref_squeeze %dma_start3A_267 : memref<1x40xi32, #tpu.memory_space<vmem>> -> memref<40xi32, #tpu.memory_space<vmem>>
    %dma_start3A_269 = arith.constant 0 : i32
    %dma_start3A_270 = arith.constant 0 : i32
    %dma_start3A_271 = tpu.memref_slice %arg2[%dma_start3A_269, %dma_start3A_270] : memref<10000x128xf32, #tpu.memory_space<hbm>> -> memref<10000x128xf32, #tpu.memory_space<hbm>>
    tpu.enqueue_indirect_dma source(%dma_start3A_271 : memref<10000x128xf32, #tpu.memory_space<hbm>>) target(%dma_start3A_265 : memref<40x128xf32, #tpu.memory_space<vmem>>) offsets(%dma_start3A_268 : memref<40xi32, #tpu.memory_space<vmem>>) semaphore(%arg13 : memref<!tpu.dma_semaphore, #tpu.memory_space<semaphore_mem>>)
    %dma_start3A_272 = arith.constant 0 : i32
    %dma_start3A_273 = arith.constant 40 : i32
    %dma_start3A_274 = arith.constant 0 : i32
    %dma_start3A_275 = tpu.memref_slice %arg10[%dma_start3A_273, %dma_start3A_274] : memref<80x128xf32, #tpu.memory_space<vmem>> -> memref<40x128xf32, #tpu.memory_space<vmem>>
    %dma_start3A_276 = arith.constant 40 : i32
    %dma_start3A_277 = tpu.memref_slice %arg8[%dma_start3A_272, %dma_start3A_276] : memref<25x80xi32, #tpu.memory_space<vmem>> -> memref<1x40xi32, #tpu.memory_space<vmem>>
    %dma_start3A_278 = tpu.memref_squeeze %dma_start3A_277 : memref<1x40xi32, #tpu.memory_space<vmem>> -> memref<40xi32, #tpu.memory_space<vmem>>
    %dma_start3A_279 = arith.constant 0 : i32
    %dma_start3A_280 = arith.constant 0 : i32
    %dma_start3A_281 = tpu.memref_slice %arg2[%dma_start3A_279, %dma_start3A_280] : memref<10000x128xf32, #tpu.memory_space<hbm>> -> memref<10000x128xf32, #tpu.memory_space<hbm>>
    tpu.enqueue_indirect_dma source(%dma_start3A_281 : memref<10000x128xf32, #tpu.memory_space<hbm>>) target(%dma_start3A_275 : memref<40x128xf32, #tpu.memory_space<vmem>>) offsets(%dma_start3A_278 : memref<40xi32, #tpu.memory_space<vmem>>) semaphore(%arg13 : memref<!tpu.dma_semaphore, #tpu.memory_space<semaphore_mem>>)
    %dma_wait3A_282 = arith.constant 0 : i32
    %dma_wait3A_283 = arith.constant 0 : i32
    %dma_wait3A_284 = arith.constant 0 : i32
    %dma_wait3A_285 = tpu.memref_slice %arg10[%dma_wait3A_283, %dma_wait3A_284] : memref<80x128xf32, #tpu.memory_space<vmem>> -> memref<40x128xf32, #tpu.memory_space<vmem>>
    %dma_wait3A_286 = arith.constant 0 : i32
    %dma_wait3A_287 = tpu.memref_slice %arg6[%dma_wait3A_282, %dma_wait3A_286] : memref<25x80xi32, #tpu.memory_space<vmem>> -> memref<1x40xi32, #tpu.memory_space<vmem>>
    %dma_wait3A_288 = tpu.memref_squeeze %dma_wait3A_287 : memref<1x40xi32, #tpu.memory_space<vmem>> -> memref<40xi32, #tpu.memory_space<vmem>>
    %dma_wait3A_289 = arith.constant 0 : i32
    %dma_wait3A_290 = arith.constant 0 : i32
    %dma_wait3A_291 = tpu.memref_slice %arg2[%dma_wait3A_289, %dma_wait3A_290] : memref<10000x128xf32, #tpu.memory_space<hbm>> -> memref<10000x128xf32, #tpu.memory_space<hbm>>
    tpu.wait_indirect_dma semaphore(%arg13 : memref<!tpu.dma_semaphore, #tpu.memory_space<semaphore_mem>>) src(%dma_wait3A_291 : memref<10000x128xf32, #tpu.memory_space<hbm>>) dst(%dma_wait3A_285 : memref<40x128xf32, #tpu.memory_space<vmem>>)
    %dma_wait3A_292 = arith.constant 0 : i32
    %dma_wait3A_293 = arith.constant 40 : i32
    %dma_wait3A_294 = arith.constant 0 : i32
    %dma_wait3A_295 = tpu.memref_slice %arg10[%dma_wait3A_293, %dma_wait3A_294] : memref<80x128xf32, #tpu.memory_space<vmem>> -> memref<40x128xf32, #tpu.memory_space<vmem>>
    %dma_wait3A_296 = arith.constant 40 : i32
    %dma_wait3A_297 = tpu.memref_slice %arg6[%dma_wait3A_292, %dma_wait3A_296] : memref<25x80xi32, #tpu.memory_space<vmem>> -> memref<1x40xi32, #tpu.memory_space<vmem>>
    %dma_wait3A_298 = tpu.memref_squeeze %dma_wait3A_297 : memref<1x40xi32, #tpu.memory_space<vmem>> -> memref<40xi32, #tpu.memory_space<vmem>>
    %dma_wait3A_299 = arith.constant 0 : i32
    %dma_wait3A_300 = arith.constant 0 : i32
    %dma_wait3A_301 = tpu.memref_slice %arg2[%dma_wait3A_299, %dma_wait3A_300] : memref<10000x128xf32, #tpu.memory_space<hbm>> -> memref<10000x128xf32, #tpu.memory_space<hbm>>
    tpu.wait_indirect_dma semaphore(%arg13 : memref<!tpu.dma_semaphore, #tpu.memory_space<semaphore_mem>>) src(%dma_wait3A_301 : memref<10000x128xf32, #tpu.memory_space<hbm>>) dst(%dma_wait3A_295 : memref<40x128xf32, #tpu.memory_space<vmem>>)
    %dma_start3A_302 = arith.constant 0 : i32
    %dma_start3A_303 = arith.constant 0 : i32
    %dma_start3A_304 = tpu.memref_slice %arg9[%dma_start3A_302, %dma_start3A_303] : memref<25x80xi32, #tpu.memory_space<vmem>> -> memref<1x80xi32, #tpu.memory_space<vmem>>
    %dma_start3A_305 = tpu.memref_squeeze %dma_start3A_304 : memref<1x80xi32, #tpu.memory_space<vmem>> -> memref<80xi32, #tpu.memory_space<vmem>>
    %dma_start3A_306 = arith.constant 0 : i32
    %dma_start3A_307 = arith.constant 0 : i32
    %dma_start3A_308 = tpu.memref_slice %arg5[%dma_start3A_306, %dma_start3A_307] : memref<10000x128xf32, #tpu.memory_space<vmem_shared>> -> memref<10000x128xf32, #tpu.memory_space<vmem_shared>>
    tpu.enqueue_indirect_dma source(%arg10 : memref<80x128xf32, #tpu.memory_space<vmem>>) target(%dma_start3A_308 : memref<10000x128xf32, #tpu.memory_space<vmem_shared>>) offsets(%dma_start3A_305 : memref<80xi32, #tpu.memory_space<vmem>>) semaphore(%arg16 : memref<!tpu.dma_semaphore, #tpu.memory_space<semaphore_mem>>) {add = true}
    %scan3A_309 = arith.constant 0 : i32
    %scan3A_310 = arith.constant 0 : i32
    %scan3A_311 = arith.constant 8 : i32
    %scan3A_312 = arith.addi %scan3A_310, %scan3A_311 : i32
    %scan3A_313 = arith.constant 1 : i32
    %scan3A_314 = scf.for %scan3A_741 = %scan3A_310 to %scan3A_312 step %scan3A_313 iter_args(%scan3A_742 = %scan3A_309) -> (i32)  : i32 {
      %mul3A_743 = arith.constant 3 : i32
      %mul3A_744 = arith.muli %mul3A_743, %scan3A_741 : i32
      %add3A_745 = arith.constant 1 : i32
      %add3A_746 = arith.addi %mul3A_744, %add3A_745 : i32
      %add3A_747 = arith.constant 0 : i32
      %add3A_748 = arith.addi %add3A_746, %add3A_747 : i32
      %dma_wait3A_749 = arith.constant 0 : i32
      %dma_wait3A_750 = arith.constant 0 : i32
      %dma_wait3A_751 = tpu.memref_slice %arg7[%dma_wait3A_749, %dma_wait3A_750] : memref<25x80xi32, #tpu.memory_space<vmem>> -> memref<1x80xi32, #tpu.memory_space<vmem>>
      %dma_wait3A_752 = tpu.memref_squeeze %dma_wait3A_751 : memref<1x80xi32, #tpu.memory_space<vmem>> -> memref<80xi32, #tpu.memory_space<vmem>>
      %dma_wait3A_753 = arith.constant 0 : i32
      %dma_wait3A_754 = arith.constant 0 : i32
      %dma_wait3A_755 = tpu.memref_slice %arg5[%dma_wait3A_753, %dma_wait3A_754] : memref<10000x128xf32, #tpu.memory_space<vmem_shared>> -> memref<10000x128xf32, #tpu.memory_space<vmem_shared>>
      tpu.wait_indirect_dma semaphore(%arg16 : memref<!tpu.dma_semaphore, #tpu.memory_space<semaphore_mem>>) src(%arg10 : memref<80x128xf32, #tpu.memory_space<vmem>>) dst(%dma_wait3A_755 : memref<10000x128xf32, #tpu.memory_space<vmem_shared>>)
      %add3A_756 = arith.constant 2 : i32
      %add3A_757 = arith.addi %add3A_748, %add3A_756 : i32
      %le3A = arith.constant 24 : i32
      %le3A_758 = arith.cmpi sle, %add3A_757, %le3A : i32
      %convert_element_type3A = arith.extui %le3A_758 : i1 to i32
      %cond3A = arith.constant 0 : i32
      %cond3A_759 = arith.cmpi ne, %convert_element_type3A, %cond3A : i32
      scf.if %cond3A_759 {
        %add3A_879 = arith.constant 2 : i32
        %add3A_880 = arith.addi %add3A_748, %add3A_879 : i32
        %dma_start3A_881 = arith.constant 0 : i32
        %dma_start3A_882 = arith.constant 0 : i32
        %dma_start3A_883 = tpu.memref_slice %arg10[%dma_start3A_881, %dma_start3A_882] : memref<80x128xf32, #tpu.memory_space<vmem>> -> memref<40x128xf32, #tpu.memory_space<vmem>>
        %dma_start3A_884 = arith.constant 0 : i32
        %dma_start3A_885 = tpu.memref_slice %arg8[%add3A_880, %dma_start3A_884] : memref<25x80xi32, #tpu.memory_space<vmem>> -> memref<1x40xi32, #tpu.memory_space<vmem>>
        %dma_start3A_886 = tpu.memref_squeeze %dma_start3A_885 : memref<1x40xi32, #tpu.memory_space<vmem>> -> memref<40xi32, #tpu.memory_space<vmem>>
        %dma_start3A_887 = arith.constant 0 : i32
        %dma_start3A_888 = arith.constant 0 : i32
        %dma_start3A_889 = tpu.memref_slice %arg2[%dma_start3A_887, %dma_start3A_888] : memref<10000x128xf32, #tpu.memory_space<hbm>> -> memref<10000x128xf32, #tpu.memory_space<hbm>>
        tpu.enqueue_indirect_dma source(%dma_start3A_889 : memref<10000x128xf32, #tpu.memory_space<hbm>>) target(%dma_start3A_883 : memref<40x128xf32, #tpu.memory_space<vmem>>) offsets(%dma_start3A_886 : memref<40xi32, #tpu.memory_space<vmem>>) semaphore(%arg13 : memref<!tpu.dma_semaphore, #tpu.memory_space<semaphore_mem>>)
        %dma_start3A_890 = arith.constant 40 : i32
        %dma_start3A_891 = arith.constant 0 : i32
        %dma_start3A_892 = tpu.memref_slice %arg10[%dma_start3A_890, %dma_start3A_891] : memref<80x128xf32, #tpu.memory_space<vmem>> -> memref<40x128xf32, #tpu.memory_space<vmem>>
        %dma_start3A_893 = arith.constant 40 : i32
        %dma_start3A_894 = tpu.memref_slice %arg8[%add3A_880, %dma_start3A_893] : memref<25x80xi32, #tpu.memory_space<vmem>> -> memref<1x40xi32, #tpu.memory_space<vmem>>
        %dma_start3A_895 = tpu.memref_squeeze %dma_start3A_894 : memref<1x40xi32, #tpu.memory_space<vmem>> -> memref<40xi32, #tpu.memory_space<vmem>>
        %dma_start3A_896 = arith.constant 0 : i32
        %dma_start3A_897 = arith.constant 0 : i32
        %dma_start3A_898 = tpu.memref_slice %arg2[%dma_start3A_896, %dma_start3A_897] : memref<10000x128xf32, #tpu.memory_space<hbm>> -> memref<10000x128xf32, #tpu.memory_space<hbm>>
        tpu.enqueue_indirect_dma source(%dma_start3A_898 : memref<10000x128xf32, #tpu.memory_space<hbm>>) target(%dma_start3A_892 : memref<40x128xf32, #tpu.memory_space<vmem>>) offsets(%dma_start3A_895 : memref<40xi32, #tpu.memory_space<vmem>>) semaphore(%arg13 : memref<!tpu.dma_semaphore, #tpu.memory_space<semaphore_mem>>)
      } else {
      }
      %dma_wait3A_760 = arith.constant 0 : i32
      %dma_wait3A_761 = arith.constant 0 : i32
      %dma_wait3A_762 = arith.constant 0 : i32
      %dma_wait3A_763 = tpu.memref_slice %arg11[%dma_wait3A_761, %dma_wait3A_762] : memref<80x128xf32, #tpu.memory_space<vmem>> -> memref<40x128xf32, #tpu.memory_space<vmem>>
      %dma_wait3A_764 = arith.constant 0 : i32
      %dma_wait3A_765 = tpu.memref_slice %arg6[%dma_wait3A_760, %dma_wait3A_764] : memref<25x80xi32, #tpu.memory_space<vmem>> -> memref<1x40xi32, #tpu.memory_space<vmem>>
      %dma_wait3A_766 = tpu.memref_squeeze %dma_wait3A_765 : memref<1x40xi32, #tpu.memory_space<vmem>> -> memref<40xi32, #tpu.memory_space<vmem>>
      %dma_wait3A_767 = arith.constant 0 : i32
      %dma_wait3A_768 = arith.constant 0 : i32
      %dma_wait3A_769 = tpu.memref_slice %arg2[%dma_wait3A_767, %dma_wait3A_768] : memref<10000x128xf32, #tpu.memory_space<hbm>> -> memref<10000x128xf32, #tpu.memory_space<hbm>>
      tpu.wait_indirect_dma semaphore(%arg14 : memref<!tpu.dma_semaphore, #tpu.memory_space<semaphore_mem>>) src(%dma_wait3A_769 : memref<10000x128xf32, #tpu.memory_space<hbm>>) dst(%dma_wait3A_763 : memref<40x128xf32, #tpu.memory_space<vmem>>)
      %dma_wait3A_770 = arith.constant 0 : i32
      %dma_wait3A_771 = arith.constant 40 : i32
      %dma_wait3A_772 = arith.constant 0 : i32
      %dma_wait3A_773 = tpu.memref_slice %arg11[%dma_wait3A_771, %dma_wait3A_772] : memref<80x128xf32, #tpu.memory_space<vmem>> -> memref<40x128xf32, #tpu.memory_space<vmem>>
      %dma_wait3A_774 = arith.constant 40 : i32
      %dma_wait3A_775 = tpu.memref_slice %arg6[%dma_wait3A_770, %dma_wait3A_774] : memref<25x80xi32, #tpu.memory_space<vmem>> -> memref<1x40xi32, #tpu.memory_space<vmem>>
      %dma_wait3A_776 = tpu.memref_squeeze %dma_wait3A_775 : memref<1x40xi32, #tpu.memory_space<vmem>> -> memref<40xi32, #tpu.memory_space<vmem>>
      %dma_wait3A_777 = arith.constant 0 : i32
      %dma_wait3A_778 = arith.constant 0 : i32
      %dma_wait3A_779 = tpu.memref_slice %arg2[%dma_wait3A_777, %dma_wait3A_778] : memref<10000x128xf32, #tpu.memory_space<hbm>> -> memref<10000x128xf32, #tpu.memory_space<hbm>>
      tpu.wait_indirect_dma semaphore(%arg14 : memref<!tpu.dma_semaphore, #tpu.memory_space<semaphore_mem>>) src(%dma_wait3A_779 : memref<10000x128xf32, #tpu.memory_space<hbm>>) dst(%dma_wait3A_773 : memref<40x128xf32, #tpu.memory_space<vmem>>)
      %dma_start3A_780 = arith.constant 0 : i32
      %dma_start3A_781 = tpu.memref_slice %arg9[%add3A_748, %dma_start3A_780] : memref<25x80xi32, #tpu.memory_space<vmem>> -> memref<1x80xi32, #tpu.memory_space<vmem>>
      %dma_start3A_782 = tpu.memref_squeeze %dma_start3A_781 : memref<1x80xi32, #tpu.memory_space<vmem>> -> memref<80xi32, #tpu.memory_space<vmem>>
      %dma_start3A_783 = arith.constant 0 : i32
      %dma_start3A_784 = arith.constant 0 : i32
      %dma_start3A_785 = tpu.memref_slice %arg5[%dma_start3A_783, %dma_start3A_784] : memref<10000x128xf32, #tpu.memory_space<vmem_shared>> -> memref<10000x128xf32, #tpu.memory_space<vmem_shared>>
      tpu.enqueue_indirect_dma source(%arg11 : memref<80x128xf32, #tpu.memory_space<vmem>>) target(%dma_start3A_785 : memref<10000x128xf32, #tpu.memory_space<vmem_shared>>) offsets(%dma_start3A_782 : memref<80xi32, #tpu.memory_space<vmem>>) semaphore(%arg17 : memref<!tpu.dma_semaphore, #tpu.memory_space<semaphore_mem>>) {add = true}
      %mul3A_786 = arith.constant 3 : i32
      %mul3A_787 = arith.muli %mul3A_786, %scan3A_741 : i32
      %add3A_788 = arith.constant 1 : i32
      %add3A_789 = arith.addi %mul3A_787, %add3A_788 : i32
      %add3A_790 = arith.constant 1 : i32
      %add3A_791 = arith.addi %add3A_789, %add3A_790 : i32
      %dma_wait3A_792 = arith.constant 0 : i32
      %dma_wait3A_793 = arith.constant 0 : i32
      %dma_wait3A_794 = tpu.memref_slice %arg7[%dma_wait3A_792, %dma_wait3A_793] : memref<25x80xi32, #tpu.memory_space<vmem>> -> memref<1x80xi32, #tpu.memory_space<vmem>>
      %dma_wait3A_795 = tpu.memref_squeeze %dma_wait3A_794 : memref<1x80xi32, #tpu.memory_space<vmem>> -> memref<80xi32, #tpu.memory_space<vmem>>
      %dma_wait3A_796 = arith.constant 0 : i32
      %dma_wait3A_797 = arith.constant 0 : i32
      %dma_wait3A_798 = tpu.memref_slice %arg5[%dma_wait3A_796, %dma_wait3A_797] : memref<10000x128xf32, #tpu.memory_space<vmem_shared>> -> memref<10000x128xf32, #tpu.memory_space<vmem_shared>>
      tpu.wait_indirect_dma semaphore(%arg17 : memref<!tpu.dma_semaphore, #tpu.memory_space<semaphore_mem>>) src(%arg11 : memref<80x128xf32, #tpu.memory_space<vmem>>) dst(%dma_wait3A_798 : memref<10000x128xf32, #tpu.memory_space<vmem_shared>>)
      %add3A_799 = arith.constant 2 : i32
      %add3A_800 = arith.addi %add3A_791, %add3A_799 : i32
      %le3A_801 = arith.constant 24 : i32
      %le3A_802 = arith.cmpi sle, %add3A_800, %le3A_801 : i32
      %convert_element_type3A_803 = arith.extui %le3A_802 : i1 to i32
      %cond3A_804 = arith.constant 0 : i32
      %cond3A_805 = arith.cmpi ne, %convert_element_type3A_803, %cond3A_804 : i32
      scf.if %cond3A_805 {
        %add3A_879 = arith.constant 2 : i32
        %add3A_880 = arith.addi %add3A_791, %add3A_879 : i32
        %dma_start3A_881 = arith.constant 0 : i32
        %dma_start3A_882 = arith.constant 0 : i32
        %dma_start3A_883 = tpu.memref_slice %arg11[%dma_start3A_881, %dma_start3A_882] : memref<80x128xf32, #tpu.memory_space<vmem>> -> memref<40x128xf32, #tpu.memory_space<vmem>>
        %dma_start3A_884 = arith.constant 0 : i32
        %dma_start3A_885 = tpu.memref_slice %arg8[%add3A_880, %dma_start3A_884] : memref<25x80xi32, #tpu.memory_space<vmem>> -> memref<1x40xi32, #tpu.memory_space<vmem>>
        %dma_start3A_886 = tpu.memref_squeeze %dma_start3A_885 : memref<1x40xi32, #tpu.memory_space<vmem>> -> memref<40xi32, #tpu.memory_space<vmem>>
        %dma_start3A_887 = arith.constant 0 : i32
        %dma_start3A_888 = arith.constant 0 : i32
        %dma_start3A_889 = tpu.memref_slice %arg2[%dma_start3A_887, %dma_start3A_888] : memref<10000x128xf32, #tpu.memory_space<hbm>> -> memref<10000x128xf32, #tpu.memory_space<hbm>>
        tpu.enqueue_indirect_dma source(%dma_start3A_889 : memref<10000x128xf32, #tpu.memory_space<hbm>>) target(%dma_start3A_883 : memref<40x128xf32, #tpu.memory_space<vmem>>) offsets(%dma_start3A_886 : memref<40xi32, #tpu.memory_space<vmem>>) semaphore(%arg14 : memref<!tpu.dma_semaphore, #tpu.memory_space<semaphore_mem>>)
        %dma_start3A_890 = arith.constant 40 : i32
        %dma_start3A_891 = arith.constant 0 : i32
        %dma_start3A_892 = tpu.memref_slice %arg11[%dma_start3A_890, %dma_start3A_891] : memref<80x128xf32, #tpu.memory_space<vmem>> -> memref<40x128xf32, #tpu.memory_space<vmem>>
        %dma_start3A_893 = arith.constant 40 : i32
        %dma_start3A_894 = tpu.memref_slice %arg8[%add3A_880, %dma_start3A_893] : memref<25x80xi32, #tpu.memory_space<vmem>> -> memref<1x40xi32, #tpu.memory_space<vmem>>
        %dma_start3A_895 = tpu.memref_squeeze %dma_start3A_894 : memref<1x40xi32, #tpu.memory_space<vmem>> -> memref<40xi32, #tpu.memory_space<vmem>>
        %dma_start3A_896 = arith.constant 0 : i32
        %dma_start3A_897 = arith.constant 0 : i32
        %dma_start3A_898 = tpu.memref_slice %arg2[%dma_start3A_896, %dma_start3A_897] : memref<10000x128xf32, #tpu.memory_space<hbm>> -> memref<10000x128xf32, #tpu.memory_space<hbm>>
        tpu.enqueue_indirect_dma source(%dma_start3A_898 : memref<10000x128xf32, #tpu.memory_space<hbm>>) target(%dma_start3A_892 : memref<40x128xf32, #tpu.memory_space<vmem>>) offsets(%dma_start3A_895 : memref<40xi32, #tpu.memory_space<vmem>>) semaphore(%arg14 : memref<!tpu.dma_semaphore, #tpu.memory_space<semaphore_mem>>)
      } else {
      }
      %dma_wait3A_806 = arith.constant 0 : i32
      %dma_wait3A_807 = arith.constant 0 : i32
      %dma_wait3A_808 = arith.constant 0 : i32
      %dma_wait3A_809 = tpu.memref_slice %arg12[%dma_wait3A_807, %dma_wait3A_808] : memref<80x128xf32, #tpu.memory_space<vmem>> -> memref<40x128xf32, #tpu.memory_space<vmem>>
      %dma_wait3A_810 = arith.constant 0 : i32
      %dma_wait3A_811 = tpu.memref_slice %arg6[%dma_wait3A_806, %dma_wait3A_810] : memref<25x80xi32, #tpu.memory_space<vmem>> -> memref<1x40xi32, #tpu.memory_space<vmem>>
      %dma_wait3A_812 = tpu.memref_squeeze %dma_wait3A_811 : memref<1x40xi32, #tpu.memory_space<vmem>> -> memref<40xi32, #tpu.memory_space<vmem>>
      %dma_wait3A_813 = arith.constant 0 : i32
      %dma_wait3A_814 = arith.constant 0 : i32
      %dma_wait3A_815 = tpu.memref_slice %arg2[%dma_wait3A_813, %dma_wait3A_814] : memref<10000x128xf32, #tpu.memory_space<hbm>> -> memref<10000x128xf32, #tpu.memory_space<hbm>>
      tpu.wait_indirect_dma semaphore(%arg15 : memref<!tpu.dma_semaphore, #tpu.memory_space<semaphore_mem>>) src(%dma_wait3A_815 : memref<10000x128xf32, #tpu.memory_space<hbm>>) dst(%dma_wait3A_809 : memref<40x128xf32, #tpu.memory_space<vmem>>)
      %dma_wait3A_816 = arith.constant 0 : i32
      %dma_wait3A_817 = arith.constant 40 : i32
      %dma_wait3A_818 = arith.constant 0 : i32
      %dma_wait3A_819 = tpu.memref_slice %arg12[%dma_wait3A_817, %dma_wait3A_818] : memref<80x128xf32, #tpu.memory_space<vmem>> -> memref<40x128xf32, #tpu.memory_space<vmem>>
      %dma_wait3A_820 = arith.constant 40 : i32
      %dma_wait3A_821 = tpu.memref_slice %arg6[%dma_wait3A_816, %dma_wait3A_820] : memref<25x80xi32, #tpu.memory_space<vmem>> -> memref<1x40xi32, #tpu.memory_space<vmem>>
      %dma_wait3A_822 = tpu.memref_squeeze %dma_wait3A_821 : memref<1x40xi32, #tpu.memory_space<vmem>> -> memref<40xi32, #tpu.memory_space<vmem>>
      %dma_wait3A_823 = arith.constant 0 : i32
      %dma_wait3A_824 = arith.constant 0 : i32
      %dma_wait3A_825 = tpu.memref_slice %arg2[%dma_wait3A_823, %dma_wait3A_824] : memref<10000x128xf32, #tpu.memory_space<hbm>> -> memref<10000x128xf32, #tpu.memory_space<hbm>>
      tpu.wait_indirect_dma semaphore(%arg15 : memref<!tpu.dma_semaphore, #tpu.memory_space<semaphore_mem>>) src(%dma_wait3A_825 : memref<10000x128xf32, #tpu.memory_space<hbm>>) dst(%dma_wait3A_819 : memref<40x128xf32, #tpu.memory_space<vmem>>)
      %dma_start3A_826 = arith.constant 0 : i32
      %dma_start3A_827 = tpu.memref_slice %arg9[%add3A_791, %dma_start3A_826] : memref<25x80xi32, #tpu.memory_space<vmem>> -> memref<1x80xi32, #tpu.memory_space<vmem>>
      %dma_start3A_828 = tpu.memref_squeeze %dma_start3A_827 : memref<1x80xi32, #tpu.memory_space<vmem>> -> memref<80xi32, #tpu.memory_space<vmem>>
      %dma_start3A_829 = arith.constant 0 : i32
      %dma_start3A_830 = arith.constant 0 : i32
      %dma_start3A_831 = tpu.memref_slice %arg5[%dma_start3A_829, %dma_start3A_830] : memref<10000x128xf32, #tpu.memory_space<vmem_shared>> -> memref<10000x128xf32, #tpu.memory_space<vmem_shared>>
      tpu.enqueue_indirect_dma source(%arg12 : memref<80x128xf32, #tpu.memory_space<vmem>>) target(%dma_start3A_831 : memref<10000x128xf32, #tpu.memory_space<vmem_shared>>) offsets(%dma_start3A_828 : memref<80xi32, #tpu.memory_space<vmem>>) semaphore(%arg18 : memref<!tpu.dma_semaphore, #tpu.memory_space<semaphore_mem>>) {add = true}
      %mul3A_832 = arith.constant 3 : i32
      %mul3A_833 = arith.muli %mul3A_832, %scan3A_741 : i32
      %add3A_834 = arith.constant 1 : i32
      %add3A_835 = arith.addi %mul3A_833, %add3A_834 : i32
      %add3A_836 = arith.constant 2 : i32
      %add3A_837 = arith.addi %add3A_835, %add3A_836 : i32
      %dma_wait3A_838 = arith.constant 0 : i32
      %dma_wait3A_839 = arith.constant 0 : i32
      %dma_wait3A_840 = tpu.memref_slice %arg7[%dma_wait3A_838, %dma_wait3A_839] : memref<25x80xi32, #tpu.memory_space<vmem>> -> memref<1x80xi32, #tpu.memory_space<vmem>>
      %dma_wait3A_841 = tpu.memref_squeeze %dma_wait3A_840 : memref<1x80xi32, #tpu.memory_space<vmem>> -> memref<80xi32, #tpu.memory_space<vmem>>
      %dma_wait3A_842 = arith.constant 0 : i32
      %dma_wait3A_843 = arith.constant 0 : i32
      %dma_wait3A_844 = tpu.memref_slice %arg5[%dma_wait3A_842, %dma_wait3A_843] : memref<10000x128xf32, #tpu.memory_space<vmem_shared>> -> memref<10000x128xf32, #tpu.memory_space<vmem_shared>>
      tpu.wait_indirect_dma semaphore(%arg18 : memref<!tpu.dma_semaphore, #tpu.memory_space<semaphore_mem>>) src(%arg12 : memref<80x128xf32, #tpu.memory_space<vmem>>) dst(%dma_wait3A_844 : memref<10000x128xf32, #tpu.memory_space<vmem_shared>>)
      %add3A_845 = arith.constant 2 : i32
      %add3A_846 = arith.addi %add3A_837, %add3A_845 : i32
      %le3A_847 = arith.constant 24 : i32
      %le3A_848 = arith.cmpi sle, %add3A_846, %le3A_847 : i32
      %convert_element_type3A_849 = arith.extui %le3A_848 : i1 to i32
      %cond3A_850 = arith.constant 0 : i32
      %cond3A_851 = arith.cmpi ne, %convert_element_type3A_849, %cond3A_850 : i32
      scf.if %cond3A_851 {
        %add3A_879 = arith.constant 2 : i32
        %add3A_880 = arith.addi %add3A_837, %add3A_879 : i32
        %dma_start3A_881 = arith.constant 0 : i32
        %dma_start3A_882 = arith.constant 0 : i32
        %dma_start3A_883 = tpu.memref_slice %arg12[%dma_start3A_881, %dma_start3A_882] : memref<80x128xf32, #tpu.memory_space<vmem>> -> memref<40x128xf32, #tpu.memory_space<vmem>>
        %dma_start3A_884 = arith.constant 0 : i32
        %dma_start3A_885 = tpu.memref_slice %arg8[%add3A_880, %dma_start3A_884] : memref<25x80xi32, #tpu.memory_space<vmem>> -> memref<1x40xi32, #tpu.memory_space<vmem>>
        %dma_start3A_886 = tpu.memref_squeeze %dma_start3A_885 : memref<1x40xi32, #tpu.memory_space<vmem>> -> memref<40xi32, #tpu.memory_space<vmem>>
        %dma_start3A_887 = arith.constant 0 : i32
        %dma_start3A_888 = arith.constant 0 : i32
        %dma_start3A_889 = tpu.memref_slice %arg2[%dma_start3A_887, %dma_start3A_888] : memref<10000x128xf32, #tpu.memory_space<hbm>> -> memref<10000x128xf32, #tpu.memory_space<hbm>>
        tpu.enqueue_indirect_dma source(%dma_start3A_889 : memref<10000x128xf32, #tpu.memory_space<hbm>>) target(%dma_start3A_883 : memref<40x128xf32, #tpu.memory_space<vmem>>) offsets(%dma_start3A_886 : memref<40xi32, #tpu.memory_space<vmem>>) semaphore(%arg15 : memref<!tpu.dma_semaphore, #tpu.memory_space<semaphore_mem>>)
        %dma_start3A_890 = arith.constant 40 : i32
        %dma_start3A_891 = arith.constant 0 : i32
        %dma_start3A_892 = tpu.memref_slice %arg12[%dma_start3A_890, %dma_start3A_891] : memref<80x128xf32, #tpu.memory_space<vmem>> -> memref<40x128xf32, #tpu.memory_space<vmem>>
        %dma_start3A_893 = arith.constant 40 : i32
        %dma_start3A_894 = tpu.memref_slice %arg8[%add3A_880, %dma_start3A_893] : memref<25x80xi32, #tpu.memory_space<vmem>> -> memref<1x40xi32, #tpu.memory_space<vmem>>
        %dma_start3A_895 = tpu.memref_squeeze %dma_start3A_894 : memref<1x40xi32, #tpu.memory_space<vmem>> -> memref<40xi32, #tpu.memory_space<vmem>>
        %dma_start3A_896 = arith.constant 0 : i32
        %dma_start3A_897 = arith.constant 0 : i32
        %dma_start3A_898 = tpu.memref_slice %arg2[%dma_start3A_896, %dma_start3A_897] : memref<10000x128xf32, #tpu.memory_space<hbm>> -> memref<10000x128xf32, #tpu.memory_space<hbm>>
        tpu.enqueue_indirect_dma source(%dma_start3A_898 : memref<10000x128xf32, #tpu.memory_space<hbm>>) target(%dma_start3A_892 : memref<40x128xf32, #tpu.memory_space<vmem>>) offsets(%dma_start3A_895 : memref<40xi32, #tpu.memory_space<vmem>>) semaphore(%arg15 : memref<!tpu.dma_semaphore, #tpu.memory_space<semaphore_mem>>)
      } else {
      }
      %dma_wait3A_852 = arith.constant 0 : i32
      %dma_wait3A_853 = arith.constant 0 : i32
      %dma_wait3A_854 = arith.constant 0 : i32
      %dma_wait3A_855 = tpu.memref_slice %arg10[%dma_wait3A_853, %dma_wait3A_854] : memref<80x128xf32, #tpu.memory_space<vmem>> -> memref<40x128xf32, #tpu.memory_space<vmem>>
      %dma_wait3A_856 = arith.constant 0 : i32
      %dma_wait3A_857 = tpu.memref_slice %arg6[%dma_wait3A_852, %dma_wait3A_856] : memref<25x80xi32, #tpu.memory_space<vmem>> -> memref<1x40xi32, #tpu.memory_space<vmem>>
      %dma_wait3A_858 = tpu.memref_squeeze %dma_wait3A_857 : memref<1x40xi32, #tpu.memory_space<vmem>> -> memref<40xi32, #tpu.memory_space<vmem>>
      %dma_wait3A_859 = arith.constant 0 : i32
      %dma_wait3A_860 = arith.constant 0 : i32
      %dma_wait3A_861 = tpu.memref_slice %arg2[%dma_wait3A_859, %dma_wait3A_860] : memref<10000x128xf32, #tpu.memory_space<hbm>> -> memref<10000x128xf32, #tpu.memory_space<hbm>>
      tpu.wait_indirect_dma semaphore(%arg13 : memref<!tpu.dma_semaphore, #tpu.memory_space<semaphore_mem>>) src(%dma_wait3A_861 : memref<10000x128xf32, #tpu.memory_space<hbm>>) dst(%dma_wait3A_855 : memref<40x128xf32, #tpu.memory_space<vmem>>)
      %dma_wait3A_862 = arith.constant 0 : i32
      %dma_wait3A_863 = arith.constant 40 : i32
      %dma_wait3A_864 = arith.constant 0 : i32
      %dma_wait3A_865 = tpu.memref_slice %arg10[%dma_wait3A_863, %dma_wait3A_864] : memref<80x128xf32, #tpu.memory_space<vmem>> -> memref<40x128xf32, #tpu.memory_space<vmem>>
      %dma_wait3A_866 = arith.constant 40 : i32
      %dma_wait3A_867 = tpu.memref_slice %arg6[%dma_wait3A_862, %dma_wait3A_866] : memref<25x80xi32, #tpu.memory_space<vmem>> -> memref<1x40xi32, #tpu.memory_space<vmem>>
      %dma_wait3A_868 = tpu.memref_squeeze %dma_wait3A_867 : memref<1x40xi32, #tpu.memory_space<vmem>> -> memref<40xi32, #tpu.memory_space<vmem>>
      %dma_wait3A_869 = arith.constant 0 : i32
      %dma_wait3A_870 = arith.constant 0 : i32
      %dma_wait3A_871 = tpu.memref_slice %arg2[%dma_wait3A_869, %dma_wait3A_870] : memref<10000x128xf32, #tpu.memory_space<hbm>> -> memref<10000x128xf32, #tpu.memory_space<hbm>>
      tpu.wait_indirect_dma semaphore(%arg13 : memref<!tpu.dma_semaphore, #tpu.memory_space<semaphore_mem>>) src(%dma_wait3A_871 : memref<10000x128xf32, #tpu.memory_space<hbm>>) dst(%dma_wait3A_865 : memref<40x128xf32, #tpu.memory_space<vmem>>)
      %dma_start3A_872 = arith.constant 0 : i32
      %dma_start3A_873 = tpu.memref_slice %arg9[%add3A_837, %dma_start3A_872] : memref<25x80xi32, #tpu.memory_space<vmem>> -> memref<1x80xi32, #tpu.memory_space<vmem>>
      %dma_start3A_874 = tpu.memref_squeeze %dma_start3A_873 : memref<1x80xi32, #tpu.memory_space<vmem>> -> memref<80xi32, #tpu.memory_space<vmem>>
      %dma_start3A_875 = arith.constant 0 : i32
      %dma_start3A_876 = arith.constant 0 : i32
      %dma_start3A_877 = tpu.memref_slice %arg5[%dma_start3A_875, %dma_start3A_876] : memref<10000x128xf32, #tpu.memory_space<vmem_shared>> -> memref<10000x128xf32, #tpu.memory_space<vmem_shared>>
      tpu.enqueue_indirect_dma source(%arg10 : memref<80x128xf32, #tpu.memory_space<vmem>>) target(%dma_start3A_877 : memref<10000x128xf32, #tpu.memory_space<vmem_shared>>) offsets(%dma_start3A_874 : memref<80xi32, #tpu.memory_space<vmem>>) semaphore(%arg16 : memref<!tpu.dma_semaphore, #tpu.memory_space<semaphore_mem>>) {add = true}
      %scan3A_878 = arith.constant 0 : i32
      scf.yield %scan3A_878 : i32
    }
    %scan3A_315 = arith.constant 8 : i32
    %dma_wait3A_316 = arith.constant 0 : i32
    %dma_wait3A_317 = arith.constant 0 : i32
    %dma_wait3A_318 = arith.constant 0 : i32
    %dma_wait3A_319 = arith.constant 0 : i32
    %dma_wait3A_320 = tpu.memref_slice %arg3[%dma_wait3A_316, %add3A, %dma_wait3A_317, %dma_wait3A_318, %dma_wait3A_319] : memref<2x32x5x25x80xi32, #tpu.memory_space<hbm>> -> memref<1x1x1x25x80xi32, #tpu.memory_space<hbm>>
    %dma_wait3A_321 = tpu.memref_squeeze %dma_wait3A_320 : memref<1x1x1x25x80xi32, #tpu.memory_space<hbm>> -> memref<25x80xi32, #tpu.memory_space<hbm>>
    %dma_wait3A_322 = arith.constant 0 : i32
    %dma_wait3A_323 = arith.constant 0 : i32
    %dma_wait3A_324 = tpu.memref_slice %arg3[%dma_wait3A_316, %add3A, %dma_wait3A_317, %dma_wait3A_322, %dma_wait3A_323] : memref<2x32x5x25x80xi32, #tpu.memory_space<hbm>> -> memref<1x1x1x25x80xi32, #tpu.memory_space<hbm>>
    %dma_wait3A_325 = tpu.memref_squeeze %dma_wait3A_324 : memref<1x1x1x25x80xi32, #tpu.memory_space<hbm>> -> memref<25x80xi32, #tpu.memory_space<hbm>>
    tpu.wait_dma2 semaphore(%arg19 : memref<!tpu.dma_semaphore, #tpu.memory_space<semaphore_mem>>) src(%dma_wait3A_325 : memref<25x80xi32, #tpu.memory_space<hbm>>) dst(%arg6 : memref<25x80xi32, #tpu.memory_space<vmem>>)
    %dma_wait3A_326 = arith.constant 1 : i32
    %dma_wait3A_327 = arith.constant 0 : i32
    %dma_wait3A_328 = arith.constant 0 : i32
    %dma_wait3A_329 = arith.constant 0 : i32
    %dma_wait3A_330 = tpu.memref_slice %arg3[%dma_wait3A_326, %add3A, %dma_wait3A_327, %dma_wait3A_328, %dma_wait3A_329] : memref<2x32x5x25x80xi32, #tpu.memory_space<hbm>> -> memref<1x1x1x25x80xi32, #tpu.memory_space<hbm>>
    %dma_wait3A_331 = tpu.memref_squeeze %dma_wait3A_330 : memref<1x1x1x25x80xi32, #tpu.memory_space<hbm>> -> memref<25x80xi32, #tpu.memory_space<hbm>>
    %dma_wait3A_332 = arith.constant 0 : i32
    %dma_wait3A_333 = arith.constant 0 : i32
    %dma_wait3A_334 = tpu.memref_slice %arg3[%dma_wait3A_326, %add3A, %dma_wait3A_327, %dma_wait3A_332, %dma_wait3A_333] : memref<2x32x5x25x80xi32, #tpu.memory_space<hbm>> -> memref<1x1x1x25x80xi32, #tpu.memory_space<hbm>>
    %dma_wait3A_335 = tpu.memref_squeeze %dma_wait3A_334 : memref<1x1x1x25x80xi32, #tpu.memory_space<hbm>> -> memref<25x80xi32, #tpu.memory_space<hbm>>
    tpu.wait_dma2 semaphore(%arg19 : memref<!tpu.dma_semaphore, #tpu.memory_space<semaphore_mem>>) src(%dma_wait3A_335 : memref<25x80xi32, #tpu.memory_space<hbm>>) dst(%arg7 : memref<25x80xi32, #tpu.memory_space<vmem>>)
    %dma_start3A_336 = arith.constant 1 : i32
    %dma_start3A_337 = arith.constant 0 : i32
    %dma_start3A_338 = arith.constant 0 : i32
    %dma_start3A_339 = tpu.memref_slice %arg11[%dma_start3A_337, %dma_start3A_338] : memref<80x128xf32, #tpu.memory_space<vmem>> -> memref<40x128xf32, #tpu.memory_space<vmem>>
    %dma_start3A_340 = arith.constant 0 : i32
    %dma_start3A_341 = tpu.memref_slice %arg6[%dma_start3A_336, %dma_start3A_340] : memref<25x80xi32, #tpu.memory_space<vmem>> -> memref<1x40xi32, #tpu.memory_space<vmem>>
    %dma_start3A_342 = tpu.memref_squeeze %dma_start3A_341 : memref<1x40xi32, #tpu.memory_space<vmem>> -> memref<40xi32, #tpu.memory_space<vmem>>
    %dma_start3A_343 = arith.constant 0 : i32
    %dma_start3A_344 = arith.constant 0 : i32
    %dma_start3A_345 = tpu.memref_slice %arg2[%dma_start3A_343, %dma_start3A_344] : memref<10000x128xf32, #tpu.memory_space<hbm>> -> memref<10000x128xf32, #tpu.memory_space<hbm>>
    tpu.enqueue_indirect_dma source(%dma_start3A_345 : memref<10000x128xf32, #tpu.memory_space<hbm>>) target(%dma_start3A_339 : memref<40x128xf32, #tpu.memory_space<vmem>>) offsets(%dma_start3A_342 : memref<40xi32, #tpu.memory_space<vmem>>) semaphore(%arg14 : memref<!tpu.dma_semaphore, #tpu.memory_space<semaphore_mem>>)
    %dma_start3A_346 = arith.constant 1 : i32
    %dma_start3A_347 = arith.constant 40 : i32
    %dma_start3A_348 = arith.constant 0 : i32
    %dma_start3A_349 = tpu.memref_slice %arg11[%dma_start3A_347, %dma_start3A_348] : memref<80x128xf32, #tpu.memory_space<vmem>> -> memref<40x128xf32, #tpu.memory_space<vmem>>
    %dma_start3A_350 = arith.constant 40 : i32
    %dma_start3A_351 = tpu.memref_slice %arg6[%dma_start3A_346, %dma_start3A_350] : memref<25x80xi32, #tpu.memory_space<vmem>> -> memref<1x40xi32, #tpu.memory_space<vmem>>
    %dma_start3A_352 = tpu.memref_squeeze %dma_start3A_351 : memref<1x40xi32, #tpu.memory_space<vmem>> -> memref<40xi32, #tpu.memory_space<vmem>>
    %dma_start3A_353 = arith.constant 0 : i32
    %dma_start3A_354 = arith.constant 0 : i32
    %dma_start3A_355 = tpu.memref_slice %arg2[%dma_start3A_353, %dma_start3A_354] : memref<10000x128xf32, #tpu.memory_space<hbm>> -> memref<10000x128xf32, #tpu.memory_space<hbm>>
    tpu.enqueue_indirect_dma source(%dma_start3A_355 : memref<10000x128xf32, #tpu.memory_space<hbm>>) target(%dma_start3A_349 : memref<40x128xf32, #tpu.memory_space<vmem>>) offsets(%dma_start3A_352 : memref<40xi32, #tpu.memory_space<vmem>>) semaphore(%arg14 : memref<!tpu.dma_semaphore, #tpu.memory_space<semaphore_mem>>)
    %dma_start3A_356 = arith.constant 2 : i32
    %dma_start3A_357 = arith.constant 0 : i32
    %dma_start3A_358 = arith.constant 0 : i32
    %dma_start3A_359 = tpu.memref_slice %arg12[%dma_start3A_357, %dma_start3A_358] : memref<80x128xf32, #tpu.memory_space<vmem>> -> memref<40x128xf32, #tpu.memory_space<vmem>>
    %dma_start3A_360 = arith.constant 0 : i32
    %dma_start3A_361 = tpu.memref_slice %arg6[%dma_start3A_356, %dma_start3A_360] : memref<25x80xi32, #tpu.memory_space<vmem>> -> memref<1x40xi32, #tpu.memory_space<vmem>>
    %dma_start3A_362 = tpu.memref_squeeze %dma_start3A_361 : memref<1x40xi32, #tpu.memory_space<vmem>> -> memref<40xi32, #tpu.memory_space<vmem>>
    %dma_start3A_363 = arith.constant 0 : i32
    %dma_start3A_364 = arith.constant 0 : i32
    %dma_start3A_365 = tpu.memref_slice %arg2[%dma_start3A_363, %dma_start3A_364] : memref<10000x128xf32, #tpu.memory_space<hbm>> -> memref<10000x128xf32, #tpu.memory_space<hbm>>
    tpu.enqueue_indirect_dma source(%dma_start3A_365 : memref<10000x128xf32, #tpu.memory_space<hbm>>) target(%dma_start3A_359 : memref<40x128xf32, #tpu.memory_space<vmem>>) offsets(%dma_start3A_362 : memref<40xi32, #tpu.memory_space<vmem>>) semaphore(%arg15 : memref<!tpu.dma_semaphore, #tpu.memory_space<semaphore_mem>>)
    %dma_start3A_366 = arith.constant 2 : i32
    %dma_start3A_367 = arith.constant 40 : i32
    %dma_start3A_368 = arith.constant 0 : i32
    %dma_start3A_369 = tpu.memref_slice %arg12[%dma_start3A_367, %dma_start3A_368] : memref<80x128xf32, #tpu.memory_space<vmem>> -> memref<40x128xf32, #tpu.memory_space<vmem>>
    %dma_start3A_370 = arith.constant 40 : i32
    %dma_start3A_371 = tpu.memref_slice %arg6[%dma_start3A_366, %dma_start3A_370] : memref<25x80xi32, #tpu.memory_space<vmem>> -> memref<1x40xi32, #tpu.memory_space<vmem>>
    %dma_start3A_372 = tpu.memref_squeeze %dma_start3A_371 : memref<1x40xi32, #tpu.memory_space<vmem>> -> memref<40xi32, #tpu.memory_space<vmem>>
    %dma_start3A_373 = arith.constant 0 : i32
    %dma_start3A_374 = arith.constant 0 : i32
    %dma_start3A_375 = tpu.memref_slice %arg2[%dma_start3A_373, %dma_start3A_374] : memref<10000x128xf32, #tpu.memory_space<hbm>> -> memref<10000x128xf32, #tpu.memory_space<hbm>>
    tpu.enqueue_indirect_dma source(%dma_start3A_375 : memref<10000x128xf32, #tpu.memory_space<hbm>>) target(%dma_start3A_369 : memref<40x128xf32, #tpu.memory_space<vmem>>) offsets(%dma_start3A_372 : memref<40xi32, #tpu.memory_space<vmem>>) semaphore(%arg15 : memref<!tpu.dma_semaphore, #tpu.memory_space<semaphore_mem>>)
    %dma_wait3A_376 = arith.constant 0 : i32
    %dma_wait3A_377 = arith.constant 0 : i32
    %dma_wait3A_378 = tpu.memref_slice %arg7[%dma_wait3A_376, %dma_wait3A_377] : memref<25x80xi32, #tpu.memory_space<vmem>> -> memref<1x80xi32, #tpu.memory_space<vmem>>
    %dma_wait3A_379 = tpu.memref_squeeze %dma_wait3A_378 : memref<1x80xi32, #tpu.memory_space<vmem>> -> memref<80xi32, #tpu.memory_space<vmem>>
    %dma_wait3A_380 = arith.constant 0 : i32
    %dma_wait3A_381 = arith.constant 0 : i32
    %dma_wait3A_382 = tpu.memref_slice %arg5[%dma_wait3A_380, %dma_wait3A_381] : memref<10000x128xf32, #tpu.memory_space<vmem_shared>> -> memref<10000x128xf32, #tpu.memory_space<vmem_shared>>
    tpu.wait_indirect_dma semaphore(%arg16 : memref<!tpu.dma_semaphore, #tpu.memory_space<semaphore_mem>>) src(%arg10 : memref<80x128xf32, #tpu.memory_space<vmem>>) dst(%dma_wait3A_382 : memref<10000x128xf32, #tpu.memory_space<vmem_shared>>)
    %dma_start3A_383 = arith.constant 0 : i32
    %dma_start3A_384 = arith.constant 3 : i32
    %dma_start3A_385 = arith.constant 0 : i32
    %dma_start3A_386 = arith.constant 0 : i32
    %dma_start3A_387 = tpu.memref_slice %arg3[%dma_start3A_383, %add3A, %dma_start3A_384, %dma_start3A_385, %dma_start3A_386] : memref<2x32x5x25x80xi32, #tpu.memory_space<hbm>> -> memref<1x1x1x25x80xi32, #tpu.memory_space<hbm>>
    %dma_start3A_388 = tpu.memref_squeeze %dma_start3A_387 : memref<1x1x1x25x80xi32, #tpu.memory_space<hbm>> -> memref<25x80xi32, #tpu.memory_space<hbm>>
    %dma_start3A_389 = arith.constant 0 : i32
    %dma_start3A_390 = arith.constant 0 : i32
    %dma_start3A_391 = tpu.memref_slice %arg3[%dma_start3A_383, %add3A, %dma_start3A_384, %dma_start3A_389, %dma_start3A_390] : memref<2x32x5x25x80xi32, #tpu.memory_space<hbm>> -> memref<1x1x1x25x80xi32, #tpu.memory_space<hbm>>
    %dma_start3A_392 = tpu.memref_squeeze %dma_start3A_391 : memref<1x1x1x25x80xi32, #tpu.memory_space<hbm>> -> memref<25x80xi32, #tpu.memory_space<hbm>>
    tpu.enqueue_dma source(%dma_start3A_392 : memref<25x80xi32, #tpu.memory_space<hbm>>) target(%arg8 : memref<25x80xi32, #tpu.memory_space<vmem>>) target_semaphore(%arg19 : memref<!tpu.dma_semaphore, #tpu.memory_space<semaphore_mem>>)
    %dma_start3A_393 = arith.constant 1 : i32
    %dma_start3A_394 = arith.constant 3 : i32
    %dma_start3A_395 = arith.constant 0 : i32
    %dma_start3A_396 = arith.constant 0 : i32
    %dma_start3A_397 = tpu.memref_slice %arg3[%dma_start3A_393, %add3A, %dma_start3A_394, %dma_start3A_395, %dma_start3A_396] : memref<2x32x5x25x80xi32, #tpu.memory_space<hbm>> -> memref<1x1x1x25x80xi32, #tpu.memory_space<hbm>>
    %dma_start3A_398 = tpu.memref_squeeze %dma_start3A_397 : memref<1x1x1x25x80xi32, #tpu.memory_space<hbm>> -> memref<25x80xi32, #tpu.memory_space<hbm>>
    %dma_start3A_399 = arith.constant 0 : i32
    %dma_start3A_400 = arith.constant 0 : i32
    %dma_start3A_401 = tpu.memref_slice %arg3[%dma_start3A_393, %add3A, %dma_start3A_394, %dma_start3A_399, %dma_start3A_400] : memref<2x32x5x25x80xi32, #tpu.memory_space<hbm>> -> memref<1x1x1x25x80xi32, #tpu.memory_space<hbm>>
    %dma_start3A_402 = tpu.memref_squeeze %dma_start3A_401 : memref<1x1x1x25x80xi32, #tpu.memory_space<hbm>> -> memref<25x80xi32, #tpu.memory_space<hbm>>
    tpu.enqueue_dma source(%dma_start3A_402 : memref<25x80xi32, #tpu.memory_space<hbm>>) target(%arg9 : memref<25x80xi32, #tpu.memory_space<vmem>>) target_semaphore(%arg19 : memref<!tpu.dma_semaphore, #tpu.memory_space<semaphore_mem>>)
    %dma_start3A_403 = arith.constant 0 : i32
    %dma_start3A_404 = arith.constant 0 : i32
    %dma_start3A_405 = arith.constant 0 : i32
    %dma_start3A_406 = tpu.memref_slice %arg10[%dma_start3A_404, %dma_start3A_405] : memref<80x128xf32, #tpu.memory_space<vmem>> -> memref<40x128xf32, #tpu.memory_space<vmem>>
    %dma_start3A_407 = arith.constant 0 : i32
    %dma_start3A_408 = tpu.memref_slice %arg6[%dma_start3A_403, %dma_start3A_407] : memref<25x80xi32, #tpu.memory_space<vmem>> -> memref<1x40xi32, #tpu.memory_space<vmem>>
    %dma_start3A_409 = tpu.memref_squeeze %dma_start3A_408 : memref<1x40xi32, #tpu.memory_space<vmem>> -> memref<40xi32, #tpu.memory_space<vmem>>
    %dma_start3A_410 = arith.constant 0 : i32
    %dma_start3A_411 = arith.constant 0 : i32
    %dma_start3A_412 = tpu.memref_slice %arg2[%dma_start3A_410, %dma_start3A_411] : memref<10000x128xf32, #tpu.memory_space<hbm>> -> memref<10000x128xf32, #tpu.memory_space<hbm>>
    tpu.enqueue_indirect_dma source(%dma_start3A_412 : memref<10000x128xf32, #tpu.memory_space<hbm>>) target(%dma_start3A_406 : memref<40x128xf32, #tpu.memory_space<vmem>>) offsets(%dma_start3A_409 : memref<40xi32, #tpu.memory_space<vmem>>) semaphore(%arg13 : memref<!tpu.dma_semaphore, #tpu.memory_space<semaphore_mem>>)
    %dma_start3A_413 = arith.constant 0 : i32
    %dma_start3A_414 = arith.constant 40 : i32
    %dma_start3A_415 = arith.constant 0 : i32
    %dma_start3A_416 = tpu.memref_slice %arg10[%dma_start3A_414, %dma_start3A_415] : memref<80x128xf32, #tpu.memory_space<vmem>> -> memref<40x128xf32, #tpu.memory_space<vmem>>
    %dma_start3A_417 = arith.constant 40 : i32
    %dma_start3A_418 = tpu.memref_slice %arg6[%dma_start3A_413, %dma_start3A_417] : memref<25x80xi32, #tpu.memory_space<vmem>> -> memref<1x40xi32, #tpu.memory_space<vmem>>
    %dma_start3A_419 = tpu.memref_squeeze %dma_start3A_418 : memref<1x40xi32, #tpu.memory_space<vmem>> -> memref<40xi32, #tpu.memory_space<vmem>>
    %dma_start3A_420 = arith.constant 0 : i32
    %dma_start3A_421 = arith.constant 0 : i32
    %dma_start3A_422 = tpu.memref_slice %arg2[%dma_start3A_420, %dma_start3A_421] : memref<10000x128xf32, #tpu.memory_space<hbm>> -> memref<10000x128xf32, #tpu.memory_space<hbm>>
    tpu.enqueue_indirect_dma source(%dma_start3A_422 : memref<10000x128xf32, #tpu.memory_space<hbm>>) target(%dma_start3A_416 : memref<40x128xf32, #tpu.memory_space<vmem>>) offsets(%dma_start3A_419 : memref<40xi32, #tpu.memory_space<vmem>>) semaphore(%arg13 : memref<!tpu.dma_semaphore, #tpu.memory_space<semaphore_mem>>)
    %dma_wait3A_423 = arith.constant 0 : i32
    %dma_wait3A_424 = arith.constant 0 : i32
    %dma_wait3A_425 = arith.constant 0 : i32
    %dma_wait3A_426 = tpu.memref_slice %arg10[%dma_wait3A_424, %dma_wait3A_425] : memref<80x128xf32, #tpu.memory_space<vmem>> -> memref<40x128xf32, #tpu.memory_space<vmem>>
    %dma_wait3A_427 = arith.constant 0 : i32
    %dma_wait3A_428 = tpu.memref_slice %arg6[%dma_wait3A_423, %dma_wait3A_427] : memref<25x80xi32, #tpu.memory_space<vmem>> -> memref<1x40xi32, #tpu.memory_space<vmem>>
    %dma_wait3A_429 = tpu.memref_squeeze %dma_wait3A_428 : memref<1x40xi32, #tpu.memory_space<vmem>> -> memref<40xi32, #tpu.memory_space<vmem>>
    %dma_wait3A_430 = arith.constant 0 : i32
    %dma_wait3A_431 = arith.constant 0 : i32
    %dma_wait3A_432 = tpu.memref_slice %arg2[%dma_wait3A_430, %dma_wait3A_431] : memref<10000x128xf32, #tpu.memory_space<hbm>> -> memref<10000x128xf32, #tpu.memory_space<hbm>>
    tpu.wait_indirect_dma semaphore(%arg13 : memref<!tpu.dma_semaphore, #tpu.memory_space<semaphore_mem>>) src(%dma_wait3A_432 : memref<10000x128xf32, #tpu.memory_space<hbm>>) dst(%dma_wait3A_426 : memref<40x128xf32, #tpu.memory_space<vmem>>)
    %dma_wait3A_433 = arith.constant 0 : i32
    %dma_wait3A_434 = arith.constant 40 : i32
    %dma_wait3A_435 = arith.constant 0 : i32
    %dma_wait3A_436 = tpu.memref_slice %arg10[%dma_wait3A_434, %dma_wait3A_435] : memref<80x128xf32, #tpu.memory_space<vmem>> -> memref<40x128xf32, #tpu.memory_space<vmem>>
    %dma_wait3A_437 = arith.constant 40 : i32
    %dma_wait3A_438 = tpu.memref_slice %arg6[%dma_wait3A_433, %dma_wait3A_437] : memref<25x80xi32, #tpu.memory_space<vmem>> -> memref<1x40xi32, #tpu.memory_space<vmem>>
    %dma_wait3A_439 = tpu.memref_squeeze %dma_wait3A_438 : memref<1x40xi32, #tpu.memory_space<vmem>> -> memref<40xi32, #tpu.memory_space<vmem>>
    %dma_wait3A_440 = arith.constant 0 : i32
    %dma_wait3A_441 = arith.constant 0 : i32
    %dma_wait3A_442 = tpu.memref_slice %arg2[%dma_wait3A_440, %dma_wait3A_441] : memref<10000x128xf32, #tpu.memory_space<hbm>> -> memref<10000x128xf32, #tpu.memory_space<hbm>>
    tpu.wait_indirect_dma semaphore(%arg13 : memref<!tpu.dma_semaphore, #tpu.memory_space<semaphore_mem>>) src(%dma_wait3A_442 : memref<10000x128xf32, #tpu.memory_space<hbm>>) dst(%dma_wait3A_436 : memref<40x128xf32, #tpu.memory_space<vmem>>)
    %dma_start3A_443 = arith.constant 0 : i32
    %dma_start3A_444 = arith.constant 0 : i32
    %dma_start3A_445 = tpu.memref_slice %arg7[%dma_start3A_443, %dma_start3A_444] : memref<25x80xi32, #tpu.memory_space<vmem>> -> memref<1x80xi32, #tpu.memory_space<vmem>>
    %dma_start3A_446 = tpu.memref_squeeze %dma_start3A_445 : memref<1x80xi32, #tpu.memory_space<vmem>> -> memref<80xi32, #tpu.memory_space<vmem>>
    %dma_start3A_447 = arith.constant 0 : i32
    %dma_start3A_448 = arith.constant 0 : i32
    %dma_start3A_449 = tpu.memref_slice %arg5[%dma_start3A_447, %dma_start3A_448] : memref<10000x128xf32, #tpu.memory_space<vmem_shared>> -> memref<10000x128xf32, #tpu.memory_space<vmem_shared>>
    tpu.enqueue_indirect_dma source(%arg10 : memref<80x128xf32, #tpu.memory_space<vmem>>) target(%dma_start3A_449 : memref<10000x128xf32, #tpu.memory_space<vmem_shared>>) offsets(%dma_start3A_446 : memref<80xi32, #tpu.memory_space<vmem>>) semaphore(%arg16 : memref<!tpu.dma_semaphore, #tpu.memory_space<semaphore_mem>>) {add = true}
    %scan3A_450 = arith.constant 0 : i32
    %scan3A_451 = arith.constant 0 : i32
    %scan3A_452 = arith.constant 8 : i32
    %scan3A_453 = arith.addi %scan3A_451, %scan3A_452 : i32
    %scan3A_454 = arith.constant 1 : i32
    %scan3A_455 = scf.for %scan3A_741 = %scan3A_451 to %scan3A_453 step %scan3A_454 iter_args(%scan3A_742 = %scan3A_450) -> (i32)  : i32 {
      %mul3A_743 = arith.constant 3 : i32
      %mul3A_744 = arith.muli %mul3A_743, %scan3A_741 : i32
      %add3A_745 = arith.constant 1 : i32
      %add3A_746 = arith.addi %mul3A_744, %add3A_745 : i32
      %add3A_747 = arith.constant 0 : i32
      %add3A_748 = arith.addi %add3A_746, %add3A_747 : i32
      %dma_wait3A_749 = arith.constant 0 : i32
      %dma_wait3A_750 = arith.constant 0 : i32
      %dma_wait3A_751 = tpu.memref_slice %arg7[%dma_wait3A_749, %dma_wait3A_750] : memref<25x80xi32, #tpu.memory_space<vmem>> -> memref<1x80xi32, #tpu.memory_space<vmem>>
      %dma_wait3A_752 = tpu.memref_squeeze %dma_wait3A_751 : memref<1x80xi32, #tpu.memory_space<vmem>> -> memref<80xi32, #tpu.memory_space<vmem>>
      %dma_wait3A_753 = arith.constant 0 : i32
      %dma_wait3A_754 = arith.constant 0 : i32
      %dma_wait3A_755 = tpu.memref_slice %arg5[%dma_wait3A_753, %dma_wait3A_754] : memref<10000x128xf32, #tpu.memory_space<vmem_shared>> -> memref<10000x128xf32, #tpu.memory_space<vmem_shared>>
      tpu.wait_indirect_dma semaphore(%arg16 : memref<!tpu.dma_semaphore, #tpu.memory_space<semaphore_mem>>) src(%arg10 : memref<80x128xf32, #tpu.memory_space<vmem>>) dst(%dma_wait3A_755 : memref<10000x128xf32, #tpu.memory_space<vmem_shared>>)
      %add3A_756 = arith.constant 2 : i32
      %add3A_757 = arith.addi %add3A_748, %add3A_756 : i32
      %le3A = arith.constant 24 : i32
      %le3A_758 = arith.cmpi sle, %add3A_757, %le3A : i32
      %convert_element_type3A = arith.extui %le3A_758 : i1 to i32
      %cond3A = arith.constant 0 : i32
      %cond3A_759 = arith.cmpi ne, %convert_element_type3A, %cond3A : i32
      scf.if %cond3A_759 {
        %add3A_879 = arith.constant 2 : i32
        %add3A_880 = arith.addi %add3A_748, %add3A_879 : i32
        %dma_start3A_881 = arith.constant 0 : i32
        %dma_start3A_882 = arith.constant 0 : i32
        %dma_start3A_883 = tpu.memref_slice %arg10[%dma_start3A_881, %dma_start3A_882] : memref<80x128xf32, #tpu.memory_space<vmem>> -> memref<40x128xf32, #tpu.memory_space<vmem>>
        %dma_start3A_884 = arith.constant 0 : i32
        %dma_start3A_885 = tpu.memref_slice %arg6[%add3A_880, %dma_start3A_884] : memref<25x80xi32, #tpu.memory_space<vmem>> -> memref<1x40xi32, #tpu.memory_space<vmem>>
        %dma_start3A_886 = tpu.memref_squeeze %dma_start3A_885 : memref<1x40xi32, #tpu.memory_space<vmem>> -> memref<40xi32, #tpu.memory_space<vmem>>
        %dma_start3A_887 = arith.constant 0 : i32
        %dma_start3A_888 = arith.constant 0 : i32
        %dma_start3A_889 = tpu.memref_slice %arg2[%dma_start3A_887, %dma_start3A_888] : memref<10000x128xf32, #tpu.memory_space<hbm>> -> memref<10000x128xf32, #tpu.memory_space<hbm>>
        tpu.enqueue_indirect_dma source(%dma_start3A_889 : memref<10000x128xf32, #tpu.memory_space<hbm>>) target(%dma_start3A_883 : memref<40x128xf32, #tpu.memory_space<vmem>>) offsets(%dma_start3A_886 : memref<40xi32, #tpu.memory_space<vmem>>) semaphore(%arg13 : memref<!tpu.dma_semaphore, #tpu.memory_space<semaphore_mem>>)
        %dma_start3A_890 = arith.constant 40 : i32
        %dma_start3A_891 = arith.constant 0 : i32
        %dma_start3A_892 = tpu.memref_slice %arg10[%dma_start3A_890, %dma_start3A_891] : memref<80x128xf32, #tpu.memory_space<vmem>> -> memref<40x128xf32, #tpu.memory_space<vmem>>
        %dma_start3A_893 = arith.constant 40 : i32
        %dma_start3A_894 = tpu.memref_slice %arg6[%add3A_880, %dma_start3A_893] : memref<25x80xi32, #tpu.memory_space<vmem>> -> memref<1x40xi32, #tpu.memory_space<vmem>>
        %dma_start3A_895 = tpu.memref_squeeze %dma_start3A_894 : memref<1x40xi32, #tpu.memory_space<vmem>> -> memref<40xi32, #tpu.memory_space<vmem>>
        %dma_start3A_896 = arith.constant 0 : i32
        %dma_start3A_897 = arith.constant 0 : i32
        %dma_start3A_898 = tpu.memref_slice %arg2[%dma_start3A_896, %dma_start3A_897] : memref<10000x128xf32, #tpu.memory_space<hbm>> -> memref<10000x128xf32, #tpu.memory_space<hbm>>
        tpu.enqueue_indirect_dma source(%dma_start3A_898 : memref<10000x128xf32, #tpu.memory_space<hbm>>) target(%dma_start3A_892 : memref<40x128xf32, #tpu.memory_space<vmem>>) offsets(%dma_start3A_895 : memref<40xi32, #tpu.memory_space<vmem>>) semaphore(%arg13 : memref<!tpu.dma_semaphore, #tpu.memory_space<semaphore_mem>>)
      } else {
      }
      %dma_wait3A_760 = arith.constant 0 : i32
      %dma_wait3A_761 = arith.constant 0 : i32
      %dma_wait3A_762 = arith.constant 0 : i32
      %dma_wait3A_763 = tpu.memref_slice %arg11[%dma_wait3A_761, %dma_wait3A_762] : memref<80x128xf32, #tpu.memory_space<vmem>> -> memref<40x128xf32, #tpu.memory_space<vmem>>
      %dma_wait3A_764 = arith.constant 0 : i32
      %dma_wait3A_765 = tpu.memref_slice %arg6[%dma_wait3A_760, %dma_wait3A_764] : memref<25x80xi32, #tpu.memory_space<vmem>> -> memref<1x40xi32, #tpu.memory_space<vmem>>
      %dma_wait3A_766 = tpu.memref_squeeze %dma_wait3A_765 : memref<1x40xi32, #tpu.memory_space<vmem>> -> memref<40xi32, #tpu.memory_space<vmem>>
      %dma_wait3A_767 = arith.constant 0 : i32
      %dma_wait3A_768 = arith.constant 0 : i32
      %dma_wait3A_769 = tpu.memref_slice %arg2[%dma_wait3A_767, %dma_wait3A_768] : memref<10000x128xf32, #tpu.memory_space<hbm>> -> memref<10000x128xf32, #tpu.memory_space<hbm>>
      tpu.wait_indirect_dma semaphore(%arg14 : memref<!tpu.dma_semaphore, #tpu.memory_space<semaphore_mem>>) src(%dma_wait3A_769 : memref<10000x128xf32, #tpu.memory_space<hbm>>) dst(%dma_wait3A_763 : memref<40x128xf32, #tpu.memory_space<vmem>>)
      %dma_wait3A_770 = arith.constant 0 : i32
      %dma_wait3A_771 = arith.constant 40 : i32
      %dma_wait3A_772 = arith.constant 0 : i32
      %dma_wait3A_773 = tpu.memref_slice %arg11[%dma_wait3A_771, %dma_wait3A_772] : memref<80x128xf32, #tpu.memory_space<vmem>> -> memref<40x128xf32, #tpu.memory_space<vmem>>
      %dma_wait3A_774 = arith.constant 40 : i32
      %dma_wait3A_775 = tpu.memref_slice %arg6[%dma_wait3A_770, %dma_wait3A_774] : memref<25x80xi32, #tpu.memory_space<vmem>> -> memref<1x40xi32, #tpu.memory_space<vmem>>
      %dma_wait3A_776 = tpu.memref_squeeze %dma_wait3A_775 : memref<1x40xi32, #tpu.memory_space<vmem>> -> memref<40xi32, #tpu.memory_space<vmem>>
      %dma_wait3A_777 = arith.constant 0 : i32
      %dma_wait3A_778 = arith.constant 0 : i32
      %dma_wait3A_779 = tpu.memref_slice %arg2[%dma_wait3A_777, %dma_wait3A_778] : memref<10000x128xf32, #tpu.memory_space<hbm>> -> memref<10000x128xf32, #tpu.memory_space<hbm>>
      tpu.wait_indirect_dma semaphore(%arg14 : memref<!tpu.dma_semaphore, #tpu.memory_space<semaphore_mem>>) src(%dma_wait3A_779 : memref<10000x128xf32, #tpu.memory_space<hbm>>) dst(%dma_wait3A_773 : memref<40x128xf32, #tpu.memory_space<vmem>>)
      %dma_start3A_780 = arith.constant 0 : i32
      %dma_start3A_781 = tpu.memref_slice %arg7[%add3A_748, %dma_start3A_780] : memref<25x80xi32, #tpu.memory_space<vmem>> -> memref<1x80xi32, #tpu.memory_space<vmem>>
      %dma_start3A_782 = tpu.memref_squeeze %dma_start3A_781 : memref<1x80xi32, #tpu.memory_space<vmem>> -> memref<80xi32, #tpu.memory_space<vmem>>
      %dma_start3A_783 = arith.constant 0 : i32
      %dma_start3A_784 = arith.constant 0 : i32
      %dma_start3A_785 = tpu.memref_slice %arg5[%dma_start3A_783, %dma_start3A_784] : memref<10000x128xf32, #tpu.memory_space<vmem_shared>> -> memref<10000x128xf32, #tpu.memory_space<vmem_shared>>
      tpu.enqueue_indirect_dma source(%arg11 : memref<80x128xf32, #tpu.memory_space<vmem>>) target(%dma_start3A_785 : memref<10000x128xf32, #tpu.memory_space<vmem_shared>>) offsets(%dma_start3A_782 : memref<80xi32, #tpu.memory_space<vmem>>) semaphore(%arg17 : memref<!tpu.dma_semaphore, #tpu.memory_space<semaphore_mem>>) {add = true}
      %mul3A_786 = arith.constant 3 : i32
      %mul3A_787 = arith.muli %mul3A_786, %scan3A_741 : i32
      %add3A_788 = arith.constant 1 : i32
      %add3A_789 = arith.addi %mul3A_787, %add3A_788 : i32
      %add3A_790 = arith.constant 1 : i32
      %add3A_791 = arith.addi %add3A_789, %add3A_790 : i32
      %dma_wait3A_792 = arith.constant 0 : i32
      %dma_wait3A_793 = arith.constant 0 : i32
      %dma_wait3A_794 = tpu.memref_slice %arg7[%dma_wait3A_792, %dma_wait3A_793] : memref<25x80xi32, #tpu.memory_space<vmem>> -> memref<1x80xi32, #tpu.memory_space<vmem>>
      %dma_wait3A_795 = tpu.memref_squeeze %dma_wait3A_794 : memref<1x80xi32, #tpu.memory_space<vmem>> -> memref<80xi32, #tpu.memory_space<vmem>>
      %dma_wait3A_796 = arith.constant 0 : i32
      %dma_wait3A_797 = arith.constant 0 : i32
      %dma_wait3A_798 = tpu.memref_slice %arg5[%dma_wait3A_796, %dma_wait3A_797] : memref<10000x128xf32, #tpu.memory_space<vmem_shared>> -> memref<10000x128xf32, #tpu.memory_space<vmem_shared>>
      tpu.wait_indirect_dma semaphore(%arg17 : memref<!tpu.dma_semaphore, #tpu.memory_space<semaphore_mem>>) src(%arg11 : memref<80x128xf32, #tpu.memory_space<vmem>>) dst(%dma_wait3A_798 : memref<10000x128xf32, #tpu.memory_space<vmem_shared>>)
      %add3A_799 = arith.constant 2 : i32
      %add3A_800 = arith.addi %add3A_791, %add3A_799 : i32
      %le3A_801 = arith.constant 24 : i32
      %le3A_802 = arith.cmpi sle, %add3A_800, %le3A_801 : i32
      %convert_element_type3A_803 = arith.extui %le3A_802 : i1 to i32
      %cond3A_804 = arith.constant 0 : i32
      %cond3A_805 = arith.cmpi ne, %convert_element_type3A_803, %cond3A_804 : i32
      scf.if %cond3A_805 {
        %add3A_879 = arith.constant 2 : i32
        %add3A_880 = arith.addi %add3A_791, %add3A_879 : i32
        %dma_start3A_881 = arith.constant 0 : i32
        %dma_start3A_882 = arith.constant 0 : i32
        %dma_start3A_883 = tpu.memref_slice %arg11[%dma_start3A_881, %dma_start3A_882] : memref<80x128xf32, #tpu.memory_space<vmem>> -> memref<40x128xf32, #tpu.memory_space<vmem>>
        %dma_start3A_884 = arith.constant 0 : i32
        %dma_start3A_885 = tpu.memref_slice %arg6[%add3A_880, %dma_start3A_884] : memref<25x80xi32, #tpu.memory_space<vmem>> -> memref<1x40xi32, #tpu.memory_space<vmem>>
        %dma_start3A_886 = tpu.memref_squeeze %dma_start3A_885 : memref<1x40xi32, #tpu.memory_space<vmem>> -> memref<40xi32, #tpu.memory_space<vmem>>
        %dma_start3A_887 = arith.constant 0 : i32
        %dma_start3A_888 = arith.constant 0 : i32
        %dma_start3A_889 = tpu.memref_slice %arg2[%dma_start3A_887, %dma_start3A_888] : memref<10000x128xf32, #tpu.memory_space<hbm>> -> memref<10000x128xf32, #tpu.memory_space<hbm>>
        tpu.enqueue_indirect_dma source(%dma_start3A_889 : memref<10000x128xf32, #tpu.memory_space<hbm>>) target(%dma_start3A_883 : memref<40x128xf32, #tpu.memory_space<vmem>>) offsets(%dma_start3A_886 : memref<40xi32, #tpu.memory_space<vmem>>) semaphore(%arg14 : memref<!tpu.dma_semaphore, #tpu.memory_space<semaphore_mem>>)
        %dma_start3A_890 = arith.constant 40 : i32
        %dma_start3A_891 = arith.constant 0 : i32
        %dma_start3A_892 = tpu.memref_slice %arg11[%dma_start3A_890, %dma_start3A_891] : memref<80x128xf32, #tpu.memory_space<vmem>> -> memref<40x128xf32, #tpu.memory_space<vmem>>
        %dma_start3A_893 = arith.constant 40 : i32
        %dma_start3A_894 = tpu.memref_slice %arg6[%add3A_880, %dma_start3A_893] : memref<25x80xi32, #tpu.memory_space<vmem>> -> memref<1x40xi32, #tpu.memory_space<vmem>>
        %dma_start3A_895 = tpu.memref_squeeze %dma_start3A_894 : memref<1x40xi32, #tpu.memory_space<vmem>> -> memref<40xi32, #tpu.memory_space<vmem>>
        %dma_start3A_896 = arith.constant 0 : i32
        %dma_start3A_897 = arith.constant 0 : i32
        %dma_start3A_898 = tpu.memref_slice %arg2[%dma_start3A_896, %dma_start3A_897] : memref<10000x128xf32, #tpu.memory_space<hbm>> -> memref<10000x128xf32, #tpu.memory_space<hbm>>
        tpu.enqueue_indirect_dma source(%dma_start3A_898 : memref<10000x128xf32, #tpu.memory_space<hbm>>) target(%dma_start3A_892 : memref<40x128xf32, #tpu.memory_space<vmem>>) offsets(%dma_start3A_895 : memref<40xi32, #tpu.memory_space<vmem>>) semaphore(%arg14 : memref<!tpu.dma_semaphore, #tpu.memory_space<semaphore_mem>>)
      } else {
      }
      %dma_wait3A_806 = arith.constant 0 : i32
      %dma_wait3A_807 = arith.constant 0 : i32
      %dma_wait3A_808 = arith.constant 0 : i32
      %dma_wait3A_809 = tpu.memref_slice %arg12[%dma_wait3A_807, %dma_wait3A_808] : memref<80x128xf32, #tpu.memory_space<vmem>> -> memref<40x128xf32, #tpu.memory_space<vmem>>
      %dma_wait3A_810 = arith.constant 0 : i32
      %dma_wait3A_811 = tpu.memref_slice %arg6[%dma_wait3A_806, %dma_wait3A_810] : memref<25x80xi32, #tpu.memory_space<vmem>> -> memref<1x40xi32, #tpu.memory_space<vmem>>
      %dma_wait3A_812 = tpu.memref_squeeze %dma_wait3A_811 : memref<1x40xi32, #tpu.memory_space<vmem>> -> memref<40xi32, #tpu.memory_space<vmem>>
      %dma_wait3A_813 = arith.constant 0 : i32
      %dma_wait3A_814 = arith.constant 0 : i32
      %dma_wait3A_815 = tpu.memref_slice %arg2[%dma_wait3A_813, %dma_wait3A_814] : memref<10000x128xf32, #tpu.memory_space<hbm>> -> memref<10000x128xf32, #tpu.memory_space<hbm>>
      tpu.wait_indirect_dma semaphore(%arg15 : memref<!tpu.dma_semaphore, #tpu.memory_space<semaphore_mem>>) src(%dma_wait3A_815 : memref<10000x128xf32, #tpu.memory_space<hbm>>) dst(%dma_wait3A_809 : memref<40x128xf32, #tpu.memory_space<vmem>>)
      %dma_wait3A_816 = arith.constant 0 : i32
      %dma_wait3A_817 = arith.constant 40 : i32
      %dma_wait3A_818 = arith.constant 0 : i32
      %dma_wait3A_819 = tpu.memref_slice %arg12[%dma_wait3A_817, %dma_wait3A_818] : memref<80x128xf32, #tpu.memory_space<vmem>> -> memref<40x128xf32, #tpu.memory_space<vmem>>
      %dma_wait3A_820 = arith.constant 40 : i32
      %dma_wait3A_821 = tpu.memref_slice %arg6[%dma_wait3A_816, %dma_wait3A_820] : memref<25x80xi32, #tpu.memory_space<vmem>> -> memref<1x40xi32, #tpu.memory_space<vmem>>
      %dma_wait3A_822 = tpu.memref_squeeze %dma_wait3A_821 : memref<1x40xi32, #tpu.memory_space<vmem>> -> memref<40xi32, #tpu.memory_space<vmem>>
      %dma_wait3A_823 = arith.constant 0 : i32
      %dma_wait3A_824 = arith.constant 0 : i32
      %dma_wait3A_825 = tpu.memref_slice %arg2[%dma_wait3A_823, %dma_wait3A_824] : memref<10000x128xf32, #tpu.memory_space<hbm>> -> memref<10000x128xf32, #tpu.memory_space<hbm>>
      tpu.wait_indirect_dma semaphore(%arg15 : memref<!tpu.dma_semaphore, #tpu.memory_space<semaphore_mem>>) src(%dma_wait3A_825 : memref<10000x128xf32, #tpu.memory_space<hbm>>) dst(%dma_wait3A_819 : memref<40x128xf32, #tpu.memory_space<vmem>>)
      %dma_start3A_826 = arith.constant 0 : i32
      %dma_start3A_827 = tpu.memref_slice %arg7[%add3A_791, %dma_start3A_826] : memref<25x80xi32, #tpu.memory_space<vmem>> -> memref<1x80xi32, #tpu.memory_space<vmem>>
      %dma_start3A_828 = tpu.memref_squeeze %dma_start3A_827 : memref<1x80xi32, #tpu.memory_space<vmem>> -> memref<80xi32, #tpu.memory_space<vmem>>
      %dma_start3A_829 = arith.constant 0 : i32
      %dma_start3A_830 = arith.constant 0 : i32
      %dma_start3A_831 = tpu.memref_slice %arg5[%dma_start3A_829, %dma_start3A_830] : memref<10000x128xf32, #tpu.memory_space<vmem_shared>> -> memref<10000x128xf32, #tpu.memory_space<vmem_shared>>
      tpu.enqueue_indirect_dma source(%arg12 : memref<80x128xf32, #tpu.memory_space<vmem>>) target(%dma_start3A_831 : memref<10000x128xf32, #tpu.memory_space<vmem_shared>>) offsets(%dma_start3A_828 : memref<80xi32, #tpu.memory_space<vmem>>) semaphore(%arg18 : memref<!tpu.dma_semaphore, #tpu.memory_space<semaphore_mem>>) {add = true}
      %mul3A_832 = arith.constant 3 : i32
      %mul3A_833 = arith.muli %mul3A_832, %scan3A_741 : i32
      %add3A_834 = arith.constant 1 : i32
      %add3A_835 = arith.addi %mul3A_833, %add3A_834 : i32
      %add3A_836 = arith.constant 2 : i32
      %add3A_837 = arith.addi %add3A_835, %add3A_836 : i32
      %dma_wait3A_838 = arith.constant 0 : i32
      %dma_wait3A_839 = arith.constant 0 : i32
      %dma_wait3A_840 = tpu.memref_slice %arg7[%dma_wait3A_838, %dma_wait3A_839] : memref<25x80xi32, #tpu.memory_space<vmem>> -> memref<1x80xi32, #tpu.memory_space<vmem>>
      %dma_wait3A_841 = tpu.memref_squeeze %dma_wait3A_840 : memref<1x80xi32, #tpu.memory_space<vmem>> -> memref<80xi32, #tpu.memory_space<vmem>>
      %dma_wait3A_842 = arith.constant 0 : i32
      %dma_wait3A_843 = arith.constant 0 : i32
      %dma_wait3A_844 = tpu.memref_slice %arg5[%dma_wait3A_842, %dma_wait3A_843] : memref<10000x128xf32, #tpu.memory_space<vmem_shared>> -> memref<10000x128xf32, #tpu.memory_space<vmem_shared>>
      tpu.wait_indirect_dma semaphore(%arg18 : memref<!tpu.dma_semaphore, #tpu.memory_space<semaphore_mem>>) src(%arg12 : memref<80x128xf32, #tpu.memory_space<vmem>>) dst(%dma_wait3A_844 : memref<10000x128xf32, #tpu.memory_space<vmem_shared>>)
      %add3A_845 = arith.constant 2 : i32
      %add3A_846 = arith.addi %add3A_837, %add3A_845 : i32
      %le3A_847 = arith.constant 24 : i32
      %le3A_848 = arith.cmpi sle, %add3A_846, %le3A_847 : i32
      %convert_element_type3A_849 = arith.extui %le3A_848 : i1 to i32
      %cond3A_850 = arith.constant 0 : i32
      %cond3A_851 = arith.cmpi ne, %convert_element_type3A_849, %cond3A_850 : i32
      scf.if %cond3A_851 {
        %add3A_879 = arith.constant 2 : i32
        %add3A_880 = arith.addi %add3A_837, %add3A_879 : i32
        %dma_start3A_881 = arith.constant 0 : i32
        %dma_start3A_882 = arith.constant 0 : i32
        %dma_start3A_883 = tpu.memref_slice %arg12[%dma_start3A_881, %dma_start3A_882] : memref<80x128xf32, #tpu.memory_space<vmem>> -> memref<40x128xf32, #tpu.memory_space<vmem>>
        %dma_start3A_884 = arith.constant 0 : i32
        %dma_start3A_885 = tpu.memref_slice %arg6[%add3A_880, %dma_start3A_884] : memref<25x80xi32, #tpu.memory_space<vmem>> -> memref<1x40xi32, #tpu.memory_space<vmem>>
        %dma_start3A_886 = tpu.memref_squeeze %dma_start3A_885 : memref<1x40xi32, #tpu.memory_space<vmem>> -> memref<40xi32, #tpu.memory_space<vmem>>
        %dma_start3A_887 = arith.constant 0 : i32
        %dma_start3A_888 = arith.constant 0 : i32
        %dma_start3A_889 = tpu.memref_slice %arg2[%dma_start3A_887, %dma_start3A_888] : memref<10000x128xf32, #tpu.memory_space<hbm>> -> memref<10000x128xf32, #tpu.memory_space<hbm>>
        tpu.enqueue_indirect_dma source(%dma_start3A_889 : memref<10000x128xf32, #tpu.memory_space<hbm>>) target(%dma_start3A_883 : memref<40x128xf32, #tpu.memory_space<vmem>>) offsets(%dma_start3A_886 : memref<40xi32, #tpu.memory_space<vmem>>) semaphore(%arg15 : memref<!tpu.dma_semaphore, #tpu.memory_space<semaphore_mem>>)
        %dma_start3A_890 = arith.constant 40 : i32
        %dma_start3A_891 = arith.constant 0 : i32
        %dma_start3A_892 = tpu.memref_slice %arg12[%dma_start3A_890, %dma_start3A_891] : memref<80x128xf32, #tpu.memory_space<vmem>> -> memref<40x128xf32, #tpu.memory_space<vmem>>
        %dma_start3A_893 = arith.constant 40 : i32
        %dma_start3A_894 = tpu.memref_slice %arg6[%add3A_880, %dma_start3A_893] : memref<25x80xi32, #tpu.memory_space<vmem>> -> memref<1x40xi32, #tpu.memory_space<vmem>>
        %dma_start3A_895 = tpu.memref_squeeze %dma_start3A_894 : memref<1x40xi32, #tpu.memory_space<vmem>> -> memref<40xi32, #tpu.memory_space<vmem>>
        %dma_start3A_896 = arith.constant 0 : i32
        %dma_start3A_897 = arith.constant 0 : i32
        %dma_start3A_898 = tpu.memref_slice %arg2[%dma_start3A_896, %dma_start3A_897] : memref<10000x128xf32, #tpu.memory_space<hbm>> -> memref<10000x128xf32, #tpu.memory_space<hbm>>
        tpu.enqueue_indirect_dma source(%dma_start3A_898 : memref<10000x128xf32, #tpu.memory_space<hbm>>) target(%dma_start3A_892 : memref<40x128xf32, #tpu.memory_space<vmem>>) offsets(%dma_start3A_895 : memref<40xi32, #tpu.memory_space<vmem>>) semaphore(%arg15 : memref<!tpu.dma_semaphore, #tpu.memory_space<semaphore_mem>>)
      } else {
      }
      %dma_wait3A_852 = arith.constant 0 : i32
      %dma_wait3A_853 = arith.constant 0 : i32
      %dma_wait3A_854 = arith.constant 0 : i32
      %dma_wait3A_855 = tpu.memref_slice %arg10[%dma_wait3A_853, %dma_wait3A_854] : memref<80x128xf32, #tpu.memory_space<vmem>> -> memref<40x128xf32, #tpu.memory_space<vmem>>
      %dma_wait3A_856 = arith.constant 0 : i32
      %dma_wait3A_857 = tpu.memref_slice %arg6[%dma_wait3A_852, %dma_wait3A_856] : memref<25x80xi32, #tpu.memory_space<vmem>> -> memref<1x40xi32, #tpu.memory_space<vmem>>
      %dma_wait3A_858 = tpu.memref_squeeze %dma_wait3A_857 : memref<1x40xi32, #tpu.memory_space<vmem>> -> memref<40xi32, #tpu.memory_space<vmem>>
      %dma_wait3A_859 = arith.constant 0 : i32
      %dma_wait3A_860 = arith.constant 0 : i32
      %dma_wait3A_861 = tpu.memref_slice %arg2[%dma_wait3A_859, %dma_wait3A_860] : memref<10000x128xf32, #tpu.memory_space<hbm>> -> memref<10000x128xf32, #tpu.memory_space<hbm>>
      tpu.wait_indirect_dma semaphore(%arg13 : memref<!tpu.dma_semaphore, #tpu.memory_space<semaphore_mem>>) src(%dma_wait3A_861 : memref<10000x128xf32, #tpu.memory_space<hbm>>) dst(%dma_wait3A_855 : memref<40x128xf32, #tpu.memory_space<vmem>>)
      %dma_wait3A_862 = arith.constant 0 : i32
      %dma_wait3A_863 = arith.constant 40 : i32
      %dma_wait3A_864 = arith.constant 0 : i32
      %dma_wait3A_865 = tpu.memref_slice %arg10[%dma_wait3A_863, %dma_wait3A_864] : memref<80x128xf32, #tpu.memory_space<vmem>> -> memref<40x128xf32, #tpu.memory_space<vmem>>
      %dma_wait3A_866 = arith.constant 40 : i32
      %dma_wait3A_867 = tpu.memref_slice %arg6[%dma_wait3A_862, %dma_wait3A_866] : memref<25x80xi32, #tpu.memory_space<vmem>> -> memref<1x40xi32, #tpu.memory_space<vmem>>
      %dma_wait3A_868 = tpu.memref_squeeze %dma_wait3A_867 : memref<1x40xi32, #tpu.memory_space<vmem>> -> memref<40xi32, #tpu.memory_space<vmem>>
      %dma_wait3A_869 = arith.constant 0 : i32
      %dma_wait3A_870 = arith.constant 0 : i32
      %dma_wait3A_871 = tpu.memref_slice %arg2[%dma_wait3A_869, %dma_wait3A_870] : memref<10000x128xf32, #tpu.memory_space<hbm>> -> memref<10000x128xf32, #tpu.memory_space<hbm>>
      tpu.wait_indirect_dma semaphore(%arg13 : memref<!tpu.dma_semaphore, #tpu.memory_space<semaphore_mem>>) src(%dma_wait3A_871 : memref<10000x128xf32, #tpu.memory_space<hbm>>) dst(%dma_wait3A_865 : memref<40x128xf32, #tpu.memory_space<vmem>>)
      %dma_start3A_872 = arith.constant 0 : i32
      %dma_start3A_873 = tpu.memref_slice %arg7[%add3A_837, %dma_start3A_872] : memref<25x80xi32, #tpu.memory_space<vmem>> -> memref<1x80xi32, #tpu.memory_space<vmem>>
      %dma_start3A_874 = tpu.memref_squeeze %dma_start3A_873 : memref<1x80xi32, #tpu.memory_space<vmem>> -> memref<80xi32, #tpu.memory_space<vmem>>
      %dma_start3A_875 = arith.constant 0 : i32
      %dma_start3A_876 = arith.constant 0 : i32
      %dma_start3A_877 = tpu.memref_slice %arg5[%dma_start3A_875, %dma_start3A_876] : memref<10000x128xf32, #tpu.memory_space<vmem_shared>> -> memref<10000x128xf32, #tpu.memory_space<vmem_shared>>
      tpu.enqueue_indirect_dma source(%arg10 : memref<80x128xf32, #tpu.memory_space<vmem>>) target(%dma_start3A_877 : memref<10000x128xf32, #tpu.memory_space<vmem_shared>>) offsets(%dma_start3A_874 : memref<80xi32, #tpu.memory_space<vmem>>) semaphore(%arg16 : memref<!tpu.dma_semaphore, #tpu.memory_space<semaphore_mem>>) {add = true}
      %scan3A_878 = arith.constant 0 : i32
      scf.yield %scan3A_878 : i32
    }
    %scan3A_456 = arith.constant 8 : i32
    %dma_wait3A_457 = arith.constant 0 : i32
    %dma_wait3A_458 = arith.constant 0 : i32
    %dma_wait3A_459 = arith.constant 0 : i32
    %dma_wait3A_460 = arith.constant 0 : i32
    %dma_wait3A_461 = tpu.memref_slice %arg3[%dma_wait3A_457, %add3A, %dma_wait3A_458, %dma_wait3A_459, %dma_wait3A_460] : memref<2x32x5x25x80xi32, #tpu.memory_space<hbm>> -> memref<1x1x1x25x80xi32, #tpu.memory_space<hbm>>
    %dma_wait3A_462 = tpu.memref_squeeze %dma_wait3A_461 : memref<1x1x1x25x80xi32, #tpu.memory_space<hbm>> -> memref<25x80xi32, #tpu.memory_space<hbm>>
    %dma_wait3A_463 = arith.constant 0 : i32
    %dma_wait3A_464 = arith.constant 0 : i32
    %dma_wait3A_465 = tpu.memref_slice %arg3[%dma_wait3A_457, %add3A, %dma_wait3A_458, %dma_wait3A_463, %dma_wait3A_464] : memref<2x32x5x25x80xi32, #tpu.memory_space<hbm>> -> memref<1x1x1x25x80xi32, #tpu.memory_space<hbm>>
    %dma_wait3A_466 = tpu.memref_squeeze %dma_wait3A_465 : memref<1x1x1x25x80xi32, #tpu.memory_space<hbm>> -> memref<25x80xi32, #tpu.memory_space<hbm>>
    tpu.wait_dma2 semaphore(%arg19 : memref<!tpu.dma_semaphore, #tpu.memory_space<semaphore_mem>>) src(%dma_wait3A_466 : memref<25x80xi32, #tpu.memory_space<hbm>>) dst(%arg8 : memref<25x80xi32, #tpu.memory_space<vmem>>)
    %dma_wait3A_467 = arith.constant 1 : i32
    %dma_wait3A_468 = arith.constant 0 : i32
    %dma_wait3A_469 = arith.constant 0 : i32
    %dma_wait3A_470 = arith.constant 0 : i32
    %dma_wait3A_471 = tpu.memref_slice %arg3[%dma_wait3A_467, %add3A, %dma_wait3A_468, %dma_wait3A_469, %dma_wait3A_470] : memref<2x32x5x25x80xi32, #tpu.memory_space<hbm>> -> memref<1x1x1x25x80xi32, #tpu.memory_space<hbm>>
    %dma_wait3A_472 = tpu.memref_squeeze %dma_wait3A_471 : memref<1x1x1x25x80xi32, #tpu.memory_space<hbm>> -> memref<25x80xi32, #tpu.memory_space<hbm>>
    %dma_wait3A_473 = arith.constant 0 : i32
    %dma_wait3A_474 = arith.constant 0 : i32
    %dma_wait3A_475 = tpu.memref_slice %arg3[%dma_wait3A_467, %add3A, %dma_wait3A_468, %dma_wait3A_473, %dma_wait3A_474] : memref<2x32x5x25x80xi32, #tpu.memory_space<hbm>> -> memref<1x1x1x25x80xi32, #tpu.memory_space<hbm>>
    %dma_wait3A_476 = tpu.memref_squeeze %dma_wait3A_475 : memref<1x1x1x25x80xi32, #tpu.memory_space<hbm>> -> memref<25x80xi32, #tpu.memory_space<hbm>>
    tpu.wait_dma2 semaphore(%arg19 : memref<!tpu.dma_semaphore, #tpu.memory_space<semaphore_mem>>) src(%dma_wait3A_476 : memref<25x80xi32, #tpu.memory_space<hbm>>) dst(%arg9 : memref<25x80xi32, #tpu.memory_space<vmem>>)
    %dma_start3A_477 = arith.constant 1 : i32
    %dma_start3A_478 = arith.constant 0 : i32
    %dma_start3A_479 = arith.constant 0 : i32
    %dma_start3A_480 = tpu.memref_slice %arg11[%dma_start3A_478, %dma_start3A_479] : memref<80x128xf32, #tpu.memory_space<vmem>> -> memref<40x128xf32, #tpu.memory_space<vmem>>
    %dma_start3A_481 = arith.constant 0 : i32
    %dma_start3A_482 = tpu.memref_slice %arg8[%dma_start3A_477, %dma_start3A_481] : memref<25x80xi32, #tpu.memory_space<vmem>> -> memref<1x40xi32, #tpu.memory_space<vmem>>
    %dma_start3A_483 = tpu.memref_squeeze %dma_start3A_482 : memref<1x40xi32, #tpu.memory_space<vmem>> -> memref<40xi32, #tpu.memory_space<vmem>>
    %dma_start3A_484 = arith.constant 0 : i32
    %dma_start3A_485 = arith.constant 0 : i32
    %dma_start3A_486 = tpu.memref_slice %arg2[%dma_start3A_484, %dma_start3A_485] : memref<10000x128xf32, #tpu.memory_space<hbm>> -> memref<10000x128xf32, #tpu.memory_space<hbm>>
    tpu.enqueue_indirect_dma source(%dma_start3A_486 : memref<10000x128xf32, #tpu.memory_space<hbm>>) target(%dma_start3A_480 : memref<40x128xf32, #tpu.memory_space<vmem>>) offsets(%dma_start3A_483 : memref<40xi32, #tpu.memory_space<vmem>>) semaphore(%arg14 : memref<!tpu.dma_semaphore, #tpu.memory_space<semaphore_mem>>)
    %dma_start3A_487 = arith.constant 1 : i32
    %dma_start3A_488 = arith.constant 40 : i32
    %dma_start3A_489 = arith.constant 0 : i32
    %dma_start3A_490 = tpu.memref_slice %arg11[%dma_start3A_488, %dma_start3A_489] : memref<80x128xf32, #tpu.memory_space<vmem>> -> memref<40x128xf32, #tpu.memory_space<vmem>>
    %dma_start3A_491 = arith.constant 40 : i32
    %dma_start3A_492 = tpu.memref_slice %arg8[%dma_start3A_487, %dma_start3A_491] : memref<25x80xi32, #tpu.memory_space<vmem>> -> memref<1x40xi32, #tpu.memory_space<vmem>>
    %dma_start3A_493 = tpu.memref_squeeze %dma_start3A_492 : memref<1x40xi32, #tpu.memory_space<vmem>> -> memref<40xi32, #tpu.memory_space<vmem>>
    %dma_start3A_494 = arith.constant 0 : i32
    %dma_start3A_495 = arith.constant 0 : i32
    %dma_start3A_496 = tpu.memref_slice %arg2[%dma_start3A_494, %dma_start3A_495] : memref<10000x128xf32, #tpu.memory_space<hbm>> -> memref<10000x128xf32, #tpu.memory_space<hbm>>
    tpu.enqueue_indirect_dma source(%dma_start3A_496 : memref<10000x128xf32, #tpu.memory_space<hbm>>) target(%dma_start3A_490 : memref<40x128xf32, #tpu.memory_space<vmem>>) offsets(%dma_start3A_493 : memref<40xi32, #tpu.memory_space<vmem>>) semaphore(%arg14 : memref<!tpu.dma_semaphore, #tpu.memory_space<semaphore_mem>>)
    %dma_start3A_497 = arith.constant 2 : i32
    %dma_start3A_498 = arith.constant 0 : i32
    %dma_start3A_499 = arith.constant 0 : i32
    %dma_start3A_500 = tpu.memref_slice %arg12[%dma_start3A_498, %dma_start3A_499] : memref<80x128xf32, #tpu.memory_space<vmem>> -> memref<40x128xf32, #tpu.memory_space<vmem>>
    %dma_start3A_501 = arith.constant 0 : i32
    %dma_start3A_502 = tpu.memref_slice %arg8[%dma_start3A_497, %dma_start3A_501] : memref<25x80xi32, #tpu.memory_space<vmem>> -> memref<1x40xi32, #tpu.memory_space<vmem>>
    %dma_start3A_503 = tpu.memref_squeeze %dma_start3A_502 : memref<1x40xi32, #tpu.memory_space<vmem>> -> memref<40xi32, #tpu.memory_space<vmem>>
    %dma_start3A_504 = arith.constant 0 : i32
    %dma_start3A_505 = arith.constant 0 : i32
    %dma_start3A_506 = tpu.memref_slice %arg2[%dma_start3A_504, %dma_start3A_505] : memref<10000x128xf32, #tpu.memory_space<hbm>> -> memref<10000x128xf32, #tpu.memory_space<hbm>>
    tpu.enqueue_indirect_dma source(%dma_start3A_506 : memref<10000x128xf32, #tpu.memory_space<hbm>>) target(%dma_start3A_500 : memref<40x128xf32, #tpu.memory_space<vmem>>) offsets(%dma_start3A_503 : memref<40xi32, #tpu.memory_space<vmem>>) semaphore(%arg15 : memref<!tpu.dma_semaphore, #tpu.memory_space<semaphore_mem>>)
    %dma_start3A_507 = arith.constant 2 : i32
    %dma_start3A_508 = arith.constant 40 : i32
    %dma_start3A_509 = arith.constant 0 : i32
    %dma_start3A_510 = tpu.memref_slice %arg12[%dma_start3A_508, %dma_start3A_509] : memref<80x128xf32, #tpu.memory_space<vmem>> -> memref<40x128xf32, #tpu.memory_space<vmem>>
    %dma_start3A_511 = arith.constant 40 : i32
    %dma_start3A_512 = tpu.memref_slice %arg8[%dma_start3A_507, %dma_start3A_511] : memref<25x80xi32, #tpu.memory_space<vmem>> -> memref<1x40xi32, #tpu.memory_space<vmem>>
    %dma_start3A_513 = tpu.memref_squeeze %dma_start3A_512 : memref<1x40xi32, #tpu.memory_space<vmem>> -> memref<40xi32, #tpu.memory_space<vmem>>
    %dma_start3A_514 = arith.constant 0 : i32
    %dma_start3A_515 = arith.constant 0 : i32
    %dma_start3A_516 = tpu.memref_slice %arg2[%dma_start3A_514, %dma_start3A_515] : memref<10000x128xf32, #tpu.memory_space<hbm>> -> memref<10000x128xf32, #tpu.memory_space<hbm>>
    tpu.enqueue_indirect_dma source(%dma_start3A_516 : memref<10000x128xf32, #tpu.memory_space<hbm>>) target(%dma_start3A_510 : memref<40x128xf32, #tpu.memory_space<vmem>>) offsets(%dma_start3A_513 : memref<40xi32, #tpu.memory_space<vmem>>) semaphore(%arg15 : memref<!tpu.dma_semaphore, #tpu.memory_space<semaphore_mem>>)
    %dma_wait3A_517 = arith.constant 0 : i32
    %dma_wait3A_518 = arith.constant 0 : i32
    %dma_wait3A_519 = tpu.memref_slice %arg7[%dma_wait3A_517, %dma_wait3A_518] : memref<25x80xi32, #tpu.memory_space<vmem>> -> memref<1x80xi32, #tpu.memory_space<vmem>>
    %dma_wait3A_520 = tpu.memref_squeeze %dma_wait3A_519 : memref<1x80xi32, #tpu.memory_space<vmem>> -> memref<80xi32, #tpu.memory_space<vmem>>
    %dma_wait3A_521 = arith.constant 0 : i32
    %dma_wait3A_522 = arith.constant 0 : i32
    %dma_wait3A_523 = tpu.memref_slice %arg5[%dma_wait3A_521, %dma_wait3A_522] : memref<10000x128xf32, #tpu.memory_space<vmem_shared>> -> memref<10000x128xf32, #tpu.memory_space<vmem_shared>>
    tpu.wait_indirect_dma semaphore(%arg16 : memref<!tpu.dma_semaphore, #tpu.memory_space<semaphore_mem>>) src(%arg10 : memref<80x128xf32, #tpu.memory_space<vmem>>) dst(%dma_wait3A_523 : memref<10000x128xf32, #tpu.memory_space<vmem_shared>>)
    %dma_start3A_524 = arith.constant 0 : i32
    %dma_start3A_525 = arith.constant 4 : i32
    %dma_start3A_526 = arith.constant 0 : i32
    %dma_start3A_527 = arith.constant 0 : i32
    %dma_start3A_528 = tpu.memref_slice %arg3[%dma_start3A_524, %add3A, %dma_start3A_525, %dma_start3A_526, %dma_start3A_527] : memref<2x32x5x25x80xi32, #tpu.memory_space<hbm>> -> memref<1x1x1x25x80xi32, #tpu.memory_space<hbm>>
    %dma_start3A_529 = tpu.memref_squeeze %dma_start3A_528 : memref<1x1x1x25x80xi32, #tpu.memory_space<hbm>> -> memref<25x80xi32, #tpu.memory_space<hbm>>
    %dma_start3A_530 = arith.constant 0 : i32
    %dma_start3A_531 = arith.constant 0 : i32
    %dma_start3A_532 = tpu.memref_slice %arg3[%dma_start3A_524, %add3A, %dma_start3A_525, %dma_start3A_530, %dma_start3A_531] : memref<2x32x5x25x80xi32, #tpu.memory_space<hbm>> -> memref<1x1x1x25x80xi32, #tpu.memory_space<hbm>>
    %dma_start3A_533 = tpu.memref_squeeze %dma_start3A_532 : memref<1x1x1x25x80xi32, #tpu.memory_space<hbm>> -> memref<25x80xi32, #tpu.memory_space<hbm>>
    tpu.enqueue_dma source(%dma_start3A_533 : memref<25x80xi32, #tpu.memory_space<hbm>>) target(%arg6 : memref<25x80xi32, #tpu.memory_space<vmem>>) target_semaphore(%arg19 : memref<!tpu.dma_semaphore, #tpu.memory_space<semaphore_mem>>)
    %dma_start3A_534 = arith.constant 1 : i32
    %dma_start3A_535 = arith.constant 4 : i32
    %dma_start3A_536 = arith.constant 0 : i32
    %dma_start3A_537 = arith.constant 0 : i32
    %dma_start3A_538 = tpu.memref_slice %arg3[%dma_start3A_534, %add3A, %dma_start3A_535, %dma_start3A_536, %dma_start3A_537] : memref<2x32x5x25x80xi32, #tpu.memory_space<hbm>> -> memref<1x1x1x25x80xi32, #tpu.memory_space<hbm>>
    %dma_start3A_539 = tpu.memref_squeeze %dma_start3A_538 : memref<1x1x1x25x80xi32, #tpu.memory_space<hbm>> -> memref<25x80xi32, #tpu.memory_space<hbm>>
    %dma_start3A_540 = arith.constant 0 : i32
    %dma_start3A_541 = arith.constant 0 : i32
    %dma_start3A_542 = tpu.memref_slice %arg3[%dma_start3A_534, %add3A, %dma_start3A_535, %dma_start3A_540, %dma_start3A_541] : memref<2x32x5x25x80xi32, #tpu.memory_space<hbm>> -> memref<1x1x1x25x80xi32, #tpu.memory_space<hbm>>
    %dma_start3A_543 = tpu.memref_squeeze %dma_start3A_542 : memref<1x1x1x25x80xi32, #tpu.memory_space<hbm>> -> memref<25x80xi32, #tpu.memory_space<hbm>>
    tpu.enqueue_dma source(%dma_start3A_543 : memref<25x80xi32, #tpu.memory_space<hbm>>) target(%arg7 : memref<25x80xi32, #tpu.memory_space<vmem>>) target_semaphore(%arg19 : memref<!tpu.dma_semaphore, #tpu.memory_space<semaphore_mem>>)
    %dma_start3A_544 = arith.constant 0 : i32
    %dma_start3A_545 = arith.constant 0 : i32
    %dma_start3A_546 = arith.constant 0 : i32
    %dma_start3A_547 = tpu.memref_slice %arg10[%dma_start3A_545, %dma_start3A_546] : memref<80x128xf32, #tpu.memory_space<vmem>> -> memref<40x128xf32, #tpu.memory_space<vmem>>
    %dma_start3A_548 = arith.constant 0 : i32
    %dma_start3A_549 = tpu.memref_slice %arg8[%dma_start3A_544, %dma_start3A_548] : memref<25x80xi32, #tpu.memory_space<vmem>> -> memref<1x40xi32, #tpu.memory_space<vmem>>
    %dma_start3A_550 = tpu.memref_squeeze %dma_start3A_549 : memref<1x40xi32, #tpu.memory_space<vmem>> -> memref<40xi32, #tpu.memory_space<vmem>>
    %dma_start3A_551 = arith.constant 0 : i32
    %dma_start3A_552 = arith.constant 0 : i32
    %dma_start3A_553 = tpu.memref_slice %arg2[%dma_start3A_551, %dma_start3A_552] : memref<10000x128xf32, #tpu.memory_space<hbm>> -> memref<10000x128xf32, #tpu.memory_space<hbm>>
    tpu.enqueue_indirect_dma source(%dma_start3A_553 : memref<10000x128xf32, #tpu.memory_space<hbm>>) target(%dma_start3A_547 : memref<40x128xf32, #tpu.memory_space<vmem>>) offsets(%dma_start3A_550 : memref<40xi32, #tpu.memory_space<vmem>>) semaphore(%arg13 : memref<!tpu.dma_semaphore, #tpu.memory_space<semaphore_mem>>)
    %dma_start3A_554 = arith.constant 0 : i32
    %dma_start3A_555 = arith.constant 40 : i32
    %dma_start3A_556 = arith.constant 0 : i32
    %dma_start3A_557 = tpu.memref_slice %arg10[%dma_start3A_555, %dma_start3A_556] : memref<80x128xf32, #tpu.memory_space<vmem>> -> memref<40x128xf32, #tpu.memory_space<vmem>>
    %dma_start3A_558 = arith.constant 40 : i32
    %dma_start3A_559 = tpu.memref_slice %arg8[%dma_start3A_554, %dma_start3A_558] : memref<25x80xi32, #tpu.memory_space<vmem>> -> memref<1x40xi32, #tpu.memory_space<vmem>>
    %dma_start3A_560 = tpu.memref_squeeze %dma_start3A_559 : memref<1x40xi32, #tpu.memory_space<vmem>> -> memref<40xi32, #tpu.memory_space<vmem>>
    %dma_start3A_561 = arith.constant 0 : i32
    %dma_start3A_562 = arith.constant 0 : i32
    %dma_start3A_563 = tpu.memref_slice %arg2[%dma_start3A_561, %dma_start3A_562] : memref<10000x128xf32, #tpu.memory_space<hbm>> -> memref<10000x128xf32, #tpu.memory_space<hbm>>
    tpu.enqueue_indirect_dma source(%dma_start3A_563 : memref<10000x128xf32, #tpu.memory_space<hbm>>) target(%dma_start3A_557 : memref<40x128xf32, #tpu.memory_space<vmem>>) offsets(%dma_start3A_560 : memref<40xi32, #tpu.memory_space<vmem>>) semaphore(%arg13 : memref<!tpu.dma_semaphore, #tpu.memory_space<semaphore_mem>>)
    %dma_wait3A_564 = arith.constant 0 : i32
    %dma_wait3A_565 = arith.constant 0 : i32
    %dma_wait3A_566 = arith.constant 0 : i32
    %dma_wait3A_567 = tpu.memref_slice %arg10[%dma_wait3A_565, %dma_wait3A_566] : memref<80x128xf32, #tpu.memory_space<vmem>> -> memref<40x128xf32, #tpu.memory_space<vmem>>
    %dma_wait3A_568 = arith.constant 0 : i32
    %dma_wait3A_569 = tpu.memref_slice %arg6[%dma_wait3A_564, %dma_wait3A_568] : memref<25x80xi32, #tpu.memory_space<vmem>> -> memref<1x40xi32, #tpu.memory_space<vmem>>
    %dma_wait3A_570 = tpu.memref_squeeze %dma_wait3A_569 : memref<1x40xi32, #tpu.memory_space<vmem>> -> memref<40xi32, #tpu.memory_space<vmem>>
    %dma_wait3A_571 = arith.constant 0 : i32
    %dma_wait3A_572 = arith.constant 0 : i32
    %dma_wait3A_573 = tpu.memref_slice %arg2[%dma_wait3A_571, %dma_wait3A_572] : memref<10000x128xf32, #tpu.memory_space<hbm>> -> memref<10000x128xf32, #tpu.memory_space<hbm>>
    tpu.wait_indirect_dma semaphore(%arg13 : memref<!tpu.dma_semaphore, #tpu.memory_space<semaphore_mem>>) src(%dma_wait3A_573 : memref<10000x128xf32, #tpu.memory_space<hbm>>) dst(%dma_wait3A_567 : memref<40x128xf32, #tpu.memory_space<vmem>>)
    %dma_wait3A_574 = arith.constant 0 : i32
    %dma_wait3A_575 = arith.constant 40 : i32
    %dma_wait3A_576 = arith.constant 0 : i32
    %dma_wait3A_577 = tpu.memref_slice %arg10[%dma_wait3A_575, %dma_wait3A_576] : memref<80x128xf32, #tpu.memory_space<vmem>> -> memref<40x128xf32, #tpu.memory_space<vmem>>
    %dma_wait3A_578 = arith.constant 40 : i32
    %dma_wait3A_579 = tpu.memref_slice %arg6[%dma_wait3A_574, %dma_wait3A_578] : memref<25x80xi32, #tpu.memory_space<vmem>> -> memref<1x40xi32, #tpu.memory_space<vmem>>
    %dma_wait3A_580 = tpu.memref_squeeze %dma_wait3A_579 : memref<1x40xi32, #tpu.memory_space<vmem>> -> memref<40xi32, #tpu.memory_space<vmem>>
    %dma_wait3A_581 = arith.constant 0 : i32
    %dma_wait3A_582 = arith.constant 0 : i32
    %dma_wait3A_583 = tpu.memref_slice %arg2[%dma_wait3A_581, %dma_wait3A_582] : memref<10000x128xf32, #tpu.memory_space<hbm>> -> memref<10000x128xf32, #tpu.memory_space<hbm>>
    tpu.wait_indirect_dma semaphore(%arg13 : memref<!tpu.dma_semaphore, #tpu.memory_space<semaphore_mem>>) src(%dma_wait3A_583 : memref<10000x128xf32, #tpu.memory_space<hbm>>) dst(%dma_wait3A_577 : memref<40x128xf32, #tpu.memory_space<vmem>>)
    %dma_start3A_584 = arith.constant 0 : i32
    %dma_start3A_585 = arith.constant 0 : i32
    %dma_start3A_586 = tpu.memref_slice %arg9[%dma_start3A_584, %dma_start3A_585] : memref<25x80xi32, #tpu.memory_space<vmem>> -> memref<1x80xi32, #tpu.memory_space<vmem>>
    %dma_start3A_587 = tpu.memref_squeeze %dma_start3A_586 : memref<1x80xi32, #tpu.memory_space<vmem>> -> memref<80xi32, #tpu.memory_space<vmem>>
    %dma_start3A_588 = arith.constant 0 : i32
    %dma_start3A_589 = arith.constant 0 : i32
    %dma_start3A_590 = tpu.memref_slice %arg5[%dma_start3A_588, %dma_start3A_589] : memref<10000x128xf32, #tpu.memory_space<vmem_shared>> -> memref<10000x128xf32, #tpu.memory_space<vmem_shared>>
    tpu.enqueue_indirect_dma source(%arg10 : memref<80x128xf32, #tpu.memory_space<vmem>>) target(%dma_start3A_590 : memref<10000x128xf32, #tpu.memory_space<vmem_shared>>) offsets(%dma_start3A_587 : memref<80xi32, #tpu.memory_space<vmem>>) semaphore(%arg16 : memref<!tpu.dma_semaphore, #tpu.memory_space<semaphore_mem>>) {add = true}
    %scan3A_591 = arith.constant 0 : i32
    %scan3A_592 = arith.constant 0 : i32
    %scan3A_593 = arith.constant 8 : i32
    %scan3A_594 = arith.addi %scan3A_592, %scan3A_593 : i32
    %scan3A_595 = arith.constant 1 : i32
    %scan3A_596 = scf.for %scan3A_741 = %scan3A_592 to %scan3A_594 step %scan3A_595 iter_args(%scan3A_742 = %scan3A_591) -> (i32)  : i32 {
      %mul3A_743 = arith.constant 3 : i32
      %mul3A_744 = arith.muli %mul3A_743, %scan3A_741 : i32
      %add3A_745 = arith.constant 1 : i32
      %add3A_746 = arith.addi %mul3A_744, %add3A_745 : i32
      %add3A_747 = arith.constant 0 : i32
      %add3A_748 = arith.addi %add3A_746, %add3A_747 : i32
      %dma_wait3A_749 = arith.constant 0 : i32
      %dma_wait3A_750 = arith.constant 0 : i32
      %dma_wait3A_751 = tpu.memref_slice %arg7[%dma_wait3A_749, %dma_wait3A_750] : memref<25x80xi32, #tpu.memory_space<vmem>> -> memref<1x80xi32, #tpu.memory_space<vmem>>
      %dma_wait3A_752 = tpu.memref_squeeze %dma_wait3A_751 : memref<1x80xi32, #tpu.memory_space<vmem>> -> memref<80xi32, #tpu.memory_space<vmem>>
      %dma_wait3A_753 = arith.constant 0 : i32
      %dma_wait3A_754 = arith.constant 0 : i32
      %dma_wait3A_755 = tpu.memref_slice %arg5[%dma_wait3A_753, %dma_wait3A_754] : memref<10000x128xf32, #tpu.memory_space<vmem_shared>> -> memref<10000x128xf32, #tpu.memory_space<vmem_shared>>
      tpu.wait_indirect_dma semaphore(%arg16 : memref<!tpu.dma_semaphore, #tpu.memory_space<semaphore_mem>>) src(%arg10 : memref<80x128xf32, #tpu.memory_space<vmem>>) dst(%dma_wait3A_755 : memref<10000x128xf32, #tpu.memory_space<vmem_shared>>)
      %add3A_756 = arith.constant 2 : i32
      %add3A_757 = arith.addi %add3A_748, %add3A_756 : i32
      %le3A = arith.constant 24 : i32
      %le3A_758 = arith.cmpi sle, %add3A_757, %le3A : i32
      %convert_element_type3A = arith.extui %le3A_758 : i1 to i32
      %cond3A = arith.constant 0 : i32
      %cond3A_759 = arith.cmpi ne, %convert_element_type3A, %cond3A : i32
      scf.if %cond3A_759 {
        %add3A_879 = arith.constant 2 : i32
        %add3A_880 = arith.addi %add3A_748, %add3A_879 : i32
        %dma_start3A_881 = arith.constant 0 : i32
        %dma_start3A_882 = arith.constant 0 : i32
        %dma_start3A_883 = tpu.memref_slice %arg10[%dma_start3A_881, %dma_start3A_882] : memref<80x128xf32, #tpu.memory_space<vmem>> -> memref<40x128xf32, #tpu.memory_space<vmem>>
        %dma_start3A_884 = arith.constant 0 : i32
        %dma_start3A_885 = tpu.memref_slice %arg8[%add3A_880, %dma_start3A_884] : memref<25x80xi32, #tpu.memory_space<vmem>> -> memref<1x40xi32, #tpu.memory_space<vmem>>
        %dma_start3A_886 = tpu.memref_squeeze %dma_start3A_885 : memref<1x40xi32, #tpu.memory_space<vmem>> -> memref<40xi32, #tpu.memory_space<vmem>>
        %dma_start3A_887 = arith.constant 0 : i32
        %dma_start3A_888 = arith.constant 0 : i32
        %dma_start3A_889 = tpu.memref_slice %arg2[%dma_start3A_887, %dma_start3A_888] : memref<10000x128xf32, #tpu.memory_space<hbm>> -> memref<10000x128xf32, #tpu.memory_space<hbm>>
        tpu.enqueue_indirect_dma source(%dma_start3A_889 : memref<10000x128xf32, #tpu.memory_space<hbm>>) target(%dma_start3A_883 : memref<40x128xf32, #tpu.memory_space<vmem>>) offsets(%dma_start3A_886 : memref<40xi32, #tpu.memory_space<vmem>>) semaphore(%arg13 : memref<!tpu.dma_semaphore, #tpu.memory_space<semaphore_mem>>)
        %dma_start3A_890 = arith.constant 40 : i32
        %dma_start3A_891 = arith.constant 0 : i32
        %dma_start3A_892 = tpu.memref_slice %arg10[%dma_start3A_890, %dma_start3A_891] : memref<80x128xf32, #tpu.memory_space<vmem>> -> memref<40x128xf32, #tpu.memory_space<vmem>>
        %dma_start3A_893 = arith.constant 40 : i32
        %dma_start3A_894 = tpu.memref_slice %arg8[%add3A_880, %dma_start3A_893] : memref<25x80xi32, #tpu.memory_space<vmem>> -> memref<1x40xi32, #tpu.memory_space<vmem>>
        %dma_start3A_895 = tpu.memref_squeeze %dma_start3A_894 : memref<1x40xi32, #tpu.memory_space<vmem>> -> memref<40xi32, #tpu.memory_space<vmem>>
        %dma_start3A_896 = arith.constant 0 : i32
        %dma_start3A_897 = arith.constant 0 : i32
        %dma_start3A_898 = tpu.memref_slice %arg2[%dma_start3A_896, %dma_start3A_897] : memref<10000x128xf32, #tpu.memory_space<hbm>> -> memref<10000x128xf32, #tpu.memory_space<hbm>>
        tpu.enqueue_indirect_dma source(%dma_start3A_898 : memref<10000x128xf32, #tpu.memory_space<hbm>>) target(%dma_start3A_892 : memref<40x128xf32, #tpu.memory_space<vmem>>) offsets(%dma_start3A_895 : memref<40xi32, #tpu.memory_space<vmem>>) semaphore(%arg13 : memref<!tpu.dma_semaphore, #tpu.memory_space<semaphore_mem>>)
      } else {
      }
      %dma_wait3A_760 = arith.constant 0 : i32
      %dma_wait3A_761 = arith.constant 0 : i32
      %dma_wait3A_762 = arith.constant 0 : i32
      %dma_wait3A_763 = tpu.memref_slice %arg11[%dma_wait3A_761, %dma_wait3A_762] : memref<80x128xf32, #tpu.memory_space<vmem>> -> memref<40x128xf32, #tpu.memory_space<vmem>>
      %dma_wait3A_764 = arith.constant 0 : i32
      %dma_wait3A_765 = tpu.memref_slice %arg6[%dma_wait3A_760, %dma_wait3A_764] : memref<25x80xi32, #tpu.memory_space<vmem>> -> memref<1x40xi32, #tpu.memory_space<vmem>>
      %dma_wait3A_766 = tpu.memref_squeeze %dma_wait3A_765 : memref<1x40xi32, #tpu.memory_space<vmem>> -> memref<40xi32, #tpu.memory_space<vmem>>
      %dma_wait3A_767 = arith.constant 0 : i32
      %dma_wait3A_768 = arith.constant 0 : i32
      %dma_wait3A_769 = tpu.memref_slice %arg2[%dma_wait3A_767, %dma_wait3A_768] : memref<10000x128xf32, #tpu.memory_space<hbm>> -> memref<10000x128xf32, #tpu.memory_space<hbm>>
      tpu.wait_indirect_dma semaphore(%arg14 : memref<!tpu.dma_semaphore, #tpu.memory_space<semaphore_mem>>) src(%dma_wait3A_769 : memref<10000x128xf32, #tpu.memory_space<hbm>>) dst(%dma_wait3A_763 : memref<40x128xf32, #tpu.memory_space<vmem>>)
      %dma_wait3A_770 = arith.constant 0 : i32
      %dma_wait3A_771 = arith.constant 40 : i32
      %dma_wait3A_772 = arith.constant 0 : i32
      %dma_wait3A_773 = tpu.memref_slice %arg11[%dma_wait3A_771, %dma_wait3A_772] : memref<80x128xf32, #tpu.memory_space<vmem>> -> memref<40x128xf32, #tpu.memory_space<vmem>>
      %dma_wait3A_774 = arith.constant 40 : i32
      %dma_wait3A_775 = tpu.memref_slice %arg6[%dma_wait3A_770, %dma_wait3A_774] : memref<25x80xi32, #tpu.memory_space<vmem>> -> memref<1x40xi32, #tpu.memory_space<vmem>>
      %dma_wait3A_776 = tpu.memref_squeeze %dma_wait3A_775 : memref<1x40xi32, #tpu.memory_space<vmem>> -> memref<40xi32, #tpu.memory_space<vmem>>
      %dma_wait3A_777 = arith.constant 0 : i32
      %dma_wait3A_778 = arith.constant 0 : i32
      %dma_wait3A_779 = tpu.memref_slice %arg2[%dma_wait3A_777, %dma_wait3A_778] : memref<10000x128xf32, #tpu.memory_space<hbm>> -> memref<10000x128xf32, #tpu.memory_space<hbm>>
      tpu.wait_indirect_dma semaphore(%arg14 : memref<!tpu.dma_semaphore, #tpu.memory_space<semaphore_mem>>) src(%dma_wait3A_779 : memref<10000x128xf32, #tpu.memory_space<hbm>>) dst(%dma_wait3A_773 : memref<40x128xf32, #tpu.memory_space<vmem>>)
      %dma_start3A_780 = arith.constant 0 : i32
      %dma_start3A_781 = tpu.memref_slice %arg9[%add3A_748, %dma_start3A_780] : memref<25x80xi32, #tpu.memory_space<vmem>> -> memref<1x80xi32, #tpu.memory_space<vmem>>
      %dma_start3A_782 = tpu.memref_squeeze %dma_start3A_781 : memref<1x80xi32, #tpu.memory_space<vmem>> -> memref<80xi32, #tpu.memory_space<vmem>>
      %dma_start3A_783 = arith.constant 0 : i32
      %dma_start3A_784 = arith.constant 0 : i32
      %dma_start3A_785 = tpu.memref_slice %arg5[%dma_start3A_783, %dma_start3A_784] : memref<10000x128xf32, #tpu.memory_space<vmem_shared>> -> memref<10000x128xf32, #tpu.memory_space<vmem_shared>>
      tpu.enqueue_indirect_dma source(%arg11 : memref<80x128xf32, #tpu.memory_space<vmem>>) target(%dma_start3A_785 : memref<10000x128xf32, #tpu.memory_space<vmem_shared>>) offsets(%dma_start3A_782 : memref<80xi32, #tpu.memory_space<vmem>>) semaphore(%arg17 : memref<!tpu.dma_semaphore, #tpu.memory_space<semaphore_mem>>) {add = true}
      %mul3A_786 = arith.constant 3 : i32
      %mul3A_787 = arith.muli %mul3A_786, %scan3A_741 : i32
      %add3A_788 = arith.constant 1 : i32
      %add3A_789 = arith.addi %mul3A_787, %add3A_788 : i32
      %add3A_790 = arith.constant 1 : i32
      %add3A_791 = arith.addi %add3A_789, %add3A_790 : i32
      %dma_wait3A_792 = arith.constant 0 : i32
      %dma_wait3A_793 = arith.constant 0 : i32
      %dma_wait3A_794 = tpu.memref_slice %arg7[%dma_wait3A_792, %dma_wait3A_793] : memref<25x80xi32, #tpu.memory_space<vmem>> -> memref<1x80xi32, #tpu.memory_space<vmem>>
      %dma_wait3A_795 = tpu.memref_squeeze %dma_wait3A_794 : memref<1x80xi32, #tpu.memory_space<vmem>> -> memref<80xi32, #tpu.memory_space<vmem>>
      %dma_wait3A_796 = arith.constant 0 : i32
      %dma_wait3A_797 = arith.constant 0 : i32
      %dma_wait3A_798 = tpu.memref_slice %arg5[%dma_wait3A_796, %dma_wait3A_797] : memref<10000x128xf32, #tpu.memory_space<vmem_shared>> -> memref<10000x128xf32, #tpu.memory_space<vmem_shared>>
      tpu.wait_indirect_dma semaphore(%arg17 : memref<!tpu.dma_semaphore, #tpu.memory_space<semaphore_mem>>) src(%arg11 : memref<80x128xf32, #tpu.memory_space<vmem>>) dst(%dma_wait3A_798 : memref<10000x128xf32, #tpu.memory_space<vmem_shared>>)
      %add3A_799 = arith.constant 2 : i32
      %add3A_800 = arith.addi %add3A_791, %add3A_799 : i32
      %le3A_801 = arith.constant 24 : i32
      %le3A_802 = arith.cmpi sle, %add3A_800, %le3A_801 : i32
      %convert_element_type3A_803 = arith.extui %le3A_802 : i1 to i32
      %cond3A_804 = arith.constant 0 : i32
      %cond3A_805 = arith.cmpi ne, %convert_element_type3A_803, %cond3A_804 : i32
      scf.if %cond3A_805 {
        %add3A_879 = arith.constant 2 : i32
        %add3A_880 = arith.addi %add3A_791, %add3A_879 : i32
        %dma_start3A_881 = arith.constant 0 : i32
        %dma_start3A_882 = arith.constant 0 : i32
        %dma_start3A_883 = tpu.memref_slice %arg11[%dma_start3A_881, %dma_start3A_882] : memref<80x128xf32, #tpu.memory_space<vmem>> -> memref<40x128xf32, #tpu.memory_space<vmem>>
        %dma_start3A_884 = arith.constant 0 : i32
        %dma_start3A_885 = tpu.memref_slice %arg8[%add3A_880, %dma_start3A_884] : memref<25x80xi32, #tpu.memory_space<vmem>> -> memref<1x40xi32, #tpu.memory_space<vmem>>
        %dma_start3A_886 = tpu.memref_squeeze %dma_start3A_885 : memref<1x40xi32, #tpu.memory_space<vmem>> -> memref<40xi32, #tpu.memory_space<vmem>>
        %dma_start3A_887 = arith.constant 0 : i32
        %dma_start3A_888 = arith.constant 0 : i32
        %dma_start3A_889 = tpu.memref_slice %arg2[%dma_start3A_887, %dma_start3A_888] : memref<10000x128xf32, #tpu.memory_space<hbm>> -> memref<10000x128xf32, #tpu.memory_space<hbm>>
        tpu.enqueue_indirect_dma source(%dma_start3A_889 : memref<10000x128xf32, #tpu.memory_space<hbm>>) target(%dma_start3A_883 : memref<40x128xf32, #tpu.memory_space<vmem>>) offsets(%dma_start3A_886 : memref<40xi32, #tpu.memory_space<vmem>>) semaphore(%arg14 : memref<!tpu.dma_semaphore, #tpu.memory_space<semaphore_mem>>)
        %dma_start3A_890 = arith.constant 40 : i32
        %dma_start3A_891 = arith.constant 0 : i32
        %dma_start3A_892 = tpu.memref_slice %arg11[%dma_start3A_890, %dma_start3A_891] : memref<80x128xf32, #tpu.memory_space<vmem>> -> memref<40x128xf32, #tpu.memory_space<vmem>>
        %dma_start3A_893 = arith.constant 40 : i32
        %dma_start3A_894 = tpu.memref_slice %arg8[%add3A_880, %dma_start3A_893] : memref<25x80xi32, #tpu.memory_space<vmem>> -> memref<1x40xi32, #tpu.memory_space<vmem>>
        %dma_start3A_895 = tpu.memref_squeeze %dma_start3A_894 : memref<1x40xi32, #tpu.memory_space<vmem>> -> memref<40xi32, #tpu.memory_space<vmem>>
        %dma_start3A_896 = arith.constant 0 : i32
        %dma_start3A_897 = arith.constant 0 : i32
        %dma_start3A_898 = tpu.memref_slice %arg2[%dma_start3A_896, %dma_start3A_897] : memref<10000x128xf32, #tpu.memory_space<hbm>> -> memref<10000x128xf32, #tpu.memory_space<hbm>>
        tpu.enqueue_indirect_dma source(%dma_start3A_898 : memref<10000x128xf32, #tpu.memory_space<hbm>>) target(%dma_start3A_892 : memref<40x128xf32, #tpu.memory_space<vmem>>) offsets(%dma_start3A_895 : memref<40xi32, #tpu.memory_space<vmem>>) semaphore(%arg14 : memref<!tpu.dma_semaphore, #tpu.memory_space<semaphore_mem>>)
      } else {
      }
      %dma_wait3A_806 = arith.constant 0 : i32
      %dma_wait3A_807 = arith.constant 0 : i32
      %dma_wait3A_808 = arith.constant 0 : i32
      %dma_wait3A_809 = tpu.memref_slice %arg12[%dma_wait3A_807, %dma_wait3A_808] : memref<80x128xf32, #tpu.memory_space<vmem>> -> memref<40x128xf32, #tpu.memory_space<vmem>>
      %dma_wait3A_810 = arith.constant 0 : i32
      %dma_wait3A_811 = tpu.memref_slice %arg6[%dma_wait3A_806, %dma_wait3A_810] : memref<25x80xi32, #tpu.memory_space<vmem>> -> memref<1x40xi32, #tpu.memory_space<vmem>>
      %dma_wait3A_812 = tpu.memref_squeeze %dma_wait3A_811 : memref<1x40xi32, #tpu.memory_space<vmem>> -> memref<40xi32, #tpu.memory_space<vmem>>
      %dma_wait3A_813 = arith.constant 0 : i32
      %dma_wait3A_814 = arith.constant 0 : i32
      %dma_wait3A_815 = tpu.memref_slice %arg2[%dma_wait3A_813, %dma_wait3A_814] : memref<10000x128xf32, #tpu.memory_space<hbm>> -> memref<10000x128xf32, #tpu.memory_space<hbm>>
      tpu.wait_indirect_dma semaphore(%arg15 : memref<!tpu.dma_semaphore, #tpu.memory_space<semaphore_mem>>) src(%dma_wait3A_815 : memref<10000x128xf32, #tpu.memory_space<hbm>>) dst(%dma_wait3A_809 : memref<40x128xf32, #tpu.memory_space<vmem>>)
      %dma_wait3A_816 = arith.constant 0 : i32
      %dma_wait3A_817 = arith.constant 40 : i32
      %dma_wait3A_818 = arith.constant 0 : i32
      %dma_wait3A_819 = tpu.memref_slice %arg12[%dma_wait3A_817, %dma_wait3A_818] : memref<80x128xf32, #tpu.memory_space<vmem>> -> memref<40x128xf32, #tpu.memory_space<vmem>>
      %dma_wait3A_820 = arith.constant 40 : i32
      %dma_wait3A_821 = tpu.memref_slice %arg6[%dma_wait3A_816, %dma_wait3A_820] : memref<25x80xi32, #tpu.memory_space<vmem>> -> memref<1x40xi32, #tpu.memory_space<vmem>>
      %dma_wait3A_822 = tpu.memref_squeeze %dma_wait3A_821 : memref<1x40xi32, #tpu.memory_space<vmem>> -> memref<40xi32, #tpu.memory_space<vmem>>
      %dma_wait3A_823 = arith.constant 0 : i32
      %dma_wait3A_824 = arith.constant 0 : i32
      %dma_wait3A_825 = tpu.memref_slice %arg2[%dma_wait3A_823, %dma_wait3A_824] : memref<10000x128xf32, #tpu.memory_space<hbm>> -> memref<10000x128xf32, #tpu.memory_space<hbm>>
      tpu.wait_indirect_dma semaphore(%arg15 : memref<!tpu.dma_semaphore, #tpu.memory_space<semaphore_mem>>) src(%dma_wait3A_825 : memref<10000x128xf32, #tpu.memory_space<hbm>>) dst(%dma_wait3A_819 : memref<40x128xf32, #tpu.memory_space<vmem>>)
      %dma_start3A_826 = arith.constant 0 : i32
      %dma_start3A_827 = tpu.memref_slice %arg9[%add3A_791, %dma_start3A_826] : memref<25x80xi32, #tpu.memory_space<vmem>> -> memref<1x80xi32, #tpu.memory_space<vmem>>
      %dma_start3A_828 = tpu.memref_squeeze %dma_start3A_827 : memref<1x80xi32, #tpu.memory_space<vmem>> -> memref<80xi32, #tpu.memory_space<vmem>>
      %dma_start3A_829 = arith.constant 0 : i32
      %dma_start3A_830 = arith.constant 0 : i32
      %dma_start3A_831 = tpu.memref_slice %arg5[%dma_start3A_829, %dma_start3A_830] : memref<10000x128xf32, #tpu.memory_space<vmem_shared>> -> memref<10000x128xf32, #tpu.memory_space<vmem_shared>>
      tpu.enqueue_indirect_dma source(%arg12 : memref<80x128xf32, #tpu.memory_space<vmem>>) target(%dma_start3A_831 : memref<10000x128xf32, #tpu.memory_space<vmem_shared>>) offsets(%dma_start3A_828 : memref<80xi32, #tpu.memory_space<vmem>>) semaphore(%arg18 : memref<!tpu.dma_semaphore, #tpu.memory_space<semaphore_mem>>) {add = true}
      %mul3A_832 = arith.constant 3 : i32
      %mul3A_833 = arith.muli %mul3A_832, %scan3A_741 : i32
      %add3A_834 = arith.constant 1 : i32
      %add3A_835 = arith.addi %mul3A_833, %add3A_834 : i32
      %add3A_836 = arith.constant 2 : i32
      %add3A_837 = arith.addi %add3A_835, %add3A_836 : i32
      %dma_wait3A_838 = arith.constant 0 : i32
      %dma_wait3A_839 = arith.constant 0 : i32
      %dma_wait3A_840 = tpu.memref_slice %arg7[%dma_wait3A_838, %dma_wait3A_839] : memref<25x80xi32, #tpu.memory_space<vmem>> -> memref<1x80xi32, #tpu.memory_space<vmem>>
      %dma_wait3A_841 = tpu.memref_squeeze %dma_wait3A_840 : memref<1x80xi32, #tpu.memory_space<vmem>> -> memref<80xi32, #tpu.memory_space<vmem>>
      %dma_wait3A_842 = arith.constant 0 : i32
      %dma_wait3A_843 = arith.constant 0 : i32
      %dma_wait3A_844 = tpu.memref_slice %arg5[%dma_wait3A_842, %dma_wait3A_843] : memref<10000x128xf32, #tpu.memory_space<vmem_shared>> -> memref<10000x128xf32, #tpu.memory_space<vmem_shared>>
      tpu.wait_indirect_dma semaphore(%arg18 : memref<!tpu.dma_semaphore, #tpu.memory_space<semaphore_mem>>) src(%arg12 : memref<80x128xf32, #tpu.memory_space<vmem>>) dst(%dma_wait3A_844 : memref<10000x128xf32, #tpu.memory_space<vmem_shared>>)
      %add3A_845 = arith.constant 2 : i32
      %add3A_846 = arith.addi %add3A_837, %add3A_845 : i32
      %le3A_847 = arith.constant 24 : i32
      %le3A_848 = arith.cmpi sle, %add3A_846, %le3A_847 : i32
      %convert_element_type3A_849 = arith.extui %le3A_848 : i1 to i32
      %cond3A_850 = arith.constant 0 : i32
      %cond3A_851 = arith.cmpi ne, %convert_element_type3A_849, %cond3A_850 : i32
      scf.if %cond3A_851 {
        %add3A_879 = arith.constant 2 : i32
        %add3A_880 = arith.addi %add3A_837, %add3A_879 : i32
        %dma_start3A_881 = arith.constant 0 : i32
        %dma_start3A_882 = arith.constant 0 : i32
        %dma_start3A_883 = tpu.memref_slice %arg12[%dma_start3A_881, %dma_start3A_882] : memref<80x128xf32, #tpu.memory_space<vmem>> -> memref<40x128xf32, #tpu.memory_space<vmem>>
        %dma_start3A_884 = arith.constant 0 : i32
        %dma_start3A_885 = tpu.memref_slice %arg8[%add3A_880, %dma_start3A_884] : memref<25x80xi32, #tpu.memory_space<vmem>> -> memref<1x40xi32, #tpu.memory_space<vmem>>
        %dma_start3A_886 = tpu.memref_squeeze %dma_start3A_885 : memref<1x40xi32, #tpu.memory_space<vmem>> -> memref<40xi32, #tpu.memory_space<vmem>>
        %dma_start3A_887 = arith.constant 0 : i32
        %dma_start3A_888 = arith.constant 0 : i32
        %dma_start3A_889 = tpu.memref_slice %arg2[%dma_start3A_887, %dma_start3A_888] : memref<10000x128xf32, #tpu.memory_space<hbm>> -> memref<10000x128xf32, #tpu.memory_space<hbm>>
        tpu.enqueue_indirect_dma source(%dma_start3A_889 : memref<10000x128xf32, #tpu.memory_space<hbm>>) target(%dma_start3A_883 : memref<40x128xf32, #tpu.memory_space<vmem>>) offsets(%dma_start3A_886 : memref<40xi32, #tpu.memory_space<vmem>>) semaphore(%arg15 : memref<!tpu.dma_semaphore, #tpu.memory_space<semaphore_mem>>)
        %dma_start3A_890 = arith.constant 40 : i32
        %dma_start3A_891 = arith.constant 0 : i32
        %dma_start3A_892 = tpu.memref_slice %arg12[%dma_start3A_890, %dma_start3A_891] : memref<80x128xf32, #tpu.memory_space<vmem>> -> memref<40x128xf32, #tpu.memory_space<vmem>>
        %dma_start3A_893 = arith.constant 40 : i32
        %dma_start3A_894 = tpu.memref_slice %arg8[%add3A_880, %dma_start3A_893] : memref<25x80xi32, #tpu.memory_space<vmem>> -> memref<1x40xi32, #tpu.memory_space<vmem>>
        %dma_start3A_895 = tpu.memref_squeeze %dma_start3A_894 : memref<1x40xi32, #tpu.memory_space<vmem>> -> memref<40xi32, #tpu.memory_space<vmem>>
        %dma_start3A_896 = arith.constant 0 : i32
        %dma_start3A_897 = arith.constant 0 : i32
        %dma_start3A_898 = tpu.memref_slice %arg2[%dma_start3A_896, %dma_start3A_897] : memref<10000x128xf32, #tpu.memory_space<hbm>> -> memref<10000x128xf32, #tpu.memory_space<hbm>>
        tpu.enqueue_indirect_dma source(%dma_start3A_898 : memref<10000x128xf32, #tpu.memory_space<hbm>>) target(%dma_start3A_892 : memref<40x128xf32, #tpu.memory_space<vmem>>) offsets(%dma_start3A_895 : memref<40xi32, #tpu.memory_space<vmem>>) semaphore(%arg15 : memref<!tpu.dma_semaphore, #tpu.memory_space<semaphore_mem>>)
      } else {
      }
      %dma_wait3A_852 = arith.constant 0 : i32
      %dma_wait3A_853 = arith.constant 0 : i32
      %dma_wait3A_854 = arith.constant 0 : i32
      %dma_wait3A_855 = tpu.memref_slice %arg10[%dma_wait3A_853, %dma_wait3A_854] : memref<80x128xf32, #tpu.memory_space<vmem>> -> memref<40x128xf32, #tpu.memory_space<vmem>>
      %dma_wait3A_856 = arith.constant 0 : i32
      %dma_wait3A_857 = tpu.memref_slice %arg6[%dma_wait3A_852, %dma_wait3A_856] : memref<25x80xi32, #tpu.memory_space<vmem>> -> memref<1x40xi32, #tpu.memory_space<vmem>>
      %dma_wait3A_858 = tpu.memref_squeeze %dma_wait3A_857 : memref<1x40xi32, #tpu.memory_space<vmem>> -> memref<40xi32, #tpu.memory_space<vmem>>
      %dma_wait3A_859 = arith.constant 0 : i32
      %dma_wait3A_860 = arith.constant 0 : i32
      %dma_wait3A_861 = tpu.memref_slice %arg2[%dma_wait3A_859, %dma_wait3A_860] : memref<10000x128xf32, #tpu.memory_space<hbm>> -> memref<10000x128xf32, #tpu.memory_space<hbm>>
      tpu.wait_indirect_dma semaphore(%arg13 : memref<!tpu.dma_semaphore, #tpu.memory_space<semaphore_mem>>) src(%dma_wait3A_861 : memref<10000x128xf32, #tpu.memory_space<hbm>>) dst(%dma_wait3A_855 : memref<40x128xf32, #tpu.memory_space<vmem>>)
      %dma_wait3A_862 = arith.constant 0 : i32
      %dma_wait3A_863 = arith.constant 40 : i32
      %dma_wait3A_864 = arith.constant 0 : i32
      %dma_wait3A_865 = tpu.memref_slice %arg10[%dma_wait3A_863, %dma_wait3A_864] : memref<80x128xf32, #tpu.memory_space<vmem>> -> memref<40x128xf32, #tpu.memory_space<vmem>>
      %dma_wait3A_866 = arith.constant 40 : i32
      %dma_wait3A_867 = tpu.memref_slice %arg6[%dma_wait3A_862, %dma_wait3A_866] : memref<25x80xi32, #tpu.memory_space<vmem>> -> memref<1x40xi32, #tpu.memory_space<vmem>>
      %dma_wait3A_868 = tpu.memref_squeeze %dma_wait3A_867 : memref<1x40xi32, #tpu.memory_space<vmem>> -> memref<40xi32, #tpu.memory_space<vmem>>
      %dma_wait3A_869 = arith.constant 0 : i32
      %dma_wait3A_870 = arith.constant 0 : i32
      %dma_wait3A_871 = tpu.memref_slice %arg2[%dma_wait3A_869, %dma_wait3A_870] : memref<10000x128xf32, #tpu.memory_space<hbm>> -> memref<10000x128xf32, #tpu.memory_space<hbm>>
      tpu.wait_indirect_dma semaphore(%arg13 : memref<!tpu.dma_semaphore, #tpu.memory_space<semaphore_mem>>) src(%dma_wait3A_871 : memref<10000x128xf32, #tpu.memory_space<hbm>>) dst(%dma_wait3A_865 : memref<40x128xf32, #tpu.memory_space<vmem>>)
      %dma_start3A_872 = arith.constant 0 : i32
      %dma_start3A_873 = tpu.memref_slice %arg9[%add3A_837, %dma_start3A_872] : memref<25x80xi32, #tpu.memory_space<vmem>> -> memref<1x80xi32, #tpu.memory_space<vmem>>
      %dma_start3A_874 = tpu.memref_squeeze %dma_start3A_873 : memref<1x80xi32, #tpu.memory_space<vmem>> -> memref<80xi32, #tpu.memory_space<vmem>>
      %dma_start3A_875 = arith.constant 0 : i32
      %dma_start3A_876 = arith.constant 0 : i32
      %dma_start3A_877 = tpu.memref_slice %arg5[%dma_start3A_875, %dma_start3A_876] : memref<10000x128xf32, #tpu.memory_space<vmem_shared>> -> memref<10000x128xf32, #tpu.memory_space<vmem_shared>>
      tpu.enqueue_indirect_dma source(%arg10 : memref<80x128xf32, #tpu.memory_space<vmem>>) target(%dma_start3A_877 : memref<10000x128xf32, #tpu.memory_space<vmem_shared>>) offsets(%dma_start3A_874 : memref<80xi32, #tpu.memory_space<vmem>>) semaphore(%arg16 : memref<!tpu.dma_semaphore, #tpu.memory_space<semaphore_mem>>) {add = true}
      %scan3A_878 = arith.constant 0 : i32
      scf.yield %scan3A_878 : i32
    }
    %scan3A_597 = arith.constant 8 : i32
    %dma_wait3A_598 = arith.constant 0 : i32
    %dma_wait3A_599 = arith.constant 0 : i32
    %dma_wait3A_600 = arith.constant 0 : i32
    %dma_wait3A_601 = arith.constant 0 : i32
    %dma_wait3A_602 = tpu.memref_slice %arg3[%dma_wait3A_598, %add3A, %dma_wait3A_599, %dma_wait3A_600, %dma_wait3A_601] : memref<2x32x5x25x80xi32, #tpu.memory_space<hbm>> -> memref<1x1x1x25x80xi32, #tpu.memory_space<hbm>>
    %dma_wait3A_603 = tpu.memref_squeeze %dma_wait3A_602 : memref<1x1x1x25x80xi32, #tpu.memory_space<hbm>> -> memref<25x80xi32, #tpu.memory_space<hbm>>
    %dma_wait3A_604 = arith.constant 0 : i32
    %dma_wait3A_605 = arith.constant 0 : i32
    %dma_wait3A_606 = tpu.memref_slice %arg3[%dma_wait3A_598, %add3A, %dma_wait3A_599, %dma_wait3A_604, %dma_wait3A_605] : memref<2x32x5x25x80xi32, #tpu.memory_space<hbm>> -> memref<1x1x1x25x80xi32, #tpu.memory_space<hbm>>
    %dma_wait3A_607 = tpu.memref_squeeze %dma_wait3A_606 : memref<1x1x1x25x80xi32, #tpu.memory_space<hbm>> -> memref<25x80xi32, #tpu.memory_space<hbm>>
    tpu.wait_dma2 semaphore(%arg19 : memref<!tpu.dma_semaphore, #tpu.memory_space<semaphore_mem>>) src(%dma_wait3A_607 : memref<25x80xi32, #tpu.memory_space<hbm>>) dst(%arg6 : memref<25x80xi32, #tpu.memory_space<vmem>>)
    %dma_wait3A_608 = arith.constant 1 : i32
    %dma_wait3A_609 = arith.constant 0 : i32
    %dma_wait3A_610 = arith.constant 0 : i32
    %dma_wait3A_611 = arith.constant 0 : i32
    %dma_wait3A_612 = tpu.memref_slice %arg3[%dma_wait3A_608, %add3A, %dma_wait3A_609, %dma_wait3A_610, %dma_wait3A_611] : memref<2x32x5x25x80xi32, #tpu.memory_space<hbm>> -> memref<1x1x1x25x80xi32, #tpu.memory_space<hbm>>
    %dma_wait3A_613 = tpu.memref_squeeze %dma_wait3A_612 : memref<1x1x1x25x80xi32, #tpu.memory_space<hbm>> -> memref<25x80xi32, #tpu.memory_space<hbm>>
    %dma_wait3A_614 = arith.constant 0 : i32
    %dma_wait3A_615 = arith.constant 0 : i32
    %dma_wait3A_616 = tpu.memref_slice %arg3[%dma_wait3A_608, %add3A, %dma_wait3A_609, %dma_wait3A_614, %dma_wait3A_615] : memref<2x32x5x25x80xi32, #tpu.memory_space<hbm>> -> memref<1x1x1x25x80xi32, #tpu.memory_space<hbm>>
    %dma_wait3A_617 = tpu.memref_squeeze %dma_wait3A_616 : memref<1x1x1x25x80xi32, #tpu.memory_space<hbm>> -> memref<25x80xi32, #tpu.memory_space<hbm>>
    tpu.wait_dma2 semaphore(%arg19 : memref<!tpu.dma_semaphore, #tpu.memory_space<semaphore_mem>>) src(%dma_wait3A_617 : memref<25x80xi32, #tpu.memory_space<hbm>>) dst(%arg7 : memref<25x80xi32, #tpu.memory_space<vmem>>)
    %dma_start3A_618 = arith.constant 1 : i32
    %dma_start3A_619 = arith.constant 0 : i32
    %dma_start3A_620 = arith.constant 0 : i32
    %dma_start3A_621 = tpu.memref_slice %arg11[%dma_start3A_619, %dma_start3A_620] : memref<80x128xf32, #tpu.memory_space<vmem>> -> memref<40x128xf32, #tpu.memory_space<vmem>>
    %dma_start3A_622 = arith.constant 0 : i32
    %dma_start3A_623 = tpu.memref_slice %arg6[%dma_start3A_618, %dma_start3A_622] : memref<25x80xi32, #tpu.memory_space<vmem>> -> memref<1x40xi32, #tpu.memory_space<vmem>>
    %dma_start3A_624 = tpu.memref_squeeze %dma_start3A_623 : memref<1x40xi32, #tpu.memory_space<vmem>> -> memref<40xi32, #tpu.memory_space<vmem>>
    %dma_start3A_625 = arith.constant 0 : i32
    %dma_start3A_626 = arith.constant 0 : i32
    %dma_start3A_627 = tpu.memref_slice %arg2[%dma_start3A_625, %dma_start3A_626] : memref<10000x128xf32, #tpu.memory_space<hbm>> -> memref<10000x128xf32, #tpu.memory_space<hbm>>
    tpu.enqueue_indirect_dma source(%dma_start3A_627 : memref<10000x128xf32, #tpu.memory_space<hbm>>) target(%dma_start3A_621 : memref<40x128xf32, #tpu.memory_space<vmem>>) offsets(%dma_start3A_624 : memref<40xi32, #tpu.memory_space<vmem>>) semaphore(%arg14 : memref<!tpu.dma_semaphore, #tpu.memory_space<semaphore_mem>>)
    %dma_start3A_628 = arith.constant 1 : i32
    %dma_start3A_629 = arith.constant 40 : i32
    %dma_start3A_630 = arith.constant 0 : i32
    %dma_start3A_631 = tpu.memref_slice %arg11[%dma_start3A_629, %dma_start3A_630] : memref<80x128xf32, #tpu.memory_space<vmem>> -> memref<40x128xf32, #tpu.memory_space<vmem>>
    %dma_start3A_632 = arith.constant 40 : i32
    %dma_start3A_633 = tpu.memref_slice %arg6[%dma_start3A_628, %dma_start3A_632] : memref<25x80xi32, #tpu.memory_space<vmem>> -> memref<1x40xi32, #tpu.memory_space<vmem>>
    %dma_start3A_634 = tpu.memref_squeeze %dma_start3A_633 : memref<1x40xi32, #tpu.memory_space<vmem>> -> memref<40xi32, #tpu.memory_space<vmem>>
    %dma_start3A_635 = arith.constant 0 : i32
    %dma_start3A_636 = arith.constant 0 : i32
    %dma_start3A_637 = tpu.memref_slice %arg2[%dma_start3A_635, %dma_start3A_636] : memref<10000x128xf32, #tpu.memory_space<hbm>> -> memref<10000x128xf32, #tpu.memory_space<hbm>>
    tpu.enqueue_indirect_dma source(%dma_start3A_637 : memref<10000x128xf32, #tpu.memory_space<hbm>>) target(%dma_start3A_631 : memref<40x128xf32, #tpu.memory_space<vmem>>) offsets(%dma_start3A_634 : memref<40xi32, #tpu.memory_space<vmem>>) semaphore(%arg14 : memref<!tpu.dma_semaphore, #tpu.memory_space<semaphore_mem>>)
    %dma_start3A_638 = arith.constant 2 : i32
    %dma_start3A_639 = arith.constant 0 : i32
    %dma_start3A_640 = arith.constant 0 : i32
    %dma_start3A_641 = tpu.memref_slice %arg12[%dma_start3A_639, %dma_start3A_640] : memref<80x128xf32, #tpu.memory_space<vmem>> -> memref<40x128xf32, #tpu.memory_space<vmem>>
    %dma_start3A_642 = arith.constant 0 : i32
    %dma_start3A_643 = tpu.memref_slice %arg6[%dma_start3A_638, %dma_start3A_642] : memref<25x80xi32, #tpu.memory_space<vmem>> -> memref<1x40xi32, #tpu.memory_space<vmem>>
    %dma_start3A_644 = tpu.memref_squeeze %dma_start3A_643 : memref<1x40xi32, #tpu.memory_space<vmem>> -> memref<40xi32, #tpu.memory_space<vmem>>
    %dma_start3A_645 = arith.constant 0 : i32
    %dma_start3A_646 = arith.constant 0 : i32
    %dma_start3A_647 = tpu.memref_slice %arg2[%dma_start3A_645, %dma_start3A_646] : memref<10000x128xf32, #tpu.memory_space<hbm>> -> memref<10000x128xf32, #tpu.memory_space<hbm>>
    tpu.enqueue_indirect_dma source(%dma_start3A_647 : memref<10000x128xf32, #tpu.memory_space<hbm>>) target(%dma_start3A_641 : memref<40x128xf32, #tpu.memory_space<vmem>>) offsets(%dma_start3A_644 : memref<40xi32, #tpu.memory_space<vmem>>) semaphore(%arg15 : memref<!tpu.dma_semaphore, #tpu.memory_space<semaphore_mem>>)
    %dma_start3A_648 = arith.constant 2 : i32
    %dma_start3A_649 = arith.constant 40 : i32
    %dma_start3A_650 = arith.constant 0 : i32
    %dma_start3A_651 = tpu.memref_slice %arg12[%dma_start3A_649, %dma_start3A_650] : memref<80x128xf32, #tpu.memory_space<vmem>> -> memref<40x128xf32, #tpu.memory_space<vmem>>
    %dma_start3A_652 = arith.constant 40 : i32
    %dma_start3A_653 = tpu.memref_slice %arg6[%dma_start3A_648, %dma_start3A_652] : memref<25x80xi32, #tpu.memory_space<vmem>> -> memref<1x40xi32, #tpu.memory_space<vmem>>
    %dma_start3A_654 = tpu.memref_squeeze %dma_start3A_653 : memref<1x40xi32, #tpu.memory_space<vmem>> -> memref<40xi32, #tpu.memory_space<vmem>>
    %dma_start3A_655 = arith.constant 0 : i32
    %dma_start3A_656 = arith.constant 0 : i32
    %dma_start3A_657 = tpu.memref_slice %arg2[%dma_start3A_655, %dma_start3A_656] : memref<10000x128xf32, #tpu.memory_space<hbm>> -> memref<10000x128xf32, #tpu.memory_space<hbm>>
    tpu.enqueue_indirect_dma source(%dma_start3A_657 : memref<10000x128xf32, #tpu.memory_space<hbm>>) target(%dma_start3A_651 : memref<40x128xf32, #tpu.memory_space<vmem>>) offsets(%dma_start3A_654 : memref<40xi32, #tpu.memory_space<vmem>>) semaphore(%arg15 : memref<!tpu.dma_semaphore, #tpu.memory_space<semaphore_mem>>)
    %dma_wait3A_658 = arith.constant 0 : i32
    %dma_wait3A_659 = arith.constant 0 : i32
    %dma_wait3A_660 = tpu.memref_slice %arg7[%dma_wait3A_658, %dma_wait3A_659] : memref<25x80xi32, #tpu.memory_space<vmem>> -> memref<1x80xi32, #tpu.memory_space<vmem>>
    %dma_wait3A_661 = tpu.memref_squeeze %dma_wait3A_660 : memref<1x80xi32, #tpu.memory_space<vmem>> -> memref<80xi32, #tpu.memory_space<vmem>>
    %dma_wait3A_662 = arith.constant 0 : i32
    %dma_wait3A_663 = arith.constant 0 : i32
    %dma_wait3A_664 = tpu.memref_slice %arg5[%dma_wait3A_662, %dma_wait3A_663] : memref<10000x128xf32, #tpu.memory_space<vmem_shared>> -> memref<10000x128xf32, #tpu.memory_space<vmem_shared>>
    tpu.wait_indirect_dma semaphore(%arg16 : memref<!tpu.dma_semaphore, #tpu.memory_space<semaphore_mem>>) src(%arg10 : memref<80x128xf32, #tpu.memory_space<vmem>>) dst(%dma_wait3A_664 : memref<10000x128xf32, #tpu.memory_space<vmem_shared>>)
    %dma_start3A_665 = arith.constant 0 : i32
    %dma_start3A_666 = arith.constant 0 : i32
    %dma_start3A_667 = arith.constant 0 : i32
    %dma_start3A_668 = tpu.memref_slice %arg10[%dma_start3A_666, %dma_start3A_667] : memref<80x128xf32, #tpu.memory_space<vmem>> -> memref<40x128xf32, #tpu.memory_space<vmem>>
    %dma_start3A_669 = arith.constant 0 : i32
    %dma_start3A_670 = tpu.memref_slice %arg6[%dma_start3A_665, %dma_start3A_669] : memref<25x80xi32, #tpu.memory_space<vmem>> -> memref<1x40xi32, #tpu.memory_space<vmem>>
    %dma_start3A_671 = tpu.memref_squeeze %dma_start3A_670 : memref<1x40xi32, #tpu.memory_space<vmem>> -> memref<40xi32, #tpu.memory_space<vmem>>
    %dma_start3A_672 = arith.constant 0 : i32
    %dma_start3A_673 = arith.constant 0 : i32
    %dma_start3A_674 = tpu.memref_slice %arg2[%dma_start3A_672, %dma_start3A_673] : memref<10000x128xf32, #tpu.memory_space<hbm>> -> memref<10000x128xf32, #tpu.memory_space<hbm>>
    tpu.enqueue_indirect_dma source(%dma_start3A_674 : memref<10000x128xf32, #tpu.memory_space<hbm>>) target(%dma_start3A_668 : memref<40x128xf32, #tpu.memory_space<vmem>>) offsets(%dma_start3A_671 : memref<40xi32, #tpu.memory_space<vmem>>) semaphore(%arg13 : memref<!tpu.dma_semaphore, #tpu.memory_space<semaphore_mem>>)
    %dma_start3A_675 = arith.constant 0 : i32
    %dma_start3A_676 = arith.constant 40 : i32
    %dma_start3A_677 = arith.constant 0 : i32
    %dma_start3A_678 = tpu.memref_slice %arg10[%dma_start3A_676, %dma_start3A_677] : memref<80x128xf32, #tpu.memory_space<vmem>> -> memref<40x128xf32, #tpu.memory_space<vmem>>
    %dma_start3A_679 = arith.constant 40 : i32
    %dma_start3A_680 = tpu.memref_slice %arg6[%dma_start3A_675, %dma_start3A_679] : memref<25x80xi32, #tpu.memory_space<vmem>> -> memref<1x40xi32, #tpu.memory_space<vmem>>
    %dma_start3A_681 = tpu.memref_squeeze %dma_start3A_680 : memref<1x40xi32, #tpu.memory_space<vmem>> -> memref<40xi32, #tpu.memory_space<vmem>>
    %dma_start3A_682 = arith.constant 0 : i32
    %dma_start3A_683 = arith.constant 0 : i32
    %dma_start3A_684 = tpu.memref_slice %arg2[%dma_start3A_682, %dma_start3A_683] : memref<10000x128xf32, #tpu.memory_space<hbm>> -> memref<10000x128xf32, #tpu.memory_space<hbm>>
    tpu.enqueue_indirect_dma source(%dma_start3A_684 : memref<10000x128xf32, #tpu.memory_space<hbm>>) target(%dma_start3A_678 : memref<40x128xf32, #tpu.memory_space<vmem>>) offsets(%dma_start3A_681 : memref<40xi32, #tpu.memory_space<vmem>>) semaphore(%arg13 : memref<!tpu.dma_semaphore, #tpu.memory_space<semaphore_mem>>)
    %dma_wait3A_685 = arith.constant 0 : i32
    %dma_wait3A_686 = arith.constant 0 : i32
    %dma_wait3A_687 = arith.constant 0 : i32
    %dma_wait3A_688 = tpu.memref_slice %arg10[%dma_wait3A_686, %dma_wait3A_687] : memref<80x128xf32, #tpu.memory_space<vmem>> -> memref<40x128xf32, #tpu.memory_space<vmem>>
    %dma_wait3A_689 = arith.constant 0 : i32
    %dma_wait3A_690 = tpu.memref_slice %arg6[%dma_wait3A_685, %dma_wait3A_689] : memref<25x80xi32, #tpu.memory_space<vmem>> -> memref<1x40xi32, #tpu.memory_space<vmem>>
    %dma_wait3A_691 = tpu.memref_squeeze %dma_wait3A_690 : memref<1x40xi32, #tpu.memory_space<vmem>> -> memref<40xi32, #tpu.memory_space<vmem>>
    %dma_wait3A_692 = arith.constant 0 : i32
    %dma_wait3A_693 = arith.constant 0 : i32
    %dma_wait3A_694 = tpu.memref_slice %arg2[%dma_wait3A_692, %dma_wait3A_693] : memref<10000x128xf32, #tpu.memory_space<hbm>> -> memref<10000x128xf32, #tpu.memory_space<hbm>>
    tpu.wait_indirect_dma semaphore(%arg13 : memref<!tpu.dma_semaphore, #tpu.memory_space<semaphore_mem>>) src(%dma_wait3A_694 : memref<10000x128xf32, #tpu.memory_space<hbm>>) dst(%dma_wait3A_688 : memref<40x128xf32, #tpu.memory_space<vmem>>)
    %dma_wait3A_695 = arith.constant 0 : i32
    %dma_wait3A_696 = arith.constant 40 : i32
    %dma_wait3A_697 = arith.constant 0 : i32
    %dma_wait3A_698 = tpu.memref_slice %arg10[%dma_wait3A_696, %dma_wait3A_697] : memref<80x128xf32, #tpu.memory_space<vmem>> -> memref<40x128xf32, #tpu.memory_space<vmem>>
    %dma_wait3A_699 = arith.constant 40 : i32
    %dma_wait3A_700 = tpu.memref_slice %arg6[%dma_wait3A_695, %dma_wait3A_699] : memref<25x80xi32, #tpu.memory_space<vmem>> -> memref<1x40xi32, #tpu.memory_space<vmem>>
    %dma_wait3A_701 = tpu.memref_squeeze %dma_wait3A_700 : memref<1x40xi32, #tpu.memory_space<vmem>> -> memref<40xi32, #tpu.memory_space<vmem>>
    %dma_wait3A_702 = arith.constant 0 : i32
    %dma_wait3A_703 = arith.constant 0 : i32
    %dma_wait3A_704 = tpu.memref_slice %arg2[%dma_wait3A_702, %dma_wait3A_703] : memref<10000x128xf32, #tpu.memory_space<hbm>> -> memref<10000x128xf32, #tpu.memory_space<hbm>>
    tpu.wait_indirect_dma semaphore(%arg13 : memref<!tpu.dma_semaphore, #tpu.memory_space<semaphore_mem>>) src(%dma_wait3A_704 : memref<10000x128xf32, #tpu.memory_space<hbm>>) dst(%dma_wait3A_698 : memref<40x128xf32, #tpu.memory_space<vmem>>)
    %dma_start3A_705 = arith.constant 0 : i32
    %dma_start3A_706 = arith.constant 0 : i32
    %dma_start3A_707 = tpu.memref_slice %arg7[%dma_start3A_705, %dma_start3A_706] : memref<25x80xi32, #tpu.memory_space<vmem>> -> memref<1x80xi32, #tpu.memory_space<vmem>>
    %dma_start3A_708 = tpu.memref_squeeze %dma_start3A_707 : memref<1x80xi32, #tpu.memory_space<vmem>> -> memref<80xi32, #tpu.memory_space<vmem>>
    %dma_start3A_709 = arith.constant 0 : i32
    %dma_start3A_710 = arith.constant 0 : i32
    %dma_start3A_711 = tpu.memref_slice %arg5[%dma_start3A_709, %dma_start3A_710] : memref<10000x128xf32, #tpu.memory_space<vmem_shared>> -> memref<10000x128xf32, #tpu.memory_space<vmem_shared>>
    tpu.enqueue_indirect_dma source(%arg10 : memref<80x128xf32, #tpu.memory_space<vmem>>) target(%dma_start3A_711 : memref<10000x128xf32, #tpu.memory_space<vmem_shared>>) offsets(%dma_start3A_708 : memref<80xi32, #tpu.memory_space<vmem>>) semaphore(%arg16 : memref<!tpu.dma_semaphore, #tpu.memory_space<semaphore_mem>>) {add = true}
    %scan3A_712 = arith.constant 0 : i32
    %scan3A_713 = arith.constant 0 : i32
    %scan3A_714 = arith.constant 8 : i32
    %scan3A_715 = arith.addi %scan3A_713, %scan3A_714 : i32
    %scan3A_716 = arith.constant 1 : i32
    %scan3A_717 = scf.for %scan3A_741 = %scan3A_713 to %scan3A_715 step %scan3A_716 iter_args(%scan3A_742 = %scan3A_712) -> (i32)  : i32 {
      %mul3A_743 = arith.constant 3 : i32
      %mul3A_744 = arith.muli %mul3A_743, %scan3A_741 : i32
      %add3A_745 = arith.constant 1 : i32
      %add3A_746 = arith.addi %mul3A_744, %add3A_745 : i32
      %add3A_747 = arith.constant 0 : i32
      %add3A_748 = arith.addi %add3A_746, %add3A_747 : i32
      %dma_wait3A_749 = arith.constant 0 : i32
      %dma_wait3A_750 = arith.constant 0 : i32
      %dma_wait3A_751 = tpu.memref_slice %arg7[%dma_wait3A_749, %dma_wait3A_750] : memref<25x80xi32, #tpu.memory_space<vmem>> -> memref<1x80xi32, #tpu.memory_space<vmem>>
      %dma_wait3A_752 = tpu.memref_squeeze %dma_wait3A_751 : memref<1x80xi32, #tpu.memory_space<vmem>> -> memref<80xi32, #tpu.memory_space<vmem>>
      %dma_wait3A_753 = arith.constant 0 : i32
      %dma_wait3A_754 = arith.constant 0 : i32
      %dma_wait3A_755 = tpu.memref_slice %arg5[%dma_wait3A_753, %dma_wait3A_754] : memref<10000x128xf32, #tpu.memory_space<vmem_shared>> -> memref<10000x128xf32, #tpu.memory_space<vmem_shared>>
      tpu.wait_indirect_dma semaphore(%arg16 : memref<!tpu.dma_semaphore, #tpu.memory_space<semaphore_mem>>) src(%arg10 : memref<80x128xf32, #tpu.memory_space<vmem>>) dst(%dma_wait3A_755 : memref<10000x128xf32, #tpu.memory_space<vmem_shared>>)
      %add3A_756 = arith.constant 2 : i32
      %add3A_757 = arith.addi %add3A_748, %add3A_756 : i32
      %le3A = arith.constant 24 : i32
      %le3A_758 = arith.cmpi sle, %add3A_757, %le3A : i32
      %convert_element_type3A = arith.extui %le3A_758 : i1 to i32
      %cond3A = arith.constant 0 : i32
      %cond3A_759 = arith.cmpi ne, %convert_element_type3A, %cond3A : i32
      scf.if %cond3A_759 {
        %add3A_879 = arith.constant 2 : i32
        %add3A_880 = arith.addi %add3A_748, %add3A_879 : i32
        %dma_start3A_881 = arith.constant 0 : i32
        %dma_start3A_882 = arith.constant 0 : i32
        %dma_start3A_883 = tpu.memref_slice %arg10[%dma_start3A_881, %dma_start3A_882] : memref<80x128xf32, #tpu.memory_space<vmem>> -> memref<40x128xf32, #tpu.memory_space<vmem>>
        %dma_start3A_884 = arith.constant 0 : i32
        %dma_start3A_885 = tpu.memref_slice %arg6[%add3A_880, %dma_start3A_884] : memref<25x80xi32, #tpu.memory_space<vmem>> -> memref<1x40xi32, #tpu.memory_space<vmem>>
        %dma_start3A_886 = tpu.memref_squeeze %dma_start3A_885 : memref<1x40xi32, #tpu.memory_space<vmem>> -> memref<40xi32, #tpu.memory_space<vmem>>
        %dma_start3A_887 = arith.constant 0 : i32
        %dma_start3A_888 = arith.constant 0 : i32
        %dma_start3A_889 = tpu.memref_slice %arg2[%dma_start3A_887, %dma_start3A_888] : memref<10000x128xf32, #tpu.memory_space<hbm>> -> memref<10000x128xf32, #tpu.memory_space<hbm>>
        tpu.enqueue_indirect_dma source(%dma_start3A_889 : memref<10000x128xf32, #tpu.memory_space<hbm>>) target(%dma_start3A_883 : memref<40x128xf32, #tpu.memory_space<vmem>>) offsets(%dma_start3A_886 : memref<40xi32, #tpu.memory_space<vmem>>) semaphore(%arg13 : memref<!tpu.dma_semaphore, #tpu.memory_space<semaphore_mem>>)
        %dma_start3A_890 = arith.constant 40 : i32
        %dma_start3A_891 = arith.constant 0 : i32
        %dma_start3A_892 = tpu.memref_slice %arg10[%dma_start3A_890, %dma_start3A_891] : memref<80x128xf32, #tpu.memory_space<vmem>> -> memref<40x128xf32, #tpu.memory_space<vmem>>
        %dma_start3A_893 = arith.constant 40 : i32
        %dma_start3A_894 = tpu.memref_slice %arg6[%add3A_880, %dma_start3A_893] : memref<25x80xi32, #tpu.memory_space<vmem>> -> memref<1x40xi32, #tpu.memory_space<vmem>>
        %dma_start3A_895 = tpu.memref_squeeze %dma_start3A_894 : memref<1x40xi32, #tpu.memory_space<vmem>> -> memref<40xi32, #tpu.memory_space<vmem>>
        %dma_start3A_896 = arith.constant 0 : i32
        %dma_start3A_897 = arith.constant 0 : i32
        %dma_start3A_898 = tpu.memref_slice %arg2[%dma_start3A_896, %dma_start3A_897] : memref<10000x128xf32, #tpu.memory_space<hbm>> -> memref<10000x128xf32, #tpu.memory_space<hbm>>
        tpu.enqueue_indirect_dma source(%dma_start3A_898 : memref<10000x128xf32, #tpu.memory_space<hbm>>) target(%dma_start3A_892 : memref<40x128xf32, #tpu.memory_space<vmem>>) offsets(%dma_start3A_895 : memref<40xi32, #tpu.memory_space<vmem>>) semaphore(%arg13 : memref<!tpu.dma_semaphore, #tpu.memory_space<semaphore_mem>>)
      } else {
      }
      %dma_wait3A_760 = arith.constant 0 : i32
      %dma_wait3A_761 = arith.constant 0 : i32
      %dma_wait3A_762 = arith.constant 0 : i32
      %dma_wait3A_763 = tpu.memref_slice %arg11[%dma_wait3A_761, %dma_wait3A_762] : memref<80x128xf32, #tpu.memory_space<vmem>> -> memref<40x128xf32, #tpu.memory_space<vmem>>
      %dma_wait3A_764 = arith.constant 0 : i32
      %dma_wait3A_765 = tpu.memref_slice %arg6[%dma_wait3A_760, %dma_wait3A_764] : memref<25x80xi32, #tpu.memory_space<vmem>> -> memref<1x40xi32, #tpu.memory_space<vmem>>
      %dma_wait3A_766 = tpu.memref_squeeze %dma_wait3A_765 : memref<1x40xi32, #tpu.memory_space<vmem>> -> memref<40xi32, #tpu.memory_space<vmem>>
      %dma_wait3A_767 = arith.constant 0 : i32
      %dma_wait3A_768 = arith.constant 0 : i32
      %dma_wait3A_769 = tpu.memref_slice %arg2[%dma_wait3A_767, %dma_wait3A_768] : memref<10000x128xf32, #tpu.memory_space<hbm>> -> memref<10000x128xf32, #tpu.memory_space<hbm>>
      tpu.wait_indirect_dma semaphore(%arg14 : memref<!tpu.dma_semaphore, #tpu.memory_space<semaphore_mem>>) src(%dma_wait3A_769 : memref<10000x128xf32, #tpu.memory_space<hbm>>) dst(%dma_wait3A_763 : memref<40x128xf32, #tpu.memory_space<vmem>>)
      %dma_wait3A_770 = arith.constant 0 : i32
      %dma_wait3A_771 = arith.constant 40 : i32
      %dma_wait3A_772 = arith.constant 0 : i32
      %dma_wait3A_773 = tpu.memref_slice %arg11[%dma_wait3A_771, %dma_wait3A_772] : memref<80x128xf32, #tpu.memory_space<vmem>> -> memref<40x128xf32, #tpu.memory_space<vmem>>
      %dma_wait3A_774 = arith.constant 40 : i32
      %dma_wait3A_775 = tpu.memref_slice %arg6[%dma_wait3A_770, %dma_wait3A_774] : memref<25x80xi32, #tpu.memory_space<vmem>> -> memref<1x40xi32, #tpu.memory_space<vmem>>
      %dma_wait3A_776 = tpu.memref_squeeze %dma_wait3A_775 : memref<1x40xi32, #tpu.memory_space<vmem>> -> memref<40xi32, #tpu.memory_space<vmem>>
      %dma_wait3A_777 = arith.constant 0 : i32
      %dma_wait3A_778 = arith.constant 0 : i32
      %dma_wait3A_779 = tpu.memref_slice %arg2[%dma_wait3A_777, %dma_wait3A_778] : memref<10000x128xf32, #tpu.memory_space<hbm>> -> memref<10000x128xf32, #tpu.memory_space<hbm>>
      tpu.wait_indirect_dma semaphore(%arg14 : memref<!tpu.dma_semaphore, #tpu.memory_space<semaphore_mem>>) src(%dma_wait3A_779 : memref<10000x128xf32, #tpu.memory_space<hbm>>) dst(%dma_wait3A_773 : memref<40x128xf32, #tpu.memory_space<vmem>>)
      %dma_start3A_780 = arith.constant 0 : i32
      %dma_start3A_781 = tpu.memref_slice %arg7[%add3A_748, %dma_start3A_780] : memref<25x80xi32, #tpu.memory_space<vmem>> -> memref<1x80xi32, #tpu.memory_space<vmem>>
      %dma_start3A_782 = tpu.memref_squeeze %dma_start3A_781 : memref<1x80xi32, #tpu.memory_space<vmem>> -> memref<80xi32, #tpu.memory_space<vmem>>
      %dma_start3A_783 = arith.constant 0 : i32
      %dma_start3A_784 = arith.constant 0 : i32
      %dma_start3A_785 = tpu.memref_slice %arg5[%dma_start3A_783, %dma_start3A_784] : memref<10000x128xf32, #tpu.memory_space<vmem_shared>> -> memref<10000x128xf32, #tpu.memory_space<vmem_shared>>
      tpu.enqueue_indirect_dma source(%arg11 : memref<80x128xf32, #tpu.memory_space<vmem>>) target(%dma_start3A_785 : memref<10000x128xf32, #tpu.memory_space<vmem_shared>>) offsets(%dma_start3A_782 : memref<80xi32, #tpu.memory_space<vmem>>) semaphore(%arg17 : memref<!tpu.dma_semaphore, #tpu.memory_space<semaphore_mem>>) {add = true}
      %mul3A_786 = arith.constant 3 : i32
      %mul3A_787 = arith.muli %mul3A_786, %scan3A_741 : i32
      %add3A_788 = arith.constant 1 : i32
      %add3A_789 = arith.addi %mul3A_787, %add3A_788 : i32
      %add3A_790 = arith.constant 1 : i32
      %add3A_791 = arith.addi %add3A_789, %add3A_790 : i32
      %dma_wait3A_792 = arith.constant 0 : i32
      %dma_wait3A_793 = arith.constant 0 : i32
      %dma_wait3A_794 = tpu.memref_slice %arg7[%dma_wait3A_792, %dma_wait3A_793] : memref<25x80xi32, #tpu.memory_space<vmem>> -> memref<1x80xi32, #tpu.memory_space<vmem>>
      %dma_wait3A_795 = tpu.memref_squeeze %dma_wait3A_794 : memref<1x80xi32, #tpu.memory_space<vmem>> -> memref<80xi32, #tpu.memory_space<vmem>>
      %dma_wait3A_796 = arith.constant 0 : i32
      %dma_wait3A_797 = arith.constant 0 : i32
      %dma_wait3A_798 = tpu.memref_slice %arg5[%dma_wait3A_796, %dma_wait3A_797] : memref<10000x128xf32, #tpu.memory_space<vmem_shared>> -> memref<10000x128xf32, #tpu.memory_space<vmem_shared>>
      tpu.wait_indirect_dma semaphore(%arg17 : memref<!tpu.dma_semaphore, #tpu.memory_space<semaphore_mem>>) src(%arg11 : memref<80x128xf32, #tpu.memory_space<vmem>>) dst(%dma_wait3A_798 : memref<10000x128xf32, #tpu.memory_space<vmem_shared>>)
      %add3A_799 = arith.constant 2 : i32
      %add3A_800 = arith.addi %add3A_791, %add3A_799 : i32
      %le3A_801 = arith.constant 24 : i32
      %le3A_802 = arith.cmpi sle, %add3A_800, %le3A_801 : i32
      %convert_element_type3A_803 = arith.extui %le3A_802 : i1 to i32
      %cond3A_804 = arith.constant 0 : i32
      %cond3A_805 = arith.cmpi ne, %convert_element_type3A_803, %cond3A_804 : i32
      scf.if %cond3A_805 {
        %add3A_879 = arith.constant 2 : i32
        %add3A_880 = arith.addi %add3A_791, %add3A_879 : i32
        %dma_start3A_881 = arith.constant 0 : i32
        %dma_start3A_882 = arith.constant 0 : i32
        %dma_start3A_883 = tpu.memref_slice %arg11[%dma_start3A_881, %dma_start3A_882] : memref<80x128xf32, #tpu.memory_space<vmem>> -> memref<40x128xf32, #tpu.memory_space<vmem>>
        %dma_start3A_884 = arith.constant 0 : i32
        %dma_start3A_885 = tpu.memref_slice %arg6[%add3A_880, %dma_start3A_884] : memref<25x80xi32, #tpu.memory_space<vmem>> -> memref<1x40xi32, #tpu.memory_space<vmem>>
        %dma_start3A_886 = tpu.memref_squeeze %dma_start3A_885 : memref<1x40xi32, #tpu.memory_space<vmem>> -> memref<40xi32, #tpu.memory_space<vmem>>
        %dma_start3A_887 = arith.constant 0 : i32
        %dma_start3A_888 = arith.constant 0 : i32
        %dma_start3A_889 = tpu.memref_slice %arg2[%dma_start3A_887, %dma_start3A_888] : memref<10000x128xf32, #tpu.memory_space<hbm>> -> memref<10000x128xf32, #tpu.memory_space<hbm>>
        tpu.enqueue_indirect_dma source(%dma_start3A_889 : memref<10000x128xf32, #tpu.memory_space<hbm>>) target(%dma_start3A_883 : memref<40x128xf32, #tpu.memory_space<vmem>>) offsets(%dma_start3A_886 : memref<40xi32, #tpu.memory_space<vmem>>) semaphore(%arg14 : memref<!tpu.dma_semaphore, #tpu.memory_space<semaphore_mem>>)
        %dma_start3A_890 = arith.constant 40 : i32
        %dma_start3A_891 = arith.constant 0 : i32
        %dma_start3A_892 = tpu.memref_slice %arg11[%dma_start3A_890, %dma_start3A_891] : memref<80x128xf32, #tpu.memory_space<vmem>> -> memref<40x128xf32, #tpu.memory_space<vmem>>
        %dma_start3A_893 = arith.constant 40 : i32
        %dma_start3A_894 = tpu.memref_slice %arg6[%add3A_880, %dma_start3A_893] : memref<25x80xi32, #tpu.memory_space<vmem>> -> memref<1x40xi32, #tpu.memory_space<vmem>>
        %dma_start3A_895 = tpu.memref_squeeze %dma_start3A_894 : memref<1x40xi32, #tpu.memory_space<vmem>> -> memref<40xi32, #tpu.memory_space<vmem>>
        %dma_start3A_896 = arith.constant 0 : i32
        %dma_start3A_897 = arith.constant 0 : i32
        %dma_start3A_898 = tpu.memref_slice %arg2[%dma_start3A_896, %dma_start3A_897] : memref<10000x128xf32, #tpu.memory_space<hbm>> -> memref<10000x128xf32, #tpu.memory_space<hbm>>
        tpu.enqueue_indirect_dma source(%dma_start3A_898 : memref<10000x128xf32, #tpu.memory_space<hbm>>) target(%dma_start3A_892 : memref<40x128xf32, #tpu.memory_space<vmem>>) offsets(%dma_start3A_895 : memref<40xi32, #tpu.memory_space<vmem>>) semaphore(%arg14 : memref<!tpu.dma_semaphore, #tpu.memory_space<semaphore_mem>>)
      } else {
      }
      %dma_wait3A_806 = arith.constant 0 : i32
      %dma_wait3A_807 = arith.constant 0 : i32
      %dma_wait3A_808 = arith.constant 0 : i32
      %dma_wait3A_809 = tpu.memref_slice %arg12[%dma_wait3A_807, %dma_wait3A_808] : memref<80x128xf32, #tpu.memory_space<vmem>> -> memref<40x128xf32, #tpu.memory_space<vmem>>
      %dma_wait3A_810 = arith.constant 0 : i32
      %dma_wait3A_811 = tpu.memref_slice %arg6[%dma_wait3A_806, %dma_wait3A_810] : memref<25x80xi32, #tpu.memory_space<vmem>> -> memref<1x40xi32, #tpu.memory_space<vmem>>
      %dma_wait3A_812 = tpu.memref_squeeze %dma_wait3A_811 : memref<1x40xi32, #tpu.memory_space<vmem>> -> memref<40xi32, #tpu.memory_space<vmem>>
      %dma_wait3A_813 = arith.constant 0 : i32
      %dma_wait3A_814 = arith.constant 0 : i32
      %dma_wait3A_815 = tpu.memref_slice %arg2[%dma_wait3A_813, %dma_wait3A_814] : memref<10000x128xf32, #tpu.memory_space<hbm>> -> memref<10000x128xf32, #tpu.memory_space<hbm>>
      tpu.wait_indirect_dma semaphore(%arg15 : memref<!tpu.dma_semaphore, #tpu.memory_space<semaphore_mem>>) src(%dma_wait3A_815 : memref<10000x128xf32, #tpu.memory_space<hbm>>) dst(%dma_wait3A_809 : memref<40x128xf32, #tpu.memory_space<vmem>>)
      %dma_wait3A_816 = arith.constant 0 : i32
      %dma_wait3A_817 = arith.constant 40 : i32
      %dma_wait3A_818 = arith.constant 0 : i32
      %dma_wait3A_819 = tpu.memref_slice %arg12[%dma_wait3A_817, %dma_wait3A_818] : memref<80x128xf32, #tpu.memory_space<vmem>> -> memref<40x128xf32, #tpu.memory_space<vmem>>
      %dma_wait3A_820 = arith.constant 40 : i32
      %dma_wait3A_821 = tpu.memref_slice %arg6[%dma_wait3A_816, %dma_wait3A_820] : memref<25x80xi32, #tpu.memory_space<vmem>> -> memref<1x40xi32, #tpu.memory_space<vmem>>
      %dma_wait3A_822 = tpu.memref_squeeze %dma_wait3A_821 : memref<1x40xi32, #tpu.memory_space<vmem>> -> memref<40xi32, #tpu.memory_space<vmem>>
      %dma_wait3A_823 = arith.constant 0 : i32
      %dma_wait3A_824 = arith.constant 0 : i32
      %dma_wait3A_825 = tpu.memref_slice %arg2[%dma_wait3A_823, %dma_wait3A_824] : memref<10000x128xf32, #tpu.memory_space<hbm>> -> memref<10000x128xf32, #tpu.memory_space<hbm>>
      tpu.wait_indirect_dma semaphore(%arg15 : memref<!tpu.dma_semaphore, #tpu.memory_space<semaphore_mem>>) src(%dma_wait3A_825 : memref<10000x128xf32, #tpu.memory_space<hbm>>) dst(%dma_wait3A_819 : memref<40x128xf32, #tpu.memory_space<vmem>>)
      %dma_start3A_826 = arith.constant 0 : i32
      %dma_start3A_827 = tpu.memref_slice %arg7[%add3A_791, %dma_start3A_826] : memref<25x80xi32, #tpu.memory_space<vmem>> -> memref<1x80xi32, #tpu.memory_space<vmem>>
      %dma_start3A_828 = tpu.memref_squeeze %dma_start3A_827 : memref<1x80xi32, #tpu.memory_space<vmem>> -> memref<80xi32, #tpu.memory_space<vmem>>
      %dma_start3A_829 = arith.constant 0 : i32
      %dma_start3A_830 = arith.constant 0 : i32
      %dma_start3A_831 = tpu.memref_slice %arg5[%dma_start3A_829, %dma_start3A_830] : memref<10000x128xf32, #tpu.memory_space<vmem_shared>> -> memref<10000x128xf32, #tpu.memory_space<vmem_shared>>
      tpu.enqueue_indirect_dma source(%arg12 : memref<80x128xf32, #tpu.memory_space<vmem>>) target(%dma_start3A_831 : memref<10000x128xf32, #tpu.memory_space<vmem_shared>>) offsets(%dma_start3A_828 : memref<80xi32, #tpu.memory_space<vmem>>) semaphore(%arg18 : memref<!tpu.dma_semaphore, #tpu.memory_space<semaphore_mem>>) {add = true}
      %mul3A_832 = arith.constant 3 : i32
      %mul3A_833 = arith.muli %mul3A_832, %scan3A_741 : i32
      %add3A_834 = arith.constant 1 : i32
      %add3A_835 = arith.addi %mul3A_833, %add3A_834 : i32
      %add3A_836 = arith.constant 2 : i32
      %add3A_837 = arith.addi %add3A_835, %add3A_836 : i32
      %dma_wait3A_838 = arith.constant 0 : i32
      %dma_wait3A_839 = arith.constant 0 : i32
      %dma_wait3A_840 = tpu.memref_slice %arg7[%dma_wait3A_838, %dma_wait3A_839] : memref<25x80xi32, #tpu.memory_space<vmem>> -> memref<1x80xi32, #tpu.memory_space<vmem>>
      %dma_wait3A_841 = tpu.memref_squeeze %dma_wait3A_840 : memref<1x80xi32, #tpu.memory_space<vmem>> -> memref<80xi32, #tpu.memory_space<vmem>>
      %dma_wait3A_842 = arith.constant 0 : i32
      %dma_wait3A_843 = arith.constant 0 : i32
      %dma_wait3A_844 = tpu.memref_slice %arg5[%dma_wait3A_842, %dma_wait3A_843] : memref<10000x128xf32, #tpu.memory_space<vmem_shared>> -> memref<10000x128xf32, #tpu.memory_space<vmem_shared>>
      tpu.wait_indirect_dma semaphore(%arg18 : memref<!tpu.dma_semaphore, #tpu.memory_space<semaphore_mem>>) src(%arg12 : memref<80x128xf32, #tpu.memory_space<vmem>>) dst(%dma_wait3A_844 : memref<10000x128xf32, #tpu.memory_space<vmem_shared>>)
      %add3A_845 = arith.constant 2 : i32
      %add3A_846 = arith.addi %add3A_837, %add3A_845 : i32
      %le3A_847 = arith.constant 24 : i32
      %le3A_848 = arith.cmpi sle, %add3A_846, %le3A_847 : i32
      %convert_element_type3A_849 = arith.extui %le3A_848 : i1 to i32
      %cond3A_850 = arith.constant 0 : i32
      %cond3A_851 = arith.cmpi ne, %convert_element_type3A_849, %cond3A_850 : i32
      scf.if %cond3A_851 {
        %add3A_879 = arith.constant 2 : i32
        %add3A_880 = arith.addi %add3A_837, %add3A_879 : i32
        %dma_start3A_881 = arith.constant 0 : i32
        %dma_start3A_882 = arith.constant 0 : i32
        %dma_start3A_883 = tpu.memref_slice %arg12[%dma_start3A_881, %dma_start3A_882] : memref<80x128xf32, #tpu.memory_space<vmem>> -> memref<40x128xf32, #tpu.memory_space<vmem>>
        %dma_start3A_884 = arith.constant 0 : i32
        %dma_start3A_885 = tpu.memref_slice %arg6[%add3A_880, %dma_start3A_884] : memref<25x80xi32, #tpu.memory_space<vmem>> -> memref<1x40xi32, #tpu.memory_space<vmem>>
        %dma_start3A_886 = tpu.memref_squeeze %dma_start3A_885 : memref<1x40xi32, #tpu.memory_space<vmem>> -> memref<40xi32, #tpu.memory_space<vmem>>
        %dma_start3A_887 = arith.constant 0 : i32
        %dma_start3A_888 = arith.constant 0 : i32
        %dma_start3A_889 = tpu.memref_slice %arg2[%dma_start3A_887, %dma_start3A_888] : memref<10000x128xf32, #tpu.memory_space<hbm>> -> memref<10000x128xf32, #tpu.memory_space<hbm>>
        tpu.enqueue_indirect_dma source(%dma_start3A_889 : memref<10000x128xf32, #tpu.memory_space<hbm>>) target(%dma_start3A_883 : memref<40x128xf32, #tpu.memory_space<vmem>>) offsets(%dma_start3A_886 : memref<40xi32, #tpu.memory_space<vmem>>) semaphore(%arg15 : memref<!tpu.dma_semaphore, #tpu.memory_space<semaphore_mem>>)
        %dma_start3A_890 = arith.constant 40 : i32
        %dma_start3A_891 = arith.constant 0 : i32
        %dma_start3A_892 = tpu.memref_slice %arg12[%dma_start3A_890, %dma_start3A_891] : memref<80x128xf32, #tpu.memory_space<vmem>> -> memref<40x128xf32, #tpu.memory_space<vmem>>
        %dma_start3A_893 = arith.constant 40 : i32
        %dma_start3A_894 = tpu.memref_slice %arg6[%add3A_880, %dma_start3A_893] : memref<25x80xi32, #tpu.memory_space<vmem>> -> memref<1x40xi32, #tpu.memory_space<vmem>>
        %dma_start3A_895 = tpu.memref_squeeze %dma_start3A_894 : memref<1x40xi32, #tpu.memory_space<vmem>> -> memref<40xi32, #tpu.memory_space<vmem>>
        %dma_start3A_896 = arith.constant 0 : i32
        %dma_start3A_897 = arith.constant 0 : i32
        %dma_start3A_898 = tpu.memref_slice %arg2[%dma_start3A_896, %dma_start3A_897] : memref<10000x128xf32, #tpu.memory_space<hbm>> -> memref<10000x128xf32, #tpu.memory_space<hbm>>
        tpu.enqueue_indirect_dma source(%dma_start3A_898 : memref<10000x128xf32, #tpu.memory_space<hbm>>) target(%dma_start3A_892 : memref<40x128xf32, #tpu.memory_space<vmem>>) offsets(%dma_start3A_895 : memref<40xi32, #tpu.memory_space<vmem>>) semaphore(%arg15 : memref<!tpu.dma_semaphore, #tpu.memory_space<semaphore_mem>>)
      } else {
      }
      %dma_wait3A_852 = arith.constant 0 : i32
      %dma_wait3A_853 = arith.constant 0 : i32
      %dma_wait3A_854 = arith.constant 0 : i32
      %dma_wait3A_855 = tpu.memref_slice %arg10[%dma_wait3A_853, %dma_wait3A_854] : memref<80x128xf32, #tpu.memory_space<vmem>> -> memref<40x128xf32, #tpu.memory_space<vmem>>
      %dma_wait3A_856 = arith.constant 0 : i32
      %dma_wait3A_857 = tpu.memref_slice %arg6[%dma_wait3A_852, %dma_wait3A_856] : memref<25x80xi32, #tpu.memory_space<vmem>> -> memref<1x40xi32, #tpu.memory_space<vmem>>
      %dma_wait3A_858 = tpu.memref_squeeze %dma_wait3A_857 : memref<1x40xi32, #tpu.memory_space<vmem>> -> memref<40xi32, #tpu.memory_space<vmem>>
      %dma_wait3A_859 = arith.constant 0 : i32
      %dma_wait3A_860 = arith.constant 0 : i32
      %dma_wait3A_861 = tpu.memref_slice %arg2[%dma_wait3A_859, %dma_wait3A_860] : memref<10000x128xf32, #tpu.memory_space<hbm>> -> memref<10000x128xf32, #tpu.memory_space<hbm>>
      tpu.wait_indirect_dma semaphore(%arg13 : memref<!tpu.dma_semaphore, #tpu.memory_space<semaphore_mem>>) src(%dma_wait3A_861 : memref<10000x128xf32, #tpu.memory_space<hbm>>) dst(%dma_wait3A_855 : memref<40x128xf32, #tpu.memory_space<vmem>>)
      %dma_wait3A_862 = arith.constant 0 : i32
      %dma_wait3A_863 = arith.constant 40 : i32
      %dma_wait3A_864 = arith.constant 0 : i32
      %dma_wait3A_865 = tpu.memref_slice %arg10[%dma_wait3A_863, %dma_wait3A_864] : memref<80x128xf32, #tpu.memory_space<vmem>> -> memref<40x128xf32, #tpu.memory_space<vmem>>
      %dma_wait3A_866 = arith.constant 40 : i32
      %dma_wait3A_867 = tpu.memref_slice %arg6[%dma_wait3A_862, %dma_wait3A_866] : memref<25x80xi32, #tpu.memory_space<vmem>> -> memref<1x40xi32, #tpu.memory_space<vmem>>
      %dma_wait3A_868 = tpu.memref_squeeze %dma_wait3A_867 : memref<1x40xi32, #tpu.memory_space<vmem>> -> memref<40xi32, #tpu.memory_space<vmem>>
      %dma_wait3A_869 = arith.constant 0 : i32
      %dma_wait3A_870 = arith.constant 0 : i32
      %dma_wait3A_871 = tpu.memref_slice %arg2[%dma_wait3A_869, %dma_wait3A_870] : memref<10000x128xf32, #tpu.memory_space<hbm>> -> memref<10000x128xf32, #tpu.memory_space<hbm>>
      tpu.wait_indirect_dma semaphore(%arg13 : memref<!tpu.dma_semaphore, #tpu.memory_space<semaphore_mem>>) src(%dma_wait3A_871 : memref<10000x128xf32, #tpu.memory_space<hbm>>) dst(%dma_wait3A_865 : memref<40x128xf32, #tpu.memory_space<vmem>>)
      %dma_start3A_872 = arith.constant 0 : i32
      %dma_start3A_873 = tpu.memref_slice %arg7[%add3A_837, %dma_start3A_872] : memref<25x80xi32, #tpu.memory_space<vmem>> -> memref<1x80xi32, #tpu.memory_space<vmem>>
      %dma_start3A_874 = tpu.memref_squeeze %dma_start3A_873 : memref<1x80xi32, #tpu.memory_space<vmem>> -> memref<80xi32, #tpu.memory_space<vmem>>
      %dma_start3A_875 = arith.constant 0 : i32
      %dma_start3A_876 = arith.constant 0 : i32
      %dma_start3A_877 = tpu.memref_slice %arg5[%dma_start3A_875, %dma_start3A_876] : memref<10000x128xf32, #tpu.memory_space<vmem_shared>> -> memref<10000x128xf32, #tpu.memory_space<vmem_shared>>
      tpu.enqueue_indirect_dma source(%arg10 : memref<80x128xf32, #tpu.memory_space<vmem>>) target(%dma_start3A_877 : memref<10000x128xf32, #tpu.memory_space<vmem_shared>>) offsets(%dma_start3A_874 : memref<80xi32, #tpu.memory_space<vmem>>) semaphore(%arg16 : memref<!tpu.dma_semaphore, #tpu.memory_space<semaphore_mem>>) {add = true}
      %scan3A_878 = arith.constant 0 : i32
      scf.yield %scan3A_878 : i32
    }
    %scan3A_718 = arith.constant 8 : i32
    %dma_wait3A_719 = arith.constant 0 : i32
    %dma_wait3A_720 = arith.constant 0 : i32
    %dma_wait3A_721 = tpu.memref_slice %arg7[%dma_wait3A_719, %dma_wait3A_720] : memref<25x80xi32, #tpu.memory_space<vmem>> -> memref<1x80xi32, #tpu.memory_space<vmem>>
    %dma_wait3A_722 = tpu.memref_squeeze %dma_wait3A_721 : memref<1x80xi32, #tpu.memory_space<vmem>> -> memref<80xi32, #tpu.memory_space<vmem>>
    %dma_wait3A_723 = arith.constant 0 : i32
    %dma_wait3A_724 = arith.constant 0 : i32
    %dma_wait3A_725 = tpu.memref_slice %arg5[%dma_wait3A_723, %dma_wait3A_724] : memref<10000x128xf32, #tpu.memory_space<vmem_shared>> -> memref<10000x128xf32, #tpu.memory_space<vmem_shared>>
    tpu.wait_indirect_dma semaphore(%arg16 : memref<!tpu.dma_semaphore, #tpu.memory_space<semaphore_mem>>) src(%arg10 : memref<80x128xf32, #tpu.memory_space<vmem>>) dst(%dma_wait3A_725 : memref<10000x128xf32, #tpu.memory_space<vmem_shared>>)
    %barrier3A_726 = arith.constant 0 : index
    tpu.barrier barrier_id(%barrier3A_726)
    %scan3A_727 = arith.constant 0 : i32
    %scan3A_728 = arith.constant 0 : i32
    %scan3A_729 = arith.constant 8 : i32
    %scan3A_730 = arith.addi %scan3A_728, %scan3A_729 : i32
    %scan3A_731 = arith.constant 1 : i32
    %scan3A_732 = scf.for %scan3A_741 = %scan3A_728 to %scan3A_730 step %scan3A_731 iter_args(%scan3A_742 = %scan3A_727) -> (i32)  : i32 {
      %mul3A_743 = arith.constant 80 : i32
      %mul3A_744 = arith.muli %scan3A_741, %mul3A_743 : i32
      %add3A_745 = arith.addi %mul3A_2, %mul3A_744 : i32
      %mul3A_746 = arith.constant 80 : i32
      %mul3A_747 = arith.muli %scan3A_741, %mul3A_746 : i32
      %add3A_748 = arith.addi %mul3A_2, %mul3A_747 : i32
      %dma_start3A_749 = arith.constant 0 : i32
      %dma_start3A_750 = tpu.memref_slice %arg4[%arg0, %add3A_748, %dma_start3A_749] : memref<2x10000x128xf32, #tpu.memory_space<hbm>> -> memref<1x80x128xf32, #tpu.memory_space<hbm>>
      %dma_start3A_751 = tpu.memref_squeeze %dma_start3A_750 : memref<1x80x128xf32, #tpu.memory_space<hbm>> -> memref<80x128xf32, #tpu.memory_space<hbm>>
      %dma_start3A_752 = arith.constant 0 : i32
      %dma_start3A_753 = tpu.memref_slice %arg5[%add3A_745, %dma_start3A_752] : memref<10000x128xf32, #tpu.memory_space<vmem_shared>> -> memref<80x128xf32, #tpu.memory_space<vmem_shared>>
      tpu.enqueue_dma source(%dma_start3A_753 : memref<80x128xf32, #tpu.memory_space<vmem_shared>>) target(%dma_start3A_751 : memref<80x128xf32, #tpu.memory_space<hbm>>) target_semaphore(%arg16 : memref<!tpu.dma_semaphore, #tpu.memory_space<semaphore_mem>>)
      %scan3A_754 = arith.constant 0 : i32
      scf.yield %scan3A_754 : i32
    }
    %scan3A_733 = arith.constant 8 : i32
    %scan3A_734 = arith.constant 0 : i32
    %scan3A_735 = arith.constant 0 : i32
    %scan3A_736 = arith.constant 8 : i32
    %scan3A_737 = arith.addi %scan3A_735, %scan3A_736 : i32
    %scan3A_738 = arith.constant 1 : i32
    %scan3A_739 = scf.for %scan3A_741 = %scan3A_735 to %scan3A_737 step %scan3A_738 iter_args(%scan3A_742 = %scan3A_734) -> (i32)  : i32 {
      %dma_wait3A_743 = arith.constant 0 : i32
      %dma_wait3A_744 = tpu.memref_slice %arg4[%arg0, %mul3A_2, %dma_wait3A_743] : memref<2x10000x128xf32, #tpu.memory_space<hbm>> -> memref<1x80x128xf32, #tpu.memory_space<hbm>>
      %dma_wait3A_745 = tpu.memref_squeeze %dma_wait3A_744 : memref<1x80x128xf32, #tpu.memory_space<hbm>> -> memref<80x128xf32, #tpu.memory_space<hbm>>
      %dma_wait3A_746 = arith.constant 0 : i32
      %dma_wait3A_747 = tpu.memref_slice %arg5[%mul3A_2, %dma_wait3A_746] : memref<10000x128xf32, #tpu.memory_space<vmem_shared>> -> memref<80x128xf32, #tpu.memory_space<vmem_shared>>
      tpu.wait_dma2 semaphore(%arg16 : memref<!tpu.dma_semaphore, #tpu.memory_space<semaphore_mem>>) src(%dma_wait3A_747 : memref<80x128xf32, #tpu.memory_space<vmem_shared>>) dst(%dma_wait3A_745 : memref<80x128xf32, #tpu.memory_space<hbm>>)
      %scan3A_748 = arith.constant 0 : i32
      scf.yield %scan3A_748 : i32
    }
    %scan3A_740 = arith.constant 8 : i32
    return
  }
}

module attributes {stable_mosaic.version = 14 : i64} {
  func.func @_tc_body(%arg0: memref<2x10000x128xf32, #tpu.memory_space<vmem>>, %arg1: memref<10000x128xf32, #tpu.memory_space<vmem>>, %arg2: memref<1x1xf32, #tpu.memory_space<vmem>>, %arg3: memref<128x128xf32, #tpu.memory_space<vmem>>, %arg4: memref<1x128xf32, #tpu.memory_space<vmem>>, %arg5: memref<128x128xf32, #tpu.memory_space<vmem>>, %arg6: memref<1x128xf32, #tpu.memory_space<vmem>>, %arg7: memref<1x128xf32, #tpu.memory_space<vmem>>, %arg8: memref<1x128xf32, #tpu.memory_space<vmem>>, %arg9: memref<10000x128xf32, #tpu.memory_space<vmem>>) attributes {dimension_semantics = [], scalar_prefetch = 0 : i64, scratch_operands = 0 : i64, tpu.core_type = #tpu.core_type<tc>} {
    %get3A = arith.constant 0 : index
    %get3A_0 = arith.constant 0 : index
    %get3A_1 = arith.constant 0 : index
    %get3A_2 = vector.load %arg0[%get3A, %get3A_0, %get3A_1] : memref<2x10000x128xf32, #tpu.memory_space<vmem>>, vector<1x10000x128xf32>
    %get3A_3 = vector.shape_cast %get3A_2 : vector<1x10000x128xf32> to vector<10000x128xf32>
    %get3A_4 = arith.constant 1 : index
    %get3A_5 = arith.constant 0 : index
    %get3A_6 = arith.constant 0 : index
    %get3A_7 = vector.load %arg0[%get3A_4, %get3A_5, %get3A_6] : memref<2x10000x128xf32, #tpu.memory_space<vmem>>, vector<1x10000x128xf32>
    %get3A_8 = vector.shape_cast %get3A_7 : vector<1x10000x128xf32> to vector<10000x128xf32>
    %add3A = arith.addf %get3A_3, %get3A_8 : vector<10000x128xf32>
    %get3A_9 = arith.constant 0 : index
    %get3A_10 = arith.constant 0 : index
    %get3A_11 = vector.load %arg2[%get3A_9, %get3A_10] : memref<1x1xf32, #tpu.memory_space<vmem>>, vector<1x1xf32>
    %get3A_12 = vector.extract %get3A_11[0, 0] : f32 from vector<1x1xf32>
    %add3A_13 = arith.constant 1.000000e+00 : f32
    %add3A_14 = arith.addf %add3A_13, %get3A_12 : f32
    %get3A_15 = arith.constant 0 : index
    %get3A_16 = arith.constant 0 : index
    %get3A_17 = vector.load %arg1[%get3A_15, %get3A_16] : memref<10000x128xf32, #tpu.memory_space<vmem>>, vector<10000x128xf32>
    %mul3A = vector.broadcast %add3A_14 : f32 to vector<10000x128xf32>
    %mul3A_18 = arith.mulf %mul3A, %get3A_17 : vector<10000x128xf32>
    %add3A_19 = arith.addf %add3A, %mul3A_18 : vector<10000x128xf32>
    %get3A_20 = arith.constant 0 : index
    %get3A_21 = arith.constant 0 : index
    %get3A_22 = vector.load %arg3[%get3A_20, %get3A_21] : memref<128x128xf32, #tpu.memory_space<vmem>>, vector<128x128xf32>
    %dot_general3A = arith.constant dense<0.000000e+00> : vector<10000x128xf32>
    %dot_general3A_23 = tpu.matmul %add3A_19, %get3A_22, %dot_general3A {dimension_numbers = #tpu.dot_dimension_numbers<[1], [1], [0], [0], [0, 0, 1, 0], [], []>, transpose_lhs_hint = false} : vector<10000x128xf32>, vector<128x128xf32>, vector<10000x128xf32> -> vector<10000x128xf32>
    %get3A_24 = arith.constant 0 : index
    %get3A_25 = arith.constant 0 : index
    %get3A_26 = vector.load %arg4[%get3A_24, %get3A_25] : memref<1x128xf32, #tpu.memory_space<vmem>>, vector<1x128xf32>
    %add3A_27 = vector.broadcast %get3A_26 : vector<1x128xf32> to vector<10000x128xf32>
    %add3A_28 = arith.addf %dot_general3A_23, %add3A_27 : vector<10000x128xf32>
    %max3A = arith.constant 0.000000e+00 : f32
    %max3A_29 = vector.broadcast %max3A : f32 to vector<10000x128xf32>
    %max3A_30 = arith.maximumf %add3A_28, %max3A_29 : vector<10000x128xf32>
    %get3A_31 = arith.constant 0 : index
    %get3A_32 = arith.constant 0 : index
    %get3A_33 = vector.load %arg5[%get3A_31, %get3A_32] : memref<128x128xf32, #tpu.memory_space<vmem>>, vector<128x128xf32>
    %dot_general3A_34 = arith.constant dense<0.000000e+00> : vector<10000x128xf32>
    %dot_general3A_35 = tpu.matmul %max3A_30, %get3A_33, %dot_general3A_34 {dimension_numbers = #tpu.dot_dimension_numbers<[1], [1], [0], [0], [0, 0, 1, 0], [], []>, transpose_lhs_hint = false} : vector<10000x128xf32>, vector<128x128xf32>, vector<10000x128xf32> -> vector<10000x128xf32>
    %get3A_36 = arith.constant 0 : index
    %get3A_37 = arith.constant 0 : index
    %get3A_38 = vector.load %arg6[%get3A_36, %get3A_37] : memref<1x128xf32, #tpu.memory_space<vmem>>, vector<1x128xf32>
    %add3A_39 = vector.broadcast %get3A_38 : vector<1x128xf32> to vector<10000x128xf32>
    %add3A_40 = arith.addf %dot_general3A_35, %add3A_39 : vector<10000x128xf32>
    %reduce_sum3A = arith.constant dense<0.000000e+00> : vector<128xf32>
    %reduce_sum3A_41 = vector.multi_reduction <add>, %add3A_40, %reduce_sum3A [0] : vector<10000x128xf32> to vector<128xf32>
    %broadcast_in_dim3A = vector.shape_cast %reduce_sum3A_41 : vector<128xf32> to vector<1x128xf32>
    %div3A = arith.constant 1.000000e+04 : f32
    %div3A_42 = vector.broadcast %div3A : f32 to vector<1x128xf32>
    %div3A_43 = arith.divf %broadcast_in_dim3A, %div3A_42 : vector<1x128xf32>
    %mul3A_44 = arith.mulf %add3A_40, %add3A_40 : vector<10000x128xf32>
    %reduce_sum3A_45 = arith.constant dense<0.000000e+00> : vector<128xf32>
    %reduce_sum3A_46 = vector.multi_reduction <add>, %mul3A_44, %reduce_sum3A_45 [0] : vector<10000x128xf32> to vector<128xf32>
    %broadcast_in_dim3A_47 = vector.shape_cast %reduce_sum3A_46 : vector<128xf32> to vector<1x128xf32>
    %div3A_48 = arith.constant 1.000000e+04 : f32
    %div3A_49 = vector.broadcast %div3A_48 : f32 to vector<1x128xf32>
    %div3A_50 = arith.divf %broadcast_in_dim3A_47, %div3A_49 : vector<1x128xf32>
    %mul3A_51 = arith.mulf %div3A_43, %div3A_43 : vector<1x128xf32>
    %sub3A = arith.subf %div3A_50, %mul3A_51 : vector<1x128xf32>
    %add3A_52 = arith.constant 9.99999974E-6 : f32
    %add3A_53 = vector.broadcast %add3A_52 : f32 to vector<1x128xf32>
    %add3A_54 = arith.addf %sub3A, %add3A_53 : vector<1x128xf32>
    %rsqrt3A = math.rsqrt %add3A_54 : vector<1x128xf32>
    %sub3A_55 = vector.broadcast %div3A_43 : vector<1x128xf32> to vector<10000x128xf32>
    %sub3A_56 = arith.subf %add3A_40, %sub3A_55 : vector<10000x128xf32>
    %get3A_57 = arith.constant 0 : index
    %get3A_58 = arith.constant 0 : index
    %get3A_59 = vector.load %arg7[%get3A_57, %get3A_58] : memref<1x128xf32, #tpu.memory_space<vmem>>, vector<1x128xf32>
    %mul3A_60 = arith.mulf %rsqrt3A, %get3A_59 : vector<1x128xf32>
    %mul3A_61 = vector.broadcast %mul3A_60 : vector<1x128xf32> to vector<10000x128xf32>
    %mul3A_62 = arith.mulf %sub3A_56, %mul3A_61 : vector<10000x128xf32>
    %get3A_63 = arith.constant 0 : index
    %get3A_64 = arith.constant 0 : index
    %get3A_65 = vector.load %arg8[%get3A_63, %get3A_64] : memref<1x128xf32, #tpu.memory_space<vmem>>, vector<1x128xf32>
    %add3A_66 = vector.broadcast %get3A_65 : vector<1x128xf32> to vector<10000x128xf32>
    %add3A_67 = arith.addf %mul3A_62, %add3A_66 : vector<10000x128xf32>
    %max3A_68 = arith.constant 0.000000e+00 : f32
    %max3A_69 = vector.broadcast %max3A_68 : f32 to vector<10000x128xf32>
    %max3A_70 = arith.maximumf %add3A_67, %max3A_69 : vector<10000x128xf32>
    %swap3A = arith.constant 0 : index
    %swap3A_71 = arith.constant 0 : index
    %swap3A_72 = vector.load %arg9[%swap3A, %swap3A_71] : memref<10000x128xf32, #tpu.memory_space<vmem>>, vector<10000x128xf32>
    tpu.vector_store %arg9[%swap3A, %swap3A_71], %max3A_70 {strides = array<i32>} : memref<10000x128xf32, #tpu.memory_space<vmem>>, vector<10000x128xf32>,
    return
  }
}

</mosaic_0001>

<sc_bundles>
// kernel: kernel.4.cloned.1.call-start
scs
__scs_entry_jumppad:
0x0: {  	(pc) =	sbr.rel $0x88, $3  }
0x1: {  	(tag) =	ssettag $0x0;
	lr =	simm.s32 $0x1  }
0x2: {  	[smem:$0x3F98] =	sst lr;
	_ =	strace $0xD0000000  }
0x3: {  	_ = 	snop  }
0x4: {  	_ = 	snop  }
0x5: {  	_ = 	snop  }
0x6: {  	_ = 	snop  }
0x7: {  	_ = 	snop  }
__scs_overlays_trampoline_lowered:
0x8: {  	[smem:$0x3FA7] =	sst s0  }
0x9: {  	[smem:$0x3FA8] =	sst s1  }
0xa: {  	[smem:$0x3FA9] =	sst s2  }
0xb: {  	[smem:$0x3FAA] =	sst s3  }
0xc: {  	[smem:$0x3FAB] =	sst s4  }
0xd: {  	[smem:$0x3FAC] =	sst s5  }
0xe: {  	[smem:$0x3FAD] =	sst s6  }
0xf: {  	[smem:$0x3FAE] =	sst s7  }
0x10: {  	[smem:$0x3FAF] =	sst s8  }
0x11: {  	[smem:$0x3FB0] =	sst s9;
	s0 =	simm.s32 @!p0 $0x0  }
0x12: {  	s1 =	sld [smem:$0x3F96];
	s0 =	simm.s32 @p0 $0x1  }
0x13: {  	[smem:$0x3FB1] =	sst s0;
	s0 =	simm.s32 @!p1 $0x0  }
0x14: {  	s2 =	sld [smem:$0x3F95];
	s0 =	simm.s32 @p1 $0x1  }
0x15: {  	[smem:$0x3FB2] =	sst s0;
	s0 =	simm.s32 @!p2 $0x0  }
0x16: {  	s3 =	sld [smem:$0x3FDB];
	s0 =	simm.s32 @p2 $0x1  }
0x17: {  	s4 =	simm.s32 $0x1BF5;
	[smem:$0x3FB4] =	sst s0  }
0x18: {  	s0 =	sld [smem:$0x3F97];
	_ =	swait.ge [sflag:s4], $0x0  }
0x19: {  	s7 =	sld [smem:$0x3F98]  }
0x1a: {  	s8 =	sadd.s32 $0xFFFFE003, lr  }
0x1b: {  	s9 =	sadd.s32 $0xFFFFFEF7, lr;
	s5 =	simm.s32 $0xFFFFFFFF;
	p2 =	slt.u32 s8, $0xFFFFF086  }
0x1c: {  	p1 =	slt.u32 s9, $0xF7A;
	s5 =	simm.s32 @!p2 $0x0  }
0x1d: {  	s5 =	simm.s32 @p1 $0x1;
	p0 =	seq.s32 s7, s2  }
0x1e: {  	s7 =	smul.u32 @!p0 $0xF7A, s2;
	p2 =	seq.s32 @!p0 s5, $0x0  }
0x1f: {  	s9 =	smul.u32 $0xF7A, s1;
	s8 =	simm.s32 @!p0 $0x1BF5;
	p2 =	por !p2, p0  }
0x20: {  	[sflag:s8] =	ssyncset.s32 @!p0 $0xFFFFF086;
	s6 =	sadd.s32 @!p0 s3, s7;
	s7 =	simm.s32 @!p0 $0x108  }
0x21: {  	s3 =	sadd.s32 s3, s9;
	s6 =	sadd.s32 @!p0 $0x88, s6;
	s7 =	simm.s32 @p2 $0x1082  }
0x22: {  	[simem:s7], [sflag:s8] =	dma.local @!p0 [hbm:s6], $0xF7A  }
0x23: {  	s9 =	sor.u32 $0xD0000000, s2;
	s6 =	simm.s32 $0x108;
	_ =	swait.ge @!p0 [sflag:s8], $0x0  }
0x24: {  	s3 =	sadd.s32 $0x88, s3;
	s6 =	simm.s32 @!p1 $0x1082;
	[sflag:s4] =	ssyncset.s32 $0xFFFFF086  }
0x25: {  	[simem:s6], [sflag:s4] =	dma.local [hbm:s3], $0xF7A  }
0x26: {  	[smem:$0x3F98] =	sst s1;
	(tag) =	ssettag s2;
	_ =	strace s9  }
0x27: {  	s1 =	sld [smem:$0x3FA8]  }
0x28: {  	s2 =	sld [smem:$0x3FA9]  }
0x29: {  	s4 =	sld [smem:$0x3FAB]  }
0x2a: {  	p0 =	seq.s32 s5, $0x0;
	s5 =	sld [smem:$0x3FAC]  }
0x2b: {  	s6 =	sld [smem:$0x3FAD]  }
0x2c: {  	s7 =	sld [smem:$0x3FAE]  }
0x2d: {  	s3 =	simm.s32 $0x108;
	s8 =	sld [smem:$0x3FAF]  }
0x2e: {  	s3 =	simm.s32 @!p0 $0x1082;
	s9 =	sld [smem:$0x3FB0]  }
0x2f: {  	lr =	sadd.s32 s0, s3;
	s0 =	sld [smem:$0x3FA7]  }
0x30: {  	s3 =	sld [smem:$0x3FAA]  }
0x31: {  	[smem:$0x3FB3] =	sst s10  }
0x32: {  	s10 =	sld [smem:$0x3FB1];
	_ =	sdelay $0x3  }
0x33: {  	p0 =	seq.s32 s10, $0x1;
	s10 =	sld [smem:$0x3FB3];
	_ =	sdelay $0x3  }
0x34: {  	[smem:$0x3FB3] =	sst s10  }
0x35: {  	s10 =	sld [smem:$0x3FB2];
	_ =	sdelay $0x3  }
0x36: {  	p1 =	seq.s32 s10, $0x1;
	s10 =	sld [smem:$0x3FB3];
	_ =	sdelay $0x3  }
0x37: {  	[smem:$0x3FB3] =	sst s10  }
0x38: {  	s10 =	sld [smem:$0x3FB4]  }
0x39: {  	_ = 	snop;
	(pc) =	sbr.ind lr, $3  }
0x3a: {  	_ = 	snop  }
0x3b: {  	_ = 	snop  }
0x3c: {  	p2 =	seq.s32 s10, $0x1;
	s10 =	sld [smem:$0x3FB3]  }
0x3d: {  	_ =	shalt  }
0x3e: {  	_ =	shalt  }
0x3f: {  	_ =	shalt  }
0x40: {  	_ =	shalt  }
0x41: {  	_ =	shalt  }
0x42: {  	_ =	shalt  }
0x43: {  	_ =	shalt  }
0x44: {  	_ =	shalt  }
0x45: {  	_ =	shalt  }
0x46: {  	_ =	shalt  }
0x47: {  	_ =	shalt  }
0x48: {  	_ =	shalt  }
0x49: {  	_ =	shalt  }
0x4a: {  	_ =	shalt  }
0x4b: {  	_ =	shalt  }
0x4c: {  	_ =	shalt  }
0x4d: {  	_ =	shalt  }
0x4e: {  	_ =	shalt  }
0x4f: {  	_ =	shalt  }
0x50: {  	_ =	shalt  }
0x51: {  	_ =	shalt  }
0x52: {  	_ =	shalt  }
0x53: {  	_ =	shalt  }
0x54: {  	_ =	shalt  }
0x55: {  	_ =	shalt  }
0x56: {  	_ =	shalt  }
0x57: {  	_ =	shalt  }
0x58: {  	_ =	shalt  }
0x59: {  	_ =	shalt  }
0x5a: {  	_ =	shalt  }
0x5b: {  	_ =	shalt  }
0x5c: {  	_ =	shalt  }
0x5d: {  	_ =	shalt  }
0x5e: {  	_ =	shalt  }
0x5f: {  	_ =	shalt  }
0x60: {  	_ =	shalt  }
0x61: {  	_ =	shalt  }
0x62: {  	_ =	shalt  }
0x63: {  	_ =	shalt  }
0x64: {  	_ =	shalt  }
0x65: {  	_ =	shalt  }
0x66: {  	_ =	shalt  }
0x67: {  	_ =	shalt  }
0x68: {  	_ =	shalt  }
0x69: {  	_ =	shalt  }
0x6a: {  	_ =	shalt  }
0x6b: {  	_ =	shalt  }
0x6c: {  	_ =	shalt  }
0x6d: {  	_ =	shalt  }
0x6e: {  	_ =	shalt  }
0x6f: {  	_ =	shalt  }
0x70: {  	_ =	shalt  }
0x71: {  	_ =	shalt  }
0x72: {  	_ =	shalt  }
0x73: {  	_ =	shalt  }
0x74: {  	_ =	shalt  }
0x75: {  	_ =	shalt  }
0x76: {  	_ =	shalt  }
0x77: {  	_ =	shalt  }
0x78: {  	_ =	shalt  }
0x79: {  	_ =	shalt  }
0x7a: {  	_ =	shalt  }
0x7b: {  	_ =	shalt  }
0x7c: {  	_ =	shalt  }
0x7d: {  	_ =	shalt  }
0x7e: {  	_ =	shalt  }
0x7f: {  	_ =	shalt  }
0x80: {  	_ =	shalt  }
0x81: {  	_ =	shalt  }
0x82: {  	_ =	shalt  }
0x83: {  	_ =	shalt  }
0x84: {  	_ =	shalt  }
0x85: {  	_ =	shalt  }
0x86: {  	_ =	shalt  }
0x87: {  	_ =	shalt  }
.Lfunc_end0:
.L_simem_size_0:
called_computation_lowered:
.L_overlay_start_0:
0x88: {  	s2 =	sld [smem:$0x3FD9]  }
0x89: {  	s3 =	sld [smem:$0x3FFE];
	_ =	sdelay $0x1  }
0x8a: {  	s1 =	srdreg.scid  }
0x8b: {  	s0 =	sand.u32 $0x1, s1  }
0x8c: {  	s17 =	sshll.u32 s0, $0xA;
	s2 =	sadd.s32 s3, s2  }
0x8d: {  	s2 =	sadd.s32 s2, s17  }
0x8e: {  	[smem:$0x3FBF] =	sst s2  }
0x8f: {  	_ = 	snop  }
0x90: {  	s2 =	sld [smem:$0x3FC9];
	(tm) =	ssettm $0x1  }
0x91: {  	s18 =	sld [smem:$0x3FFB];
	_ =	sdelay $0x3  }
0x92: {  	_ =	strace s18  }
0x93: {  	s3 =	sld [smem:$0x3FFC];
	_ =	sdelay $0x3  }
0x94: {  	_ =	strace s3  }
0x95: {  	s3 =	sld [smem:$0x3FFD];
	_ =	sdelay $0x3  }
0x96: {  	_ =	strace s3  }
0x97: {  	_ =	strace $0x8FFFFFFF  }
0x98: {  	s19 =	sld [smem:$0x3FDB];
	_ =	sdelay $0x1  }
0x99: {  	s4 =	simm.s32 $_scs_section_size  }
0x9a: {  	s5 =	simm.s32 $_size__tile_overlayer_lowered;
	s6 =	simm.s32 $_tile_overlayer_lowered  }
0x9b: {  	s22 =	simm.s32 $0x1BFF;
	s21 =	sshll.u32 s6, $0x1;
	s3 =	sadd.s32 s4, s19  }
0x9c: {  	s7 =	simm.s32 $0x0;
	s20 =	sshll.u32 s5, $0x1;
	s5 =	sadd.s32 s21, s3  }
0x9d: {  	[timem:s7], [sflag:s22] =	dma.local [hbm:s5], s20  }
0x9e: {  	_ =	swait.ge [sflag:s22], s20  }
0x9f: {  	s4 =	ssub.s32 $0x0, s20;
	[sflag:s22] =	ssyncset.done $0x0  }
0xa0: {  	[sflag:s22] =	ssyncadd.s32 s4;
	_ =	sdelay $0x1  }
0xa1: {  	s23 =	simm.s32 $0x1B8B  }
0xa2: {  	_ =	swait.ge [sflag:s23], $0x1  }
0xa3: {  	[sflag:s23] =	ssyncset.done $0x0  }
0xa4: {  	s25 =	simm.s32 $0x1B8E;
	s24 =	sld [smem:$0x3FFE];
	[sflag:s23] =	ssyncadd.s32 $0xFFFFFFFF  }
0xa5: {  	s26 =	simm.s32 $execute0_lowered;
	[smem:$0x3FD2] =	sst s25  }
0xa6: {  	s5 =	sshll.u32 s26, $0x1;
	_ =	strace $0x80000046;
	[dreg:$0x1] =	wrdreg $0xFFFFFFFF  }
0xa7: {  	s28 =	simm.s32 $_size_execute0_lowered;
	s3 =	sadd.s32 s3, s5;
	[dreg:$0x0] =	wrdreg $0x0  }
0xa8: {  	s5 =	sshll.u32 s28, $0x1;
	[dreg:$0x2] =	wrdreg s3  }
0xa9: {  	[dreg:$0x3] =	wrdreg s5  }
0xaa: {  	[dreg:$0x4] =	wrdreg $0xC0  }
0xab: {  	_ =	task [dreg:s7], $0x5FFFF  }
0xac: {  	[dreg:$0x1] =	wrdreg $0xFFFFFFFF  }
0xad: {  	[dreg:$0x0] =	wrdreg $0x60  }
0xae: {  	[dreg:$0x2] =	wrdreg s2  }
0xaf: {  	[dreg:$0x3] =	wrdreg s24  }
0xb0: {  	[dreg:$0x4] =	wrdreg $0x0  }
0xb1: {  	[dreg:$0x5] =	wrdreg $0x9  }
0xb2: {  	_ =	task.clear_ibuf [dreg:s7], $0x6FFFF;
	_ =	strace $0x90000046  }
0xb3: {  	s29 =	simm.s32 $0x9;
	_ =	strace $0x80000048  }
0xb4: {  	_ =	swait.ge [sflag:s29], $0x1  }
0xb5: {  	[sflag:s29] =	ssyncadd.s32 $0xFFFFFFFF  }
0xb6: {  	_ =	strace $0x90000048  }
0xb7: {  	_ =	sfence  }
0xb8: {  	s30 =	sld [smem:$0x0];
	_ =	sdelay $0x2  }
0xb9: {  	s31 =	sshll.u32 s1, $0xD;
	s1 =	sshrl.u32 s1, $0x2  }
0xba: {  	s3 =	sand.u32 $0x4000, s31;
	s1 =	sadd.s32 s1, s30  }
0xbb: {  	s0 =	sor.u32 s3, s0;
	s1 =	sshll.u32 s1, $0x11  }
0xbc: {  	s0 =	sor.u32 s1, s0  }
0xbd: {  	s0 =	sadd.s32 $0x8F2B, s0  }
0xbe: {  	[sflag:s0] =	ssyncadd.remote.s32 $0x1  }
0xbf: {  	_ =	sfence.sel $0xFFFF  }
0xc0: {  	[dreg:$0x0] =	wrdreg $0xFFFFFFFF;
	(pc) =	sbr.abs _section_cstart, $3  }
0xc1: {  	[dreg:$0x1] =	wrdreg $0xFFFFFFFF  }
0xc2: {  	_ =	task.clear_ibuf [dreg:s7], $0x2FFFF;
	_ =	strace $0x9FFFFFFF  }
0xc3: {  	(tm) =	ssettm $0x7FFFFFFF  }
tec
execute0_lowered:
.L_overlay_start_1:
0x0: {  	(tag) =	ssettag $0x1  }
0x1: {  	s0 =	srdreg.scid;
	s1 =	rddreg [dreg:$0x0]  }
0x2: {  	s16 =	stileid.u32;
	s4 =	rddreg [dreg:$0x1]  }
0x3: {  	s3 =	rddreg [dreg:$0x2];
	s5 =	simm.s32 $0x0;
	s0 =	sand.u32 $0x1, s0  }
0x4: {  	s2 =	sshll.u32 s16, $0x1;
	[smem:$0x7FF] =	sst s5;
	s19 =	smul.u32 $0x13800, s16  }
0x5: {  	s2 =	sor.u32 s0, s2;
	s18 =	ssub.s32 $0x2, s0;
	s0 =	smul.u32 $0x138800, s0  }
0x6: {  	_ =	strace $0x80000047;
	s2 =	smul.u32 $0x5000, s2;
	s6 =	sshrl.u32 s18, $0x1  }
0x7: {  	s8 =	sadd.s32 $0x5000, s19;
	s9 =	sadd.s32 $0x7800, s19;
	s10 =	sadd.s32 $0xA000, s19  }
0x8: {  	s11 =	sadd.s32 $0xC800, s19;
	s12 =	sadd.s32 $0xF000, s19;
	s5 =	ssub.s32 s18, s6  }
0x9: {  	s13 =	sadd.s32 s0, s19;
	s6 =	sadd.s32 $0x11800, s19;
	s23 =	sadd.s32 s0, s8  }
0xa: {  	s24 =	sadd.s32 s0, s9;
	s15 =	sadd.s32 s0, s10;
	s17 =	sadd.s32 s0, s12  }
0xb: {  	s8 =	sadd.s32 s8, s3;
	s29 =	sadd.s32 s9, s3;
	s9 =	sadd.s32 s10, s3  }
0xc: {  	s30 =	sadd.s32 s11, s3;
	s31 =	sadd.s32 s12, s3;
	s10 =	simm.s32 $0x28  }
0xd: {  	s12 =	simm.s32 $0x1A080;
	s2 =	sshrl.u32 s2, $0x3;
	s13 =	sshrl.u32 s13, $0x3  }
0xe: {  	s25 =	sshrl.u32 s24, $0x3;
	s26 =	sshrl.u32 s15, $0x3;
	s2 =	sadd.s32 s2, s4  }
0xf: {  	s15 =	sadd.s32 s0, s11;
	s18 =	sshrl.u32 s17, $0x3;
	s7 =	sadd.s32 $0x1A00, s2  }
0x10: {  	s11 =	simm.s32 $0x2;
	s20 =	sadd.s32 $0x15A00, s2;
	[dreg:$0x4] =	wrdreg s7  }
0x11: {  	s4 =	sadd.s32 $0x29A00, s4;
	s21 =	sadd.s32 $0x1C00, s2;
	[dreg:$0x5] =	wrdreg s20  }
0x12: {  	s17 =	simm.s32 $0x6;
	s13 =	sadd.s32 s4, s13;
	[dreg:$0x6] =	wrdreg s21  }
0x13: {  	s24 =	sadd.s32 $0x16000, s2;
	s7 =	sadd.s32 $0x2800, s19;
	[dreg:$0x7] =	wrdreg s13  }
0x14: {  	s13 =	sshrl.u32 s23, $0x3;
	s19 =	sadd.s32 $0x15C00, s2;
	[dreg:$0x13] =	wrdreg s24  }
0x15: {  	s20 =	sadd.s32 $0x1E00, s2;
	s21 =	sadd.s32 $0x15E00, s2;
	[dreg:$0xf] =	wrdreg s19  }
0x16: {  	s23 =	sadd.s32 $0x2000, s2;
	s14 =	sadd.s32 s0, s7;
	[dreg:$0x10] =	wrdreg s20  }
0x17: {  	s13 =	sadd.s32 s4, s13;
	s0 =	sadd.s32 s0, s6;
	[dreg:$0x11] =	wrdreg s21  }
0x18: {  	[dreg:$0x12] =	wrdreg s23;
	s28 =	sadd.s32 s7, s3;
	s7 =	simm.s32 $0x7  }
0x19: {  	s19 =	simm.s32 $0x4;
	s21 =	simm.s32 $0x18C80;
	s23 =	simm.s32 $0x50  }
0x1a: {  	s20 =	simm.s32 $0x0;
	s14 =	sshrl.u32 s14, $0x3;
	[dreg:$0x9] =	wrdreg s13  }
0x1b: {  	s13 =	sadd.s32 s4, s25;
	s0 =	sshrl.u32 s0, $0x3;
	s25 =	sadd.s32 $0x2200, s2  }
0x1c: {  	s2 =	sadd.s32 $0x16200, s2;
	s22 =	sadd.s32 s4, s14;
	[dreg:$0xa] =	wrdreg s13  }
0x1d: {  	s14 =	sadd.s32 s4, s26;
	s13 =	sshrl.u32 s15, $0x3;
	[dreg:$0x14] =	wrdreg s25  }
0x1e: {  	s0 =	sadd.s32 s4, s0;
	[dreg:$0x15] =	wrdreg s2;
	s26 =	smax.u32 s5, $0x1  }
0x1f: {  	s2 =	sadd.s32 s6, s3;
	s5 =	simm.s32 $0x13880;
	[dreg:$0x8] =	wrdreg s22  }
0x20: {  	s6 =	simm.s32 $0x17880;
	s15 =	simm.s32 $0x3;
	[dreg:$0xb] =	wrdreg s14  }
0x21: {  	s13 =	sadd.s32 s4, s13;
	[dreg:$0xe] =	wrdreg s0;
	s22 =	smul.u32 $0x4E000, s16  }
0x22: {  	[dreg:$0x16] =	wrdreg s26;
	s14 =	simm.s32 $0x1B480;
	s16 =	simm.s32 $0x1C880  }
0x23: {  	[dreg:$0xc] =	wrdreg s13;
	s13 =	sadd.s32 s4, s18;
	s0 =	sshrl.u32 s22, $0x2  }
0x24: {  	s18 =	simm.s32 $0x1DC80;
	[dreg:$0xd] =	wrdreg s13;
	s26 =	sadd.s32 s0, s3  }
0x25: {  	v0 =	vimm.f32 $0.0e+00;
	s22 =	simm.s32 $0x1;
	s13 =	simm.s32 $0x5;
	[dreg:$0x17] =	wrdreg s26  }
.LBB2_1:
0x26: {  	s0 =	smov.u32 s2  }
0x27: {  	s2 =	smov.u32 s31;
	s31 =	smov.u32 s30;
	s30 =	smov.u32 s9  }
0x28: {  	s9 =	smov.u32 s29;
	s29 =	smov.u32 s8;
	s8 =	smov.u32 s28  }
0x29: {  	s28 =	smov.u32 s26;
	s24 =	simm.s32 $0x0;
	s4 =	rddreg [dreg:$0x4]  }
0x2a: {  	[tilespmem:s5], [sflag:$0x7] =	stream.linear.gather [hbm4b:s4+s24], $0xC80, $0x38;
	[tilespmem:$0x1F080] =	vst v63  }
0x2b: {  	s25 =	rddreg [dreg:$0x5];
	s5 =	simm.s32 $0x14880;
	s26 =	sand.u32 $0xFE00, s24  }
0x2c: {  	[tilespmem:s5], [sflag:$0x7] =	stream.linear.gather [hbm4b:s25+s24], $0xC80, $0x38;
	[tilespmem:$0x1F080] =	vst v63  }
0x2d: {  	s24 =	sand.u32 $0x70, s24;
	s25 =	sshrl.u32 s26, $0x2  }
0x2e: {  	s4 =	simm.s32 $0x40;
	s25 =	sor.u32 s24, s25;
	s24 =	simm.s32 $0x0  }
.LBB2_2:
0x2f: {  	p0 =	sne.s32 s4, $0x9FC0  }
0x30: {  	[tilespmem:s25+$0x17880] =	vst v0;
	s24 =	sadd.s32 $0x10, s24;
	s25 =	smov.u32 s4;
	s4 =	sadd.s32 $0x40, s4  }
.Ltmp0:
0x31: {  	(pc) =	sbr.rel @p0 .LBB2_2-.Ltmp0, $4  }
0x32: {  	_ = 	snop  }
0x33: {  	s25 =	sand.u32 $0xFE00, s25  }
0x34: {  	s26 =	sand.u32 $0x70, s24;
	s25 =	sshrl.u32 s25, $0x2  }
0x35: {  	s25 =	sor.u32 s26, s25  }
0x36: {  	[tilespmem:s25+$0x17880] =	vst v0  }
0x37: {  	[spmem:s28] =	stream.linear.scatter [tilespmem:s6], [sflag:$0x4], $0x2800, $0x38;
	[tilespmem:$0x1F080] =	vst v63  }
0x38: {  	_ = 	snop  }
0x39: {  	[spmem:s8] =	stream.linear.scatter [tilespmem:s6], [sflag:$0x4], $0x2800, $0x38;
	[tilespmem:$0x1F080] =	vst v63  }
0x3a: {  	_ = 	snop  }
0x3b: {  	[spmem:s29] =	stream.linear.scatter [tilespmem:s6], [sflag:$0x4], $0x2800, $0x38;
	[tilespmem:$0x1F080] =	vst v63  }
0x3c: {  	_ = 	snop  }
0x3d: {  	[spmem:s9] =	stream.linear.scatter [tilespmem:s6], [sflag:$0x4], $0x2800, $0x38;
	[tilespmem:$0x1F080] =	vst v63  }
0x3e: {  	_ = 	snop  }
0x3f: {  	[spmem:s30] =	stream.linear.scatter [tilespmem:s6], [sflag:$0x4], $0x2800, $0x38;
	[tilespmem:$0x1F080] =	vst v63  }
0x40: {  	_ = 	snop  }
0x41: {  	[spmem:s31] =	stream.linear.scatter [tilespmem:s6], [sflag:$0x4], $0x2800, $0x38;
	[tilespmem:$0x1F080] =	vst v63  }
0x42: {  	_ = 	snop  }
0x43: {  	[spmem:s2] =	stream.linear.scatter [tilespmem:s6], [sflag:$0x4], $0x2800, $0x38;
	[tilespmem:$0x1F080] =	vst v63  }
0x44: {  	_ = 	snop  }
0x45: {  	[spmem:s0] =	stream.linear.scatter [tilespmem:s6], [sflag:$0x4], $0x2800, $0x38;
	[tilespmem:$0x1F080] =	vst v63  }
0x46: {  	_ =	swait.ge [sflag:s7], $0xC80  }
0x47: {  	[sflag:s7] =	ssyncset.done $0x0  }
0x48: {  	[sflag:s7] =	ssyncadd.s32 $0xFFFFF380  }
0x49: {  	_ =	swait.ge [sflag:s7], $0xC80  }
0x4a: {  	s4 =	simm.s32 $0x0;
	[sflag:s7] =	ssyncset.done $0x0  }
0x4b: {  	s26 =	simm.s32 $0x15880;
	s24 =	rddreg [dreg:$0x6];
	[sflag:s7] =	ssyncadd.s32 $0xFFFFF380  }
0x4c: {  	[tilespmem:s26], [sflag:$0x7] =	stream.linear.gather [hbm4b:s24+s4], $0xC80, $0x38;
	[tilespmem:$0x1F080] =	vst v63  }
0x4d: {  	s25 =	rddreg [dreg:$0xf];
	s26 =	simm.s32 $0x16880  }
0x4e: {  	[tilespmem:s26], [sflag:$0x7] =	stream.linear.gather [hbm4b:s25+s4], $0xC80, $0x38;
	[tilespmem:$0x1F080] =	vst v63  }
0x4f: {  	s24 =	simm.s32 $0x13900  }
0x50: {  	[tilespmem:s12], [sflag:$0x2] =	stream.indirect.gather [hbm4b:s1+s10], $0x80, s24, s10, $0xb8;
	[tilespmem:$0x1F080] =	vst v63  }
0x51: {  	s25 =	simm.s32 $0x13928  }
0x52: {  	[tilespmem:s14], [sflag:$0x2] =	stream.indirect.gather [hbm4b:s1+s10], $0x80, s25, s10, $0xb8;
	[tilespmem:$0x1F080] =	vst v63  }
0x53: {  	s26 =	simm.s32 $0x13980  }
0x54: {  	[tilespmem:s16], [sflag:$0x3] =	stream.indirect.gather [hbm4b:s1+s10], $0x80, s26, s10, $0xb8;
	[tilespmem:$0x1F080] =	vst v63  }
0x55: {  	s4 =	simm.s32 $0x139A8  }
0x56: {  	[tilespmem:s18], [sflag:$0x3] =	stream.indirect.gather [hbm4b:s1+s10], $0x80, s4, s10, $0xb8;
	[tilespmem:$0x1F080] =	vst v63  }
0x57: {  	_ =	swait.ge [sflag:s19], $0x2800  }
0x58: {  	[sflag:s19] =	ssyncset.done $0x0  }
0x59: {  	[sflag:s19] =	ssyncadd.s32 $0xFFFFD800  }
0x5a: {  	_ =	swait.ge [sflag:s19], $0x2800  }
0x5b: {  	[sflag:s19] =	ssyncset.done $0x0  }
0x5c: {  	[sflag:s19] =	ssyncadd.s32 $0xFFFFD800  }
0x5d: {  	_ =	swait.ge [sflag:s19], $0x2800  }
0x5e: {  	[sflag:s19] =	ssyncset.done $0x0  }
0x5f: {  	[sflag:s19] =	ssyncadd.s32 $0xFFFFD800  }
0x60: {  	_ =	swait.ge [sflag:s19], $0x2800  }
0x61: {  	[sflag:s19] =	ssyncset.done $0x0  }
0x62: {  	[sflag:s19] =	ssyncadd.s32 $0xFFFFD800  }
0x63: {  	_ =	swait.ge [sflag:s19], $0x2800  }
0x64: {  	[sflag:s19] =	ssyncset.done $0x0  }
0x65: {  	[sflag:s19] =	ssyncadd.s32 $0xFFFFD800  }
0x66: {  	_ =	swait.ge [sflag:s19], $0x2800  }
0x67: {  	[sflag:s19] =	ssyncset.done $0x0  }
0x68: {  	[sflag:s19] =	ssyncadd.s32 $0xFFFFD800  }
0x69: {  	_ =	swait.ge [sflag:s19], $0x2800  }
0x6a: {  	[sflag:s19] =	ssyncset.done $0x0  }
0x6b: {  	[sflag:s19] =	ssyncadd.s32 $0xFFFFD800  }
0x6c: {  	s28 =	smov.u32 s8;
	s8 =	smov.u32 s29;
	_ =	swait.ge [sflag:s19], $0x2800  }
0x6d: {  	s29 =	smov.u32 s9;
	s9 =	smov.u32 s30;
	[sflag:s19] =	ssyncset.done $0x0  }
0x6e: {  	s30 =	smov.u32 s31;
	s31 =	smov.u32 s2;
	[sflag:s19] =	ssyncadd.s32 $0xFFFFD800  }
0x6f: {  	s2 =	smov.u32 s0;
	s0 =	simm.s32 $0x13880;
	[bflag:$0x0] =	sbarrier.arrive $0xFFFF  }
0x70: {  	[tilespmem:s6], [sflag:$0x1] =	stream.indirect.gather [hbm4b:s1+s10], $0x80, s0, s10, $0xb8;
	[tilespmem:$0x1F080] =	vst v63  }
0x71: {  	s24 =	simm.s32 $0x138A8  }
0x72: {  	[tilespmem:s21], [sflag:$0x1] =	stream.indirect.gather [hbm4b:s1+s10], $0x80, s24, s10, $0xb8;
	[tilespmem:$0x1F080] =	vst v63  }
0x73: {  	_ =	swait.ge [sflag:s22], $0x1400  }
0x74: {  	[sflag:s22] =	ssyncset.done $0x0  }
0x75: {  	[sflag:s22] =	ssyncadd.s32 $0xFFFFEC00  }
0x76: {  	_ =	swait.ge [sflag:s22], $0x1400  }
0x77: {  	[sflag:s22] =	ssyncset.done $0x0  }
0x78: {  	[sflag:s22] =	ssyncadd.s32 $0xFFFFEC00  }
0x79: {  	[spmem:s3] =	stream.indirect.scatter.add.f32 [tilespmem:s6], [sflag:$0x4], $0x80, s5, s23, $0xb8;
	[tilespmem:$0x1F080] =	vst v63  }
0x7a: {  	_ =	swait.ge [sflag:s19], $0x2800  }
0x7b: {  	[sflag:s19] =	ssyncset.done $0x0  }
0x7c: {  	s25 =	simm.s32 $0x13A00;
	[sflag:s19] =	ssyncadd.s32 $0xFFFFD800  }
0x7d: {  	[tilespmem:s6], [sflag:$0x1] =	stream.indirect.gather [hbm4b:s1+s10], $0x80, s25, s10, $0xb8;
	[tilespmem:$0x1F080] =	vst v63  }
0x7e: {  	s26 =	simm.s32 $0x13A28  }
0x7f: {  	[tilespmem:s21], [sflag:$0x1] =	stream.indirect.gather [hbm4b:s1+s10], $0x80, s26, s10, $0xb8;
	[tilespmem:$0x1F080] =	vst v63  }
0x80: {  	_ =	swait.ge [sflag:s11], $0x1400  }
0x81: {  	[sflag:s11] =	ssyncset.done $0x0  }
0x82: {  	[sflag:s11] =	ssyncadd.s32 $0xFFFFEC00  }
0x83: {  	_ =	swait.ge [sflag:s11], $0x1400  }
0x84: {  	[sflag:s11] =	ssyncset.done $0x0  }
0x85: {  	s24 =	simm.s32 $0x14900;
	[sflag:s11] =	ssyncadd.s32 $0xFFFFEC00  }
0x86: {  	[spmem:s3] =	stream.indirect.scatter.add.f32 [tilespmem:s12], [sflag:$0x5], $0x80, s24, s23, $0xb8;
	[tilespmem:$0x1F080] =	vst v63  }
0x87: {  	_ =	swait.ge [sflag:s13], $0x2800  }
0x88: {  	[sflag:s13] =	ssyncset.done $0x0  }
0x89: {  	s25 =	simm.s32 $0x13A80;
	[sflag:s13] =	ssyncadd.s32 $0xFFFFD800  }
0x8a: {  	[tilespmem:s12], [sflag:$0x2] =	stream.indirect.gather [hbm4b:s1+s10], $0x80, s25, s10, $0xb8;
	[tilespmem:$0x1F080] =	vst v63  }
0x8b: {  	s26 =	simm.s32 $0x13AA8  }
0x8c: {  	[tilespmem:s14], [sflag:$0x2] =	stream.indirect.gather [hbm4b:s1+s10], $0x80, s26, s10, $0xb8;
	[tilespmem:$0x1F080] =	vst v63  }
0x8d: {  	_ =	swait.ge [sflag:s15], $0x1400  }
0x8e: {  	[sflag:s15] =	ssyncset.done $0x0  }
0x8f: {  	[sflag:s15] =	ssyncadd.s32 $0xFFFFEC00  }
0x90: {  	_ =	swait.ge [sflag:s15], $0x1400  }
0x91: {  	[sflag:s15] =	ssyncset.done $0x0  }
0x92: {  	s24 =	simm.s32 $0x14980;
	[sflag:s15] =	ssyncadd.s32 $0xFFFFEC00  }
0x93: {  	[spmem:s3] =	stream.indirect.scatter.add.f32 [tilespmem:s16], [sflag:$0x6], $0x80, s24, s23, $0xb8;
	[tilespmem:$0x1F080] =	vst v63  }
0x94: {  	_ =	swait.ge [sflag:s17], $0x2800  }
0x95: {  	[sflag:s17] =	ssyncset.done $0x0  }
0x96: {  	s25 =	simm.s32 $0x13B00;
	[sflag:s17] =	ssyncadd.s32 $0xFFFFD800  }
0x97: {  	[tilespmem:s16], [sflag:$0x3] =	stream.indirect.gather [hbm4b:s1+s10], $0x80, s25, s10, $0xb8;
	[tilespmem:$0x1F080] =	vst v63  }
0x98: {  	s26 =	simm.s32 $0x13B28  }
0x99: {  	[tilespmem:s18], [sflag:$0x3] =	stream.indirect.gather [hbm4b:s1+s10], $0x80, s26, s10, $0xb8;
	[tilespmem:$0x1F080] =	vst v63  }
0x9a: {  	_ =	swait.ge [sflag:s22], $0x1400  }
0x9b: {  	[sflag:s22] =	ssyncset.done $0x0  }
0x9c: {  	[sflag:s22] =	ssyncadd.s32 $0xFFFFEC00  }
0x9d: {  	_ =	swait.ge [sflag:s22], $0x1400  }
0x9e: {  	[sflag:s22] =	ssyncset.done $0x0  }
0x9f: {  	s4 =	simm.s32 $0x600;
	s24 =	simm.s32 $0x14A00;
	[sflag:s22] =	ssyncadd.s32 $0xFFFFEC00  }
.LBB2_4:
0xa0: {  	[spmem:s3] =	stream.indirect.scatter.add.f32 [tilespmem:s6], [sflag:$0x4], $0x80, s24, s23, $0xb8;
	[tilespmem:$0x1F080] =	vst v63  }
0xa1: {  	s24 =	smov.u32 s4  }
0xa2: {  	p0 =	sne.s32 s4, $0x2400;
	s4 =	sadd.s32 $0x600, s4;
	_ =	swait.ge [sflag:s19], $0x2800  }
0xa3: {  	s24 =	sshra.s32 s24, $0x2;
	[sflag:s19] =	ssyncset.done $0x0  }
0xa4: {  	s25 =	sadd.s32 $0x13A00, s24;
	[sflag:s19] =	ssyncadd.s32 $0xFFFFD800  }
0xa5: {  	[tilespmem:s6], [sflag:$0x1] =	stream.indirect.gather [hbm4b:s1+s10], $0x80, s25, s10, $0xb8;
	[tilespmem:$0x1F080] =	vst v63  }
0xa6: {  	s25 =	sadd.s32 $0x13A28, s24  }
0xa7: {  	[tilespmem:s21], [sflag:$0x1] =	stream.indirect.gather [hbm4b:s1+s10], $0x80, s25, s10, $0xb8;
	[tilespmem:$0x1F080] =	vst v63  }
0xa8: {  	_ =	swait.ge [sflag:s11], $0x1400  }
0xa9: {  	[sflag:s11] =	ssyncset.done $0x0  }
0xaa: {  	[sflag:s11] =	ssyncadd.s32 $0xFFFFEC00  }
0xab: {  	_ =	swait.ge [sflag:s11], $0x1400  }
0xac: {  	[sflag:s11] =	ssyncset.done $0x0  }
0xad: {  	s25 =	sadd.s32 $0x14900, s24;
	[sflag:s11] =	ssyncadd.s32 $0xFFFFEC00  }
0xae: {  	[spmem:s3] =	stream.indirect.scatter.add.f32 [tilespmem:s12], [sflag:$0x5], $0x80, s25, s23, $0xb8;
	[tilespmem:$0x1F080] =	vst v63  }
0xaf: {  	_ =	swait.ge [sflag:s13], $0x2800  }
0xb0: {  	[sflag:s13] =	ssyncset.done $0x0  }
0xb1: {  	s25 =	sadd.s32 $0x13A80, s24;
	[sflag:s13] =	ssyncadd.s32 $0xFFFFD800  }
0xb2: {  	[tilespmem:s12], [sflag:$0x2] =	stream.indirect.gather [hbm4b:s1+s10], $0x80, s25, s10, $0xb8;
	[tilespmem:$0x1F080] =	vst v63  }
0xb3: {  	s25 =	sadd.s32 $0x13AA8, s24  }
0xb4: {  	[tilespmem:s14], [sflag:$0x2] =	stream.indirect.gather [hbm4b:s1+s10], $0x80, s25, s10, $0xb8;
	[tilespmem:$0x1F080] =	vst v63  }
0xb5: {  	_ =	swait.ge [sflag:s15], $0x1400  }
0xb6: {  	[sflag:s15] =	ssyncset.done $0x0  }
0xb7: {  	[sflag:s15] =	ssyncadd.s32 $0xFFFFEC00  }
0xb8: {  	_ =	swait.ge [sflag:s15], $0x1400  }
0xb9: {  	[sflag:s15] =	ssyncset.done $0x0  }
0xba: {  	s25 =	sadd.s32 $0x14980, s24;
	[sflag:s15] =	ssyncadd.s32 $0xFFFFEC00  }
0xbb: {  	[spmem:s3] =	stream.indirect.scatter.add.f32 [tilespmem:s16], [sflag:$0x6], $0x80, s25, s23, $0xb8;
	[tilespmem:$0x1F080] =	vst v63  }
0xbc: {  	_ =	swait.ge [sflag:s17], $0x2800  }
0xbd: {  	[sflag:s17] =	ssyncset.done $0x0  }
0xbe: {  	s25 =	sadd.s32 $0x13B00, s24;
	[sflag:s17] =	ssyncadd.s32 $0xFFFFD800  }
0xbf: {  	[tilespmem:s16], [sflag:$0x3] =	stream.indirect.gather [hbm4b:s1+s10], $0x80, s25, s10, $0xb8;
	[tilespmem:$0x1F080] =	vst v63  }
0xc0: {  	s25 =	sadd.s32 $0x13B28, s24  }
0xc1: {  	[tilespmem:s18], [sflag:$0x3] =	stream.indirect.gather [hbm4b:s1+s10], $0x80, s25, s10, $0xb8;
	[tilespmem:$0x1F080] =	vst v63  }
0xc2: {  	_ =	swait.ge [sflag:s22], $0x1400  }
.Ltmp1:
0xc3: {  	[sflag:s22] =	ssyncset.done $0x0;
	(pc) =	sbr.rel @p0 .LBB2_4-.Ltmp1, $4  }
0xc4: {  	[sflag:s22] =	ssyncadd.s32 $0xFFFFEC00  }
0xc5: {  	_ =	swait.ge [sflag:s22], $0x1400  }
0xc6: {  	[sflag:s22] =	ssyncset.done $0x0  }
0xc7: {  	s24 =	sadd.s32 $0x14A00, s24;
	[sflag:s22] =	ssyncadd.s32 $0xFFFFEC00  }
0xc8: {  	[spmem:s3] =	stream.indirect.scatter.add.f32 [tilespmem:s6], [sflag:$0x4], $0x80, s24, s23, $0xb8;
	[tilespmem:$0x1F080] =	vst v63  }
0xc9: {  	_ =	swait.ge [sflag:s19], $0x2800  }
0xca: {  	[sflag:s19] =	ssyncset.done $0x0  }
0xcb: {  	s4 =	simm.s32 $0x14480;
	[sflag:s19] =	ssyncadd.s32 $0xFFFFD800  }
0xcc: {  	[tilespmem:s6], [sflag:$0x1] =	stream.indirect.gather [hbm4b:s1+s10], $0x80, s4, s10, $0xb8;
	[tilespmem:$0x1F080] =	vst v63  }
0xcd: {  	s26 =	simm.s32 $0x144A8  }
0xce: {  	[tilespmem:s21], [sflag:$0x1] =	stream.indirect.gather [hbm4b:s1+s10], $0x80, s26, s10, $0xb8;
	[tilespmem:$0x1F080] =	vst v63  }
0xcf: {  	_ =	swait.ge [sflag:s11], $0x1400  }
0xd0: {  	[sflag:s11] =	ssyncset.done $0x0  }
0xd1: {  	[sflag:s11] =	ssyncadd.s32 $0xFFFFEC00  }
0xd2: {  	_ =	swait.ge [sflag:s11], $0x1400  }
0xd3: {  	[sflag:s11] =	ssyncset.done $0x0  }
0xd4: {  	s24 =	simm.s32 $0x15380;
	[sflag:s11] =	ssyncadd.s32 $0xFFFFEC00  }
0xd5: {  	[spmem:s3] =	stream.indirect.scatter.add.f32 [tilespmem:s12], [sflag:$0x5], $0x80, s24, s23, $0xb8;
	[tilespmem:$0x1F080] =	vst v63  }
0xd6: {  	_ =	swait.ge [sflag:s13], $0x2800  }
0xd7: {  	[sflag:s13] =	ssyncset.done $0x0  }
0xd8: {  	[sflag:s13] =	ssyncadd.s32 $0xFFFFD800  }
0xd9: {  	_ =	swait.ge [sflag:s15], $0x1400  }
0xda: {  	[sflag:s15] =	ssyncset.done $0x0  }
0xdb: {  	[sflag:s15] =	ssyncadd.s32 $0xFFFFEC00  }
0xdc: {  	_ =	swait.ge [sflag:s15], $0x1400  }
0xdd: {  	[sflag:s15] =	ssyncset.done $0x0  }
0xde: {  	s25 =	simm.s32 $0x15400;
	[sflag:s15] =	ssyncadd.s32 $0xFFFFEC00  }
0xdf: {  	[spmem:s3] =	stream.indirect.scatter.add.f32 [tilespmem:s16], [sflag:$0x6], $0x80, s25, s23, $0xb8;
	[tilespmem:$0x1F080] =	vst v63  }
0xe0: {  	_ =	swait.ge [sflag:s17], $0x2800  }
0xe1: {  	[sflag:s17] =	ssyncset.done $0x0  }
0xe2: {  	[sflag:s17] =	ssyncadd.s32 $0xFFFFD800  }
0xe3: {  	_ =	swait.ge [sflag:s22], $0x1400  }
0xe4: {  	[sflag:s22] =	ssyncset.done $0x0  }
0xe5: {  	[sflag:s22] =	ssyncadd.s32 $0xFFFFEC00  }
0xe6: {  	_ =	swait.ge [sflag:s22], $0x1400  }
0xe7: {  	[sflag:s22] =	ssyncset.done $0x0  }
0xe8: {  	s26 =	simm.s32 $0x15480;
	[sflag:s22] =	ssyncadd.s32 $0xFFFFEC00  }
0xe9: {  	[spmem:s3] =	stream.indirect.scatter.add.f32 [tilespmem:s6], [sflag:$0x4], $0x80, s26, s23, $0xb8;
	[tilespmem:$0x1F080] =	vst v63  }
0xea: {  	_ =	swait.ge [sflag:s7], $0xC80  }
0xeb: {  	[sflag:s7] =	ssyncset.done $0x0  }
0xec: {  	[sflag:s7] =	ssyncadd.s32 $0xFFFFF380  }
0xed: {  	_ =	swait.ge [sflag:s7], $0xC80  }
0xee: {  	[sflag:s7] =	ssyncset.done $0x0  }
0xef: {  	s24 =	simm.s32 $0x15900;
	[sflag:s7] =	ssyncadd.s32 $0xFFFFF380  }
0xf0: {  	[tilespmem:s12], [sflag:$0x2] =	stream.indirect.gather [hbm4b:s1+s10], $0x80, s24, s10, $0xb8;
	[tilespmem:$0x1F080] =	vst v63  }
0xf1: {  	s25 =	simm.s32 $0x15928  }
0xf2: {  	[tilespmem:s14], [sflag:$0x2] =	stream.indirect.gather [hbm4b:s1+s10], $0x80, s25, s10, $0xb8;
	[tilespmem:$0x1F080] =	vst v63  }
0xf3: {  	s26 =	simm.s32 $0x15980  }
0xf4: {  	[tilespmem:s16], [sflag:$0x3] =	stream.indirect.gather [hbm4b:s1+s10], $0x80, s26, s10, $0xb8;
	[tilespmem:$0x1F080] =	vst v63  }
0xf5: {  	s24 =	simm.s32 $0x159A8  }
0xf6: {  	[tilespmem:s18], [sflag:$0x3] =	stream.indirect.gather [hbm4b:s1+s10], $0x80, s24, s10, $0xb8;
	[tilespmem:$0x1F080] =	vst v63  }
0xf7: {  	_ =	swait.ge [sflag:s19], $0x2800  }
0xf8: {  	[sflag:s19] =	ssyncset.done $0x0  }
0xf9: {  	s4 =	simm.s32 $0x0;
	s25 =	rddreg [dreg:$0x10];
	[sflag:s19] =	ssyncadd.s32 $0xFFFFD800  }
0xfa: {  	[tilespmem:s0], [sflag:$0x7] =	stream.linear.gather [hbm4b:s25+s4], $0xC80, $0x38;
	[tilespmem:$0x1F080] =	vst v63  }
0xfb: {  	s26 =	rddreg [dreg:$0x11]  }
0xfc: {  	[tilespmem:s5], [sflag:$0x7] =	stream.linear.gather [hbm4b:s26+s4], $0xC80, $0x38;
	[tilespmem:$0x1F080] =	vst v63  }
0xfd: {  	s25 =	simm.s32 $0x15880  }
0xfe: {  	[tilespmem:s6], [sflag:$0x1] =	stream.indirect.gather [hbm4b:s1+s10], $0x80, s25, s10, $0xb8;
	[tilespmem:$0x1F080] =	vst v63  }
0xff: {  	s26 =	simm.s32 $0x158A8  }
0x100: {  	[tilespmem:s21], [sflag:$0x1] =	stream.indirect.gather [hbm4b:s1+s10], $0x80, s26, s10, $0xb8;
	[tilespmem:$0x1F080] =	vst v63  }
0x101: {  	_ =	swait.ge [sflag:s22], $0x1400  }
0x102: {  	[sflag:s22] =	ssyncset.done $0x0  }
0x103: {  	[sflag:s22] =	ssyncadd.s32 $0xFFFFEC00  }
0x104: {  	_ =	swait.ge [sflag:s22], $0x1400  }
0x105: {  	[sflag:s22] =	ssyncset.done $0x0  }
0x106: {  	s24 =	simm.s32 $0x16880;
	[sflag:s22] =	ssyncadd.s32 $0xFFFFEC00  }
0x107: {  	[spmem:s3] =	stream.indirect.scatter.add.f32 [tilespmem:s6], [sflag:$0x4], $0x80, s24, s23, $0xb8;
	[tilespmem:$0x1F080] =	vst v63  }
0x108: {  	_ =	swait.ge [sflag:s19], $0x2800  }
0x109: {  	[sflag:s19] =	ssyncset.done $0x0  }
0x10a: {  	s25 =	simm.s32 $0x15A00;
	[sflag:s19] =	ssyncadd.s32 $0xFFFFD800  }
0x10b: {  	[tilespmem:s6], [sflag:$0x1] =	stream.indirect.gather [hbm4b:s1+s10], $0x80, s25, s10, $0xb8;
	[tilespmem:$0x1F080] =	vst v63  }
0x10c: {  	s26 =	simm.s32 $0x15A28  }
0x10d: {  	[tilespmem:s21], [sflag:$0x1] =	stream.indirect.gather [hbm4b:s1+s10], $0x80, s26, s10, $0xb8;
	[tilespmem:$0x1F080] =	vst v63  }
0x10e: {  	_ =	swait.ge [sflag:s11], $0x1400  }
0x10f: {  	[sflag:s11] =	ssyncset.done $0x0  }
0x110: {  	[sflag:s11] =	ssyncadd.s32 $0xFFFFEC00  }
0x111: {  	_ =	swait.ge [sflag:s11], $0x1400  }
0x112: {  	[sflag:s11] =	ssyncset.done $0x0  }
0x113: {  	s24 =	simm.s32 $0x16900;
	[sflag:s11] =	ssyncadd.s32 $0xFFFFEC00  }
0x114: {  	[spmem:s3] =	stream.indirect.scatter.add.f32 [tilespmem:s12], [sflag:$0x5], $0x80, s24, s23, $0xb8;
	[tilespmem:$0x1F080] =	vst v63  }
0x115: {  	_ =	swait.ge [sflag:s13], $0x2800  }
0x116: {  	[sflag:s13] =	ssyncset.done $0x0  }
0x117: {  	s25 =	simm.s32 $0x15A80;
	[sflag:s13] =	ssyncadd.s32 $0xFFFFD800  }
0x118: {  	[tilespmem:s12], [sflag:$0x2] =	stream.indirect.gather [hbm4b:s1+s10], $0x80, s25, s10, $0xb8;
	[tilespmem:$0x1F080] =	vst v63  }
0x119: {  	s26 =	simm.s32 $0x15AA8  }
0x11a: {  	[tilespmem:s14], [sflag:$0x2] =	stream.indirect.gather [hbm4b:s1+s10], $0x80, s26, s10, $0xb8;
	[tilespmem:$0x1F080] =	vst v63  }
0x11b: {  	_ =	swait.ge [sflag:s15], $0x1400  }
0x11c: {  	[sflag:s15] =	ssyncset.done $0x0  }
0x11d: {  	[sflag:s15] =	ssyncadd.s32 $0xFFFFEC00  }
0x11e: {  	_ =	swait.ge [sflag:s15], $0x1400  }
0x11f: {  	[sflag:s15] =	ssyncset.done $0x0  }
0x120: {  	s24 =	simm.s32 $0x16980;
	[sflag:s15] =	ssyncadd.s32 $0xFFFFEC00  }
0x121: {  	[spmem:s3] =	stream.indirect.scatter.add.f32 [tilespmem:s16], [sflag:$0x6], $0x80, s24, s23, $0xb8;
	[tilespmem:$0x1F080] =	vst v63  }
0x122: {  	_ =	swait.ge [sflag:s17], $0x2800  }
0x123: {  	[sflag:s17] =	ssyncset.done $0x0  }
0x124: {  	s25 =	simm.s32 $0x15B00;
	[sflag:s17] =	ssyncadd.s32 $0xFFFFD800  }
0x125: {  	[tilespmem:s16], [sflag:$0x3] =	stream.indirect.gather [hbm4b:s1+s10], $0x80, s25, s10, $0xb8;
	[tilespmem:$0x1F080] =	vst v63  }
0x126: {  	s26 =	simm.s32 $0x15B28  }
0x127: {  	[tilespmem:s18], [sflag:$0x3] =	stream.indirect.gather [hbm4b:s1+s10], $0x80, s26, s10, $0xb8;
	[tilespmem:$0x1F080] =	vst v63  }
0x128: {  	_ =	swait.ge [sflag:s22], $0x1400  }
0x129: {  	[sflag:s22] =	ssyncset.done $0x0  }
0x12a: {  	[sflag:s22] =	ssyncadd.s32 $0xFFFFEC00  }
0x12b: {  	_ =	swait.ge [sflag:s22], $0x1400  }
0x12c: {  	[sflag:s22] =	ssyncset.done $0x0  }
0x12d: {  	s4 =	simm.s32 $0x600;
	s24 =	simm.s32 $0x16A00;
	[sflag:s22] =	ssyncadd.s32 $0xFFFFEC00  }
.LBB2_6:
0x12e: {  	[spmem:s3] =	stream.indirect.scatter.add.f32 [tilespmem:s6], [sflag:$0x4], $0x80, s24, s23, $0xb8;
	[tilespmem:$0x1F080] =	vst v63  }
0x12f: {  	s24 =	smov.u32 s4  }
0x130: {  	p0 =	sne.s32 s4, $0x2400;
	s4 =	sadd.s32 $0x600, s4;
	_ =	swait.ge [sflag:s19], $0x2800  }
0x131: {  	s24 =	sshra.s32 s24, $0x2;
	[sflag:s19] =	ssyncset.done $0x0  }
0x132: {  	s25 =	sadd.s32 $0x15A00, s24;
	[sflag:s19] =	ssyncadd.s32 $0xFFFFD800  }
0x133: {  	[tilespmem:s6], [sflag:$0x1] =	stream.indirect.gather [hbm4b:s1+s10], $0x80, s25, s10, $0xb8;
	[tilespmem:$0x1F080] =	vst v63  }
0x134: {  	s25 =	sadd.s32 $0x15A28, s24  }
0x135: {  	[tilespmem:s21], [sflag:$0x1] =	stream.indirect.gather [hbm4b:s1+s10], $0x80, s25, s10, $0xb8;
	[tilespmem:$0x1F080] =	vst v63  }
0x136: {  	_ =	swait.ge [sflag:s11], $0x1400  }
0x137: {  	[sflag:s11] =	ssyncset.done $0x0  }
0x138: {  	[sflag:s11] =	ssyncadd.s32 $0xFFFFEC00  }
0x139: {  	_ =	swait.ge [sflag:s11], $0x1400  }
0x13a: {  	[sflag:s11] =	ssyncset.done $0x0  }
0x13b: {  	s25 =	sadd.s32 $0x16900, s24;
	[sflag:s11] =	ssyncadd.s32 $0xFFFFEC00  }
0x13c: {  	[spmem:s3] =	stream.indirect.scatter.add.f32 [tilespmem:s12], [sflag:$0x5], $0x80, s25, s23, $0xb8;
	[tilespmem:$0x1F080] =	vst v63  }
0x13d: {  	_ =	swait.ge [sflag:s13], $0x2800  }
0x13e: {  	[sflag:s13] =	ssyncset.done $0x0  }
0x13f: {  	s25 =	sadd.s32 $0x15A80, s24;
	[sflag:s13] =	ssyncadd.s32 $0xFFFFD800  }
0x140: {  	[tilespmem:s12], [sflag:$0x2] =	stream.indirect.gather [hbm4b:s1+s10], $0x80, s25, s10, $0xb8;
	[tilespmem:$0x1F080] =	vst v63  }
0x141: {  	s25 =	sadd.s32 $0x15AA8, s24  }
0x142: {  	[tilespmem:s14], [sflag:$0x2] =	stream.indirect.gather [hbm4b:s1+s10], $0x80, s25, s10, $0xb8;
	[tilespmem:$0x1F080] =	vst v63  }
0x143: {  	_ =	swait.ge [sflag:s15], $0x1400  }
0x144: {  	[sflag:s15] =	ssyncset.done $0x0  }
0x145: {  	[sflag:s15] =	ssyncadd.s32 $0xFFFFEC00  }
0x146: {  	_ =	swait.ge [sflag:s15], $0x1400  }
0x147: {  	[sflag:s15] =	ssyncset.done $0x0  }
0x148: {  	s25 =	sadd.s32 $0x16980, s24;
	[sflag:s15] =	ssyncadd.s32 $0xFFFFEC00  }
0x149: {  	[spmem:s3] =	stream.indirect.scatter.add.f32 [tilespmem:s16], [sflag:$0x6], $0x80, s25, s23, $0xb8;
	[tilespmem:$0x1F080] =	vst v63  }
0x14a: {  	_ =	swait.ge [sflag:s17], $0x2800  }
0x14b: {  	[sflag:s17] =	ssyncset.done $0x0  }
0x14c: {  	s25 =	sadd.s32 $0x15B00, s24;
	[sflag:s17] =	ssyncadd.s32 $0xFFFFD800  }
0x14d: {  	[tilespmem:s16], [sflag:$0x3] =	stream.indirect.gather [hbm4b:s1+s10], $0x80, s25, s10, $0xb8;
	[tilespmem:$0x1F080] =	vst v63  }
0x14e: {  	s25 =	sadd.s32 $0x15B28, s24  }
0x14f: {  	[tilespmem:s18], [sflag:$0x3] =	stream.indirect.gather [hbm4b:s1+s10], $0x80, s25, s10, $0xb8;
	[tilespmem:$0x1F080] =	vst v63  }
0x150: {  	_ =	swait.ge [sflag:s22], $0x1400  }
.Ltmp2:
0x151: {  	[sflag:s22] =	ssyncset.done $0x0;
	(pc) =	sbr.rel @p0 .LBB2_6-.Ltmp2, $4  }
0x152: {  	[sflag:s22] =	ssyncadd.s32 $0xFFFFEC00  }
0x153: {  	_ =	swait.ge [sflag:s22], $0x1400  }
0x154: {  	[sflag:s22] =	ssyncset.done $0x0  }
0x155: {  	s24 =	sadd.s32 $0x16A00, s24;
	[sflag:s22] =	ssyncadd.s32 $0xFFFFEC00  }
0x156: {  	[spmem:s3] =	stream.indirect.scatter.add.f32 [tilespmem:s6], [sflag:$0x4], $0x80, s24, s23, $0xb8;
	[tilespmem:$0x1F080] =	vst v63  }
0x157: {  	_ =	swait.ge [sflag:s19], $0x2800  }
0x158: {  	[sflag:s19] =	ssyncset.done $0x0  }
0x159: {  	s4 =	simm.s32 $0x16480;
	[sflag:s19] =	ssyncadd.s32 $0xFFFFD800  }
0x15a: {  	[tilespmem:s6], [sflag:$0x1] =	stream.indirect.gather [hbm4b:s1+s10], $0x80, s4, s10, $0xb8;
	[tilespmem:$0x1F080] =	vst v63  }
0x15b: {  	s24 =	simm.s32 $0x164A8  }
0x15c: {  	[tilespmem:s21], [sflag:$0x1] =	stream.indirect.gather [hbm4b:s1+s10], $0x80, s24, s10, $0xb8;
	[tilespmem:$0x1F080] =	vst v63  }
0x15d: {  	_ =	swait.ge [sflag:s11], $0x1400  }
0x15e: {  	[sflag:s11] =	ssyncset.done $0x0  }
0x15f: {  	[sflag:s11] =	ssyncadd.s32 $0xFFFFEC00  }
0x160: {  	_ =	swait.ge [sflag:s11], $0x1400  }
0x161: {  	[sflag:s11] =	ssyncset.done $0x0  }
0x162: {  	s25 =	simm.s32 $0x17380;
	[sflag:s11] =	ssyncadd.s32 $0xFFFFEC00  }
0x163: {  	[spmem:s3] =	stream.indirect.scatter.add.f32 [tilespmem:s12], [sflag:$0x5], $0x80, s25, s23, $0xb8;
	[tilespmem:$0x1F080] =	vst v63  }
0x164: {  	_ =	swait.ge [sflag:s13], $0x2800  }
0x165: {  	[sflag:s13] =	ssyncset.done $0x0  }
0x166: {  	[sflag:s13] =	ssyncadd.s32 $0xFFFFD800  }
0x167: {  	_ =	swait.ge [sflag:s15], $0x1400  }
0x168: {  	[sflag:s15] =	ssyncset.done $0x0  }
0x169: {  	[sflag:s15] =	ssyncadd.s32 $0xFFFFEC00  }
0x16a: {  	_ =	swait.ge [sflag:s15], $0x1400  }
0x16b: {  	[sflag:s15] =	ssyncset.done $0x0  }
0x16c: {  	s26 =	simm.s32 $0x17400;
	[sflag:s15] =	ssyncadd.s32 $0xFFFFEC00  }
0x16d: {  	[spmem:s3] =	stream.indirect.scatter.add.f32 [tilespmem:s16], [sflag:$0x6], $0x80, s26, s23, $0xb8;
	[tilespmem:$0x1F080] =	vst v63  }
0x16e: {  	_ =	swait.ge [sflag:s17], $0x2800  }
0x16f: {  	[sflag:s17] =	ssyncset.done $0x0  }
0x170: {  	[sflag:s17] =	ssyncadd.s32 $0xFFFFD800  }
0x171: {  	_ =	swait.ge [sflag:s22], $0x1400  }
0x172: {  	[sflag:s22] =	ssyncset.done $0x0  }
0x173: {  	[sflag:s22] =	ssyncadd.s32 $0xFFFFEC00  }
0x174: {  	_ =	swait.ge [sflag:s22], $0x1400  }
0x175: {  	[sflag:s22] =	ssyncset.done $0x0  }
0x176: {  	s24 =	simm.s32 $0x17480;
	[sflag:s22] =	ssyncadd.s32 $0xFFFFEC00  }
0x177: {  	[spmem:s3] =	stream.indirect.scatter.add.f32 [tilespmem:s6], [sflag:$0x4], $0x80, s24, s23, $0xb8;
	[tilespmem:$0x1F080] =	vst v63  }
0x178: {  	_ =	swait.ge [sflag:s7], $0xC80  }
0x179: {  	[sflag:s7] =	ssyncset.done $0x0  }
0x17a: {  	[sflag:s7] =	ssyncadd.s32 $0xFFFFF380  }
0x17b: {  	_ =	swait.ge [sflag:s7], $0xC80  }
0x17c: {  	[sflag:s7] =	ssyncset.done $0x0  }
0x17d: {  	s25 =	simm.s32 $0x13900;
	[sflag:s7] =	ssyncadd.s32 $0xFFFFF380  }
0x17e: {  	[tilespmem:s12], [sflag:$0x2] =	stream.indirect.gather [hbm4b:s1+s10], $0x80, s25, s10, $0xb8;
	[tilespmem:$0x1F080] =	vst v63  }
0x17f: {  	s26 =	simm.s32 $0x13928  }
0x180: {  	[tilespmem:s14], [sflag:$0x2] =	stream.indirect.gather [hbm4b:s1+s10], $0x80, s26, s10, $0xb8;
	[tilespmem:$0x1F080] =	vst v63  }
0x181: {  	s24 =	simm.s32 $0x13980  }
0x182: {  	[tilespmem:s16], [sflag:$0x3] =	stream.indirect.gather [hbm4b:s1+s10], $0x80, s24, s10, $0xb8;
	[tilespmem:$0x1F080] =	vst v63  }
0x183: {  	s25 =	simm.s32 $0x139A8  }
0x184: {  	[tilespmem:s18], [sflag:$0x3] =	stream.indirect.gather [hbm4b:s1+s10], $0x80, s25, s10, $0xb8;
	[tilespmem:$0x1F080] =	vst v63  }
0x185: {  	_ =	swait.ge [sflag:s19], $0x2800  }
0x186: {  	s4 =	simm.s32 $0x0;
	[sflag:s19] =	ssyncset.done $0x0  }
0x187: {  	s25 =	simm.s32 $0x15880;
	s26 =	rddreg [dreg:$0x12];
	[sflag:s19] =	ssyncadd.s32 $0xFFFFD800  }
0x188: {  	[tilespmem:s25], [sflag:$0x7] =	stream.linear.gather [hbm4b:s26+s4], $0xC80, $0x38;
	[tilespmem:$0x1F080] =	vst v63  }
0x189: {  	s25 =	rddreg [dreg:$0x13];
	s26 =	simm.s32 $0x16880  }
0x18a: {  	[tilespmem:s26], [sflag:$0x7] =	stream.linear.gather [hbm4b:s25+s4], $0xC80, $0x38;
	[tilespmem:$0x1F080] =	vst v63  }
0x18b: {  	_ = 	snop  }
0x18c: {  	[tilespmem:s6], [sflag:$0x1] =	stream.indirect.gather [hbm4b:s1+s10], $0x80, s0, s10, $0xb8;
	[tilespmem:$0x1F080] =	vst v63  }
0x18d: {  	s24 =	simm.s32 $0x138A8  }
0x18e: {  	[tilespmem:s21], [sflag:$0x1] =	stream.indirect.gather [hbm4b:s1+s10], $0x80, s24, s10, $0xb8;
	[tilespmem:$0x1F080] =	vst v63  }
0x18f: {  	_ =	swait.ge [sflag:s22], $0x1400  }
0x190: {  	[sflag:s22] =	ssyncset.done $0x0  }
0x191: {  	[sflag:s22] =	ssyncadd.s32 $0xFFFFEC00  }
0x192: {  	_ =	swait.ge [sflag:s22], $0x1400  }
0x193: {  	[sflag:s22] =	ssyncset.done $0x0  }
0x194: {  	[sflag:s22] =	ssyncadd.s32 $0xFFFFEC00  }
0x195: {  	[spmem:s3] =	stream.indirect.scatter.add.f32 [tilespmem:s6], [sflag:$0x4], $0x80, s5, s23, $0xb8;
	[tilespmem:$0x1F080] =	vst v63  }
0x196: {  	_ =	swait.ge [sflag:s19], $0x2800  }
0x197: {  	[sflag:s19] =	ssyncset.done $0x0  }
0x198: {  	s25 =	simm.s32 $0x13A00;
	[sflag:s19] =	ssyncadd.s32 $0xFFFFD800  }
0x199: {  	[tilespmem:s6], [sflag:$0x1] =	stream.indirect.gather [hbm4b:s1+s10], $0x80, s25, s10, $0xb8;
	[tilespmem:$0x1F080] =	vst v63  }
0x19a: {  	s26 =	simm.s32 $0x13A28  }
0x19b: {  	[tilespmem:s21], [sflag:$0x1] =	stream.indirect.gather [hbm4b:s1+s10], $0x80, s26, s10, $0xb8;
	[tilespmem:$0x1F080] =	vst v63  }
0x19c: {  	_ =	swait.ge [sflag:s11], $0x1400  }
0x19d: {  	[sflag:s11] =	ssyncset.done $0x0  }
0x19e: {  	[sflag:s11] =	ssyncadd.s32 $0xFFFFEC00  }
0x19f: {  	_ =	swait.ge [sflag:s11], $0x1400  }
0x1a0: {  	[sflag:s11] =	ssyncset.done $0x0  }
0x1a1: {  	s24 =	simm.s32 $0x14900;
	[sflag:s11] =	ssyncadd.s32 $0xFFFFEC00  }
0x1a2: {  	[spmem:s3] =	stream.indirect.scatter.add.f32 [tilespmem:s12], [sflag:$0x5], $0x80, s24, s23, $0xb8;
	[tilespmem:$0x1F080] =	vst v63  }
0x1a3: {  	_ =	swait.ge [sflag:s13], $0x2800  }
0x1a4: {  	[sflag:s13] =	ssyncset.done $0x0  }
0x1a5: {  	s25 =	simm.s32 $0x13A80;
	[sflag:s13] =	ssyncadd.s32 $0xFFFFD800  }
0x1a6: {  	[tilespmem:s12], [sflag:$0x2] =	stream.indirect.gather [hbm4b:s1+s10], $0x80, s25, s10, $0xb8;
	[tilespmem:$0x1F080] =	vst v63  }
0x1a7: {  	s26 =	simm.s32 $0x13AA8  }
0x1a8: {  	[tilespmem:s14], [sflag:$0x2] =	stream.indirect.gather [hbm4b:s1+s10], $0x80, s26, s10, $0xb8;
	[tilespmem:$0x1F080] =	vst v63  }
0x1a9: {  	_ =	swait.ge [sflag:s15], $0x1400  }
0x1aa: {  	[sflag:s15] =	ssyncset.done $0x0  }
0x1ab: {  	[sflag:s15] =	ssyncadd.s32 $0xFFFFEC00  }
0x1ac: {  	_ =	swait.ge [sflag:s15], $0x1400  }
0x1ad: {  	[sflag:s15] =	ssyncset.done $0x0  }
0x1ae: {  	s24 =	simm.s32 $0x14980;
	[sflag:s15] =	ssyncadd.s32 $0xFFFFEC00  }
0x1af: {  	[spmem:s3] =	stream.indirect.scatter.add.f32 [tilespmem:s16], [sflag:$0x6], $0x80, s24, s23, $0xb8;
	[tilespmem:$0x1F080] =	vst v63  }
0x1b0: {  	_ =	swait.ge [sflag:s17], $0x2800  }
0x1b1: {  	[sflag:s17] =	ssyncset.done $0x0  }
0x1b2: {  	s25 =	simm.s32 $0x13B00;
	[sflag:s17] =	ssyncadd.s32 $0xFFFFD800  }
0x1b3: {  	[tilespmem:s16], [sflag:$0x3] =	stream.indirect.gather [hbm4b:s1+s10], $0x80, s25, s10, $0xb8;
	[tilespmem:$0x1F080] =	vst v63  }
0x1b4: {  	s26 =	simm.s32 $0x13B28  }
0x1b5: {  	[tilespmem:s18], [sflag:$0x3] =	stream.indirect.gather [hbm4b:s1+s10], $0x80, s26, s10, $0xb8;
	[tilespmem:$0x1F080] =	vst v63  }
0x1b6: {  	_ =	swait.ge [sflag:s22], $0x1400  }
0x1b7: {  	[sflag:s22] =	ssyncset.done $0x0  }
0x1b8: {  	[sflag:s22] =	ssyncadd.s32 $0xFFFFEC00  }
0x1b9: {  	_ =	swait.ge [sflag:s22], $0x1400  }
0x1ba: {  	[sflag:s22] =	ssyncset.done $0x0  }
0x1bb: {  	s4 =	simm.s32 $0x600;
	s24 =	simm.s32 $0x14A00;
	[sflag:s22] =	ssyncadd.s32 $0xFFFFEC00  }
.LBB2_8:
0x1bc: {  	[spmem:s3] =	stream.indirect.scatter.add.f32 [tilespmem:s6], [sflag:$0x4], $0x80, s24, s23, $0xb8;
	[tilespmem:$0x1F080] =	vst v63  }
0x1bd: {  	s24 =	smov.u32 s4  }
0x1be: {  	p0 =	sne.s32 s4, $0x2400;
	s4 =	sadd.s32 $0x600, s4;
	_ =	swait.ge [sflag:s19], $0x2800  }
0x1bf: {  	s24 =	sshra.s32 s24, $0x2;
	[sflag:s19] =	ssyncset.done $0x0  }
0x1c0: {  	s25 =	sadd.s32 $0x13A00, s24;
	[sflag:s19] =	ssyncadd.s32 $0xFFFFD800  }
0x1c1: {  	[tilespmem:s6], [sflag:$0x1] =	stream.indirect.gather [hbm4b:s1+s10], $0x80, s25, s10, $0xb8;
	[tilespmem:$0x1F080] =	vst v63  }
0x1c2: {  	s25 =	sadd.s32 $0x13A28, s24  }
0x1c3: {  	[tilespmem:s21], [sflag:$0x1] =	stream.indirect.gather [hbm4b:s1+s10], $0x80, s25, s10, $0xb8;
	[tilespmem:$0x1F080] =	vst v63  }
0x1c4: {  	_ =	swait.ge [sflag:s11], $0x1400  }
0x1c5: {  	[sflag:s11] =	ssyncset.done $0x0  }
0x1c6: {  	[sflag:s11] =	ssyncadd.s32 $0xFFFFEC00  }
0x1c7: {  	_ =	swait.ge [sflag:s11], $0x1400  }
0x1c8: {  	[sflag:s11] =	ssyncset.done $0x0  }
0x1c9: {  	s25 =	sadd.s32 $0x14900, s24;
	[sflag:s11] =	ssyncadd.s32 $0xFFFFEC00  }
0x1ca: {  	[spmem:s3] =	stream.indirect.scatter.add.f32 [tilespmem:s12], [sflag:$0x5], $0x80, s25, s23, $0xb8;
	[tilespmem:$0x1F080] =	vst v63  }
0x1cb: {  	_ =	swait.ge [sflag:s13], $0x2800  }
0x1cc: {  	[sflag:s13] =	ssyncset.done $0x0  }
0x1cd: {  	s25 =	sadd.s32 $0x13A80, s24;
	[sflag:s13] =	ssyncadd.s32 $0xFFFFD800  }
0x1ce: {  	[tilespmem:s12], [sflag:$0x2] =	stream.indirect.gather [hbm4b:s1+s10], $0x80, s25, s10, $0xb8;
	[tilespmem:$0x1F080] =	vst v63  }
0x1cf: {  	s25 =	sadd.s32 $0x13AA8, s24  }
0x1d0: {  	[tilespmem:s14], [sflag:$0x2] =	stream.indirect.gather [hbm4b:s1+s10], $0x80, s25, s10, $0xb8;
	[tilespmem:$0x1F080] =	vst v63  }
0x1d1: {  	_ =	swait.ge [sflag:s15], $0x1400  }
0x1d2: {  	[sflag:s15] =	ssyncset.done $0x0  }
0x1d3: {  	[sflag:s15] =	ssyncadd.s32 $0xFFFFEC00  }
0x1d4: {  	_ =	swait.ge [sflag:s15], $0x1400  }
0x1d5: {  	[sflag:s15] =	ssyncset.done $0x0  }
0x1d6: {  	s25 =	sadd.s32 $0x14980, s24;
	[sflag:s15] =	ssyncadd.s32 $0xFFFFEC00  }
0x1d7: {  	[spmem:s3] =	stream.indirect.scatter.add.f32 [tilespmem:s16], [sflag:$0x6], $0x80, s25, s23, $0xb8;
	[tilespmem:$0x1F080] =	vst v63  }
0x1d8: {  	_ =	swait.ge [sflag:s17], $0x2800  }
0x1d9: {  	[sflag:s17] =	ssyncset.done $0x0  }
0x1da: {  	s25 =	sadd.s32 $0x13B00, s24;
	[sflag:s17] =	ssyncadd.s32 $0xFFFFD800  }
0x1db: {  	[tilespmem:s16], [sflag:$0x3] =	stream.indirect.gather [hbm4b:s1+s10], $0x80, s25, s10, $0xb8;
	[tilespmem:$0x1F080] =	vst v63  }
0x1dc: {  	s25 =	sadd.s32 $0x13B28, s24  }
0x1dd: {  	[tilespmem:s18], [sflag:$0x3] =	stream.indirect.gather [hbm4b:s1+s10], $0x80, s25, s10, $0xb8;
	[tilespmem:$0x1F080] =	vst v63  }
0x1de: {  	_ =	swait.ge [sflag:s22], $0x1400  }
.Ltmp3:
0x1df: {  	[sflag:s22] =	ssyncset.done $0x0;
	(pc) =	sbr.rel @p0 .LBB2_8-.Ltmp3, $4  }
0x1e0: {  	[sflag:s22] =	ssyncadd.s32 $0xFFFFEC00  }
0x1e1: {  	_ =	swait.ge [sflag:s22], $0x1400  }
0x1e2: {  	[sflag:s22] =	ssyncset.done $0x0  }
0x1e3: {  	s24 =	sadd.s32 $0x14A00, s24;
	[sflag:s22] =	ssyncadd.s32 $0xFFFFEC00  }
0x1e4: {  	[spmem:s3] =	stream.indirect.scatter.add.f32 [tilespmem:s6], [sflag:$0x4], $0x80, s24, s23, $0xb8;
	[tilespmem:$0x1F080] =	vst v63  }
0x1e5: {  	_ =	swait.ge [sflag:s19], $0x2800  }
0x1e6: {  	[sflag:s19] =	ssyncset.done $0x0  }
0x1e7: {  	s4 =	simm.s32 $0x14480;
	[sflag:s19] =	ssyncadd.s32 $0xFFFFD800  }
0x1e8: {  	[tilespmem:s6], [sflag:$0x1] =	stream.indirect.gather [hbm4b:s1+s10], $0x80, s4, s10, $0xb8;
	[tilespmem:$0x1F080] =	vst v63  }
0x1e9: {  	s24 =	simm.s32 $0x144A8  }
0x1ea: {  	[tilespmem:s21], [sflag:$0x1] =	stream.indirect.gather [hbm4b:s1+s10], $0x80, s24, s10, $0xb8;
	[tilespmem:$0x1F080] =	vst v63  }
0x1eb: {  	_ =	swait.ge [sflag:s11], $0x1400  }
0x1ec: {  	[sflag:s11] =	ssyncset.done $0x0  }
0x1ed: {  	[sflag:s11] =	ssyncadd.s32 $0xFFFFEC00  }
0x1ee: {  	_ =	swait.ge [sflag:s11], $0x1400  }
0x1ef: {  	[sflag:s11] =	ssyncset.done $0x0  }
0x1f0: {  	s25 =	simm.s32 $0x15380;
	[sflag:s11] =	ssyncadd.s32 $0xFFFFEC00  }
0x1f1: {  	[spmem:s3] =	stream.indirect.scatter.add.f32 [tilespmem:s12], [sflag:$0x5], $0x80, s25, s23, $0xb8;
	[tilespmem:$0x1F080] =	vst v63  }
0x1f2: {  	_ =	swait.ge [sflag:s13], $0x2800  }
0x1f3: {  	[sflag:s13] =	ssyncset.done $0x0  }
0x1f4: {  	[sflag:s13] =	ssyncadd.s32 $0xFFFFD800  }
0x1f5: {  	_ =	swait.ge [sflag:s15], $0x1400  }
0x1f6: {  	[sflag:s15] =	ssyncset.done $0x0  }
0x1f7: {  	[sflag:s15] =	ssyncadd.s32 $0xFFFFEC00  }
0x1f8: {  	_ =	swait.ge [sflag:s15], $0x1400  }
0x1f9: {  	[sflag:s15] =	ssyncset.done $0x0  }
0x1fa: {  	s26 =	simm.s32 $0x15400;
	[sflag:s15] =	ssyncadd.s32 $0xFFFFEC00  }
0x1fb: {  	[spmem:s3] =	stream.indirect.scatter.add.f32 [tilespmem:s16], [sflag:$0x6], $0x80, s26, s23, $0xb8;
	[tilespmem:$0x1F080] =	vst v63  }
0x1fc: {  	_ =	swait.ge [sflag:s17], $0x2800  }
0x1fd: {  	[sflag:s17] =	ssyncset.done $0x0  }
0x1fe: {  	[sflag:s17] =	ssyncadd.s32 $0xFFFFD800  }
0x1ff: {  	_ =	swait.ge [sflag:s22], $0x1400  }
0x200: {  	[sflag:s22] =	ssyncset.done $0x0  }
0x201: {  	[sflag:s22] =	ssyncadd.s32 $0xFFFFEC00  }
0x202: {  	_ =	swait.ge [sflag:s22], $0x1400  }
0x203: {  	[sflag:s22] =	ssyncset.done $0x0  }
0x204: {  	s24 =	simm.s32 $0x15480;
	[sflag:s22] =	ssyncadd.s32 $0xFFFFEC00  }
0x205: {  	[spmem:s3] =	stream.indirect.scatter.add.f32 [tilespmem:s6], [sflag:$0x4], $0x80, s24, s23, $0xb8;
	[tilespmem:$0x1F080] =	vst v63  }
0x206: {  	_ =	swait.ge [sflag:s7], $0xC80  }
0x207: {  	[sflag:s7] =	ssyncset.done $0x0  }
0x208: {  	[sflag:s7] =	ssyncadd.s32 $0xFFFFF380  }
0x209: {  	_ =	swait.ge [sflag:s7], $0xC80  }
0x20a: {  	[sflag:s7] =	ssyncset.done $0x0  }
0x20b: {  	s25 =	simm.s32 $0x15900;
	[sflag:s7] =	ssyncadd.s32 $0xFFFFF380  }
0x20c: {  	[tilespmem:s12], [sflag:$0x2] =	stream.indirect.gather [hbm4b:s1+s10], $0x80, s25, s10, $0xb8;
	[tilespmem:$0x1F080] =	vst v63  }
0x20d: {  	s26 =	simm.s32 $0x15928  }
0x20e: {  	[tilespmem:s14], [sflag:$0x2] =	stream.indirect.gather [hbm4b:s1+s10], $0x80, s26, s10, $0xb8;
	[tilespmem:$0x1F080] =	vst v63  }
0x20f: {  	s24 =	simm.s32 $0x15980  }
0x210: {  	[tilespmem:s16], [sflag:$0x3] =	stream.indirect.gather [hbm4b:s1+s10], $0x80, s24, s10, $0xb8;
	[tilespmem:$0x1F080] =	vst v63  }
0x211: {  	s25 =	simm.s32 $0x159A8  }
0x212: {  	[tilespmem:s18], [sflag:$0x3] =	stream.indirect.gather [hbm4b:s1+s10], $0x80, s25, s10, $0xb8;
	[tilespmem:$0x1F080] =	vst v63  }
0x213: {  	_ =	swait.ge [sflag:s19], $0x2800  }
0x214: {  	[sflag:s19] =	ssyncset.done $0x0  }
0x215: {  	s4 =	simm.s32 $0x0;
	s26 =	rddreg [dreg:$0x14];
	[sflag:s19] =	ssyncadd.s32 $0xFFFFD800  }
0x216: {  	[tilespmem:s0], [sflag:$0x7] =	stream.linear.gather [hbm4b:s26+s4], $0xC80, $0x38;
	[tilespmem:$0x1F080] =	vst v63  }
0x217: {  	s25 =	rddreg [dreg:$0x15]  }
0x218: {  	[tilespmem:s5], [sflag:$0x7] =	stream.linear.gather [hbm4b:s25+s4], $0xC80, $0x38;
	[tilespmem:$0x1F080] =	vst v63  }
0x219: {  	s24 =	simm.s32 $0x15880  }
0x21a: {  	[tilespmem:s6], [sflag:$0x1] =	stream.indirect.gather [hbm4b:s1+s10], $0x80, s24, s10, $0xb8;
	[tilespmem:$0x1F080] =	vst v63  }
0x21b: {  	s25 =	simm.s32 $0x158A8  }
0x21c: {  	[tilespmem:s21], [sflag:$0x1] =	stream.indirect.gather [hbm4b:s1+s10], $0x80, s25, s10, $0xb8;
	[tilespmem:$0x1F080] =	vst v63  }
0x21d: {  	_ =	swait.ge [sflag:s22], $0x1400  }
0x21e: {  	[sflag:s22] =	ssyncset.done $0x0  }
0x21f: {  	[sflag:s22] =	ssyncadd.s32 $0xFFFFEC00  }
0x220: {  	_ =	swait.ge [sflag:s22], $0x1400  }
0x221: {  	[sflag:s22] =	ssyncset.done $0x0  }
0x222: {  	s5 =	simm.s32 $0x16880;
	[sflag:s22] =	ssyncadd.s32 $0xFFFFEC00  }
0x223: {  	[spmem:s3] =	stream.indirect.scatter.add.f32 [tilespmem:s6], [sflag:$0x4], $0x80, s5, s23, $0xb8;
	[tilespmem:$0x1F080] =	vst v63  }
0x224: {  	_ =	swait.ge [sflag:s19], $0x2800  }
0x225: {  	[sflag:s19] =	ssyncset.done $0x0  }
0x226: {  	s24 =	simm.s32 $0x15A00;
	[sflag:s19] =	ssyncadd.s32 $0xFFFFD800  }
0x227: {  	[tilespmem:s6], [sflag:$0x1] =	stream.indirect.gather [hbm4b:s1+s10], $0x80, s24, s10, $0xb8;
	[tilespmem:$0x1F080] =	vst v63  }
0x228: {  	s25 =	simm.s32 $0x15A28  }
0x229: {  	[tilespmem:s21], [sflag:$0x1] =	stream.indirect.gather [hbm4b:s1+s10], $0x80, s25, s10, $0xb8;
	[tilespmem:$0x1F080] =	vst v63  }
0x22a: {  	_ =	swait.ge [sflag:s11], $0x1400  }
0x22b: {  	[sflag:s11] =	ssyncset.done $0x0  }
0x22c: {  	[sflag:s11] =	ssyncadd.s32 $0xFFFFEC00  }
0x22d: {  	_ =	swait.ge [sflag:s11], $0x1400  }
0x22e: {  	[sflag:s11] =	ssyncset.done $0x0  }
0x22f: {  	s5 =	simm.s32 $0x16900;
	[sflag:s11] =	ssyncadd.s32 $0xFFFFEC00  }
0x230: {  	[spmem:s3] =	stream.indirect.scatter.add.f32 [tilespmem:s12], [sflag:$0x5], $0x80, s5, s23, $0xb8;
	[tilespmem:$0x1F080] =	vst v63  }
0x231: {  	_ =	swait.ge [sflag:s13], $0x2800  }
0x232: {  	[sflag:s13] =	ssyncset.done $0x0  }
0x233: {  	s24 =	simm.s32 $0x15A80;
	[sflag:s13] =	ssyncadd.s32 $0xFFFFD800  }
0x234: {  	[tilespmem:s12], [sflag:$0x2] =	stream.indirect.gather [hbm4b:s1+s10], $0x80, s24, s10, $0xb8;
	[tilespmem:$0x1F080] =	vst v63  }
0x235: {  	s25 =	simm.s32 $0x15AA8  }
0x236: {  	[tilespmem:s14], [sflag:$0x2] =	stream.indirect.gather [hbm4b:s1+s10], $0x80, s25, s10, $0xb8;
	[tilespmem:$0x1F080] =	vst v63  }
0x237: {  	_ =	swait.ge [sflag:s15], $0x1400  }
0x238: {  	[sflag:s15] =	ssyncset.done $0x0  }
0x239: {  	[sflag:s15] =	ssyncadd.s32 $0xFFFFEC00  }
0x23a: {  	_ =	swait.ge [sflag:s15], $0x1400  }
0x23b: {  	[sflag:s15] =	ssyncset.done $0x0  }
0x23c: {  	s5 =	simm.s32 $0x16980;
	[sflag:s15] =	ssyncadd.s32 $0xFFFFEC00  }
0x23d: {  	[spmem:s3] =	stream.indirect.scatter.add.f32 [tilespmem:s16], [sflag:$0x6], $0x80, s5, s23, $0xb8;
	[tilespmem:$0x1F080] =	vst v63  }
0x23e: {  	_ =	swait.ge [sflag:s17], $0x2800  }
0x23f: {  	[sflag:s17] =	ssyncset.done $0x0  }
0x240: {  	s24 =	simm.s32 $0x15B00;
	[sflag:s17] =	ssyncadd.s32 $0xFFFFD800  }
0x241: {  	[tilespmem:s16], [sflag:$0x3] =	stream.indirect.gather [hbm4b:s1+s10], $0x80, s24, s10, $0xb8;
	[tilespmem:$0x1F080] =	vst v63  }
0x242: {  	s25 =	simm.s32 $0x15B28  }
0x243: {  	[tilespmem:s18], [sflag:$0x3] =	stream.indirect.gather [hbm4b:s1+s10], $0x80, s25, s10, $0xb8;
	[tilespmem:$0x1F080] =	vst v63  }
0x244: {  	_ =	swait.ge [sflag:s22], $0x1400  }
0x245: {  	[sflag:s22] =	ssyncset.done $0x0  }
0x246: {  	[sflag:s22] =	ssyncadd.s32 $0xFFFFEC00  }
0x247: {  	_ =	swait.ge [sflag:s22], $0x1400  }
0x248: {  	s26 =	simm.s32 $0x14880;
	[sflag:s22] =	ssyncset.done $0x0  }
0x249: {  	s4 =	simm.s32 $0x600;
	s24 =	simm.s32 $0x16A00;
	[sflag:s22] =	ssyncadd.s32 $0xFFFFEC00  }
.LBB2_10:
0x24a: {  	[spmem:s3] =	stream.indirect.scatter.add.f32 [tilespmem:s6], [sflag:$0x4], $0x80, s24, s23, $0xb8;
	[tilespmem:$0x1F080] =	vst v63  }
0x24b: {  	s24 =	smov.u32 s4  }
0x24c: {  	p0 =	sne.s32 s4, $0x2400;
	s4 =	sadd.s32 $0x600, s4;
	_ =	swait.ge [sflag:s19], $0x2800  }
0x24d: {  	s24 =	sshra.s32 s24, $0x2;
	[sflag:s19] =	ssyncset.done $0x0  }
0x24e: {  	s25 =	sadd.s32 $0x15A00, s24;
	[sflag:s19] =	ssyncadd.s32 $0xFFFFD800  }
0x24f: {  	[tilespmem:s6], [sflag:$0x1] =	stream.indirect.gather [hbm4b:s1+s10], $0x80, s25, s10, $0xb8;
	[tilespmem:$0x1F080] =	vst v63  }
0x250: {  	s25 =	sadd.s32 $0x15A28, s24  }
0x251: {  	[tilespmem:s21], [sflag:$0x1] =	stream.indirect.gather [hbm4b:s1+s10], $0x80, s25, s10, $0xb8;
	[tilespmem:$0x1F080] =	vst v63  }
0x252: {  	_ =	swait.ge [sflag:s11], $0x1400  }
0x253: {  	[sflag:s11] =	ssyncset.done $0x0  }
0x254: {  	[sflag:s11] =	ssyncadd.s32 $0xFFFFEC00  }
0x255: {  	_ =	swait.ge [sflag:s11], $0x1400  }
0x256: {  	[sflag:s11] =	ssyncset.done $0x0  }
0x257: {  	s25 =	sadd.s32 $0x16900, s24;
	[sflag:s11] =	ssyncadd.s32 $0xFFFFEC00  }
0x258: {  	[spmem:s3] =	stream.indirect.scatter.add.f32 [tilespmem:s12], [sflag:$0x5], $0x80, s25, s23, $0xb8;
	[tilespmem:$0x1F080] =	vst v63  }
0x259: {  	_ =	swait.ge [sflag:s13], $0x2800  }
0x25a: {  	[sflag:s13] =	ssyncset.done $0x0  }
0x25b: {  	s25 =	sadd.s32 $0x15A80, s24;
	[sflag:s13] =	ssyncadd.s32 $0xFFFFD800  }
0x25c: {  	[tilespmem:s12], [sflag:$0x2] =	stream.indirect.gather [hbm4b:s1+s10], $0x80, s25, s10, $0xb8;
	[tilespmem:$0x1F080] =	vst v63  }
0x25d: {  	s25 =	sadd.s32 $0x15AA8, s24  }
0x25e: {  	[tilespmem:s14], [sflag:$0x2] =	stream.indirect.gather [hbm4b:s1+s10], $0x80, s25, s10, $0xb8;
	[tilespmem:$0x1F080] =	vst v63  }
0x25f: {  	_ =	swait.ge [sflag:s15], $0x1400  }
0x260: {  	[sflag:s15] =	ssyncset.done $0x0  }
0x261: {  	[sflag:s15] =	ssyncadd.s32 $0xFFFFEC00  }
0x262: {  	_ =	swait.ge [sflag:s15], $0x1400  }
0x263: {  	[sflag:s15] =	ssyncset.done $0x0  }
0x264: {  	s25 =	sadd.s32 $0x16980, s24;
	[sflag:s15] =	ssyncadd.s32 $0xFFFFEC00  }
0x265: {  	[spmem:s3] =	stream.indirect.scatter.add.f32 [tilespmem:s16], [sflag:$0x6], $0x80, s25, s23, $0xb8;
	[tilespmem:$0x1F080] =	vst v63  }
0x266: {  	_ =	swait.ge [sflag:s17], $0x2800  }
0x267: {  	[sflag:s17] =	ssyncset.done $0x0  }
0x268: {  	s25 =	sadd.s32 $0x15B00, s24;
	[sflag:s17] =	ssyncadd.s32 $0xFFFFD800  }
0x269: {  	[tilespmem:s16], [sflag:$0x3] =	stream.indirect.gather [hbm4b:s1+s10], $0x80, s25, s10, $0xb8;
	[tilespmem:$0x1F080] =	vst v63  }
0x26a: {  	s25 =	sadd.s32 $0x15B28, s24  }
0x26b: {  	[tilespmem:s18], [sflag:$0x3] =	stream.indirect.gather [hbm4b:s1+s10], $0x80, s25, s10, $0xb8;
	[tilespmem:$0x1F080] =	vst v63  }
0x26c: {  	_ =	swait.ge [sflag:s22], $0x1400  }
.Ltmp4:
0x26d: {  	[sflag:s22] =	ssyncset.done $0x0;
	(pc) =	sbr.rel @p0 .LBB2_10-.Ltmp4, $4  }
0x26e: {  	[sflag:s22] =	ssyncadd.s32 $0xFFFFEC00  }
0x26f: {  	_ =	swait.ge [sflag:s22], $0x1400  }
0x270: {  	[sflag:s22] =	ssyncset.done $0x0  }
0x271: {  	s24 =	sadd.s32 $0x16A00, s24;
	[sflag:s22] =	ssyncadd.s32 $0xFFFFEC00  }
0x272: {  	[spmem:s3] =	stream.indirect.scatter.add.f32 [tilespmem:s6], [sflag:$0x4], $0x80, s24, s23, $0xb8;
	[tilespmem:$0x1F080] =	vst v63  }
0x273: {  	_ =	swait.ge [sflag:s19], $0x2800  }
0x274: {  	[sflag:s19] =	ssyncset.done $0x0  }
0x275: {  	s4 =	simm.s32 $0x16480;
	[sflag:s19] =	ssyncadd.s32 $0xFFFFD800  }
0x276: {  	[tilespmem:s6], [sflag:$0x1] =	stream.indirect.gather [hbm4b:s1+s10], $0x80, s4, s10, $0xb8;
	[tilespmem:$0x1F080] =	vst v63  }
0x277: {  	s5 =	simm.s32 $0x164A8  }
0x278: {  	[tilespmem:s21], [sflag:$0x1] =	stream.indirect.gather [hbm4b:s1+s10], $0x80, s5, s10, $0xb8;
	[tilespmem:$0x1F080] =	vst v63  }
0x279: {  	_ =	swait.ge [sflag:s11], $0x1400  }
0x27a: {  	[sflag:s11] =	ssyncset.done $0x0  }
0x27b: {  	[sflag:s11] =	ssyncadd.s32 $0xFFFFEC00  }
0x27c: {  	_ =	swait.ge [sflag:s11], $0x1400  }
0x27d: {  	[sflag:s11] =	ssyncset.done $0x0  }
0x27e: {  	s24 =	simm.s32 $0x17380;
	[sflag:s11] =	ssyncadd.s32 $0xFFFFEC00  }
0x27f: {  	[spmem:s3] =	stream.indirect.scatter.add.f32 [tilespmem:s12], [sflag:$0x5], $0x80, s24, s23, $0xb8;
	[tilespmem:$0x1F080] =	vst v63  }
0x280: {  	_ =	swait.ge [sflag:s13], $0x2800  }
0x281: {  	[sflag:s13] =	ssyncset.done $0x0  }
0x282: {  	[sflag:s13] =	ssyncadd.s32 $0xFFFFD800  }
0x283: {  	_ =	swait.ge [sflag:s15], $0x1400  }
0x284: {  	[sflag:s15] =	ssyncset.done $0x0  }
0x285: {  	[sflag:s15] =	ssyncadd.s32 $0xFFFFEC00  }
0x286: {  	_ =	swait.ge [sflag:s15], $0x1400  }
0x287: {  	[sflag:s15] =	ssyncset.done $0x0  }
0x288: {  	s25 =	simm.s32 $0x17400;
	[sflag:s15] =	ssyncadd.s32 $0xFFFFEC00  }
0x289: {  	[spmem:s3] =	stream.indirect.scatter.add.f32 [tilespmem:s16], [sflag:$0x6], $0x80, s25, s23, $0xb8;
	[tilespmem:$0x1F080] =	vst v63  }
0x28a: {  	_ =	swait.ge [sflag:s17], $0x2800  }
0x28b: {  	[sflag:s17] =	ssyncset.done $0x0  }
0x28c: {  	[sflag:s17] =	ssyncadd.s32 $0xFFFFD800  }
0x28d: {  	_ =	swait.ge [sflag:s22], $0x1400  }
0x28e: {  	[sflag:s22] =	ssyncset.done $0x0  }
0x28f: {  	[sflag:s22] =	ssyncadd.s32 $0xFFFFEC00  }
0x290: {  	_ =	swait.ge [sflag:s22], $0x1400  }
0x291: {  	[sflag:s22] =	ssyncset.done $0x0  }
0x292: {  	s5 =	simm.s32 $0x17480;
	[sflag:s22] =	ssyncadd.s32 $0xFFFFEC00  }
0x293: {  	[spmem:s3] =	stream.indirect.scatter.add.f32 [tilespmem:s6], [sflag:$0x4], $0x80, s5, s23, $0xb8;
	[tilespmem:$0x1F080] =	vst v63  }
0x294: {  	_ =	swait.ge [sflag:s7], $0xC80  }
0x295: {  	[sflag:s7] =	ssyncset.done $0x0  }
0x296: {  	[sflag:s7] =	ssyncadd.s32 $0xFFFFF380  }
0x297: {  	_ =	swait.ge [sflag:s7], $0xC80  }
0x298: {  	[sflag:s7] =	ssyncset.done $0x0  }
0x299: {  	s24 =	simm.s32 $0x13900;
	[sflag:s7] =	ssyncadd.s32 $0xFFFFF380  }
0x29a: {  	[tilespmem:s12], [sflag:$0x2] =	stream.indirect.gather [hbm4b:s1+s10], $0x80, s24, s10, $0xb8;
	[tilespmem:$0x1F080] =	vst v63  }
0x29b: {  	s25 =	simm.s32 $0x13928  }
0x29c: {  	[tilespmem:s14], [sflag:$0x2] =	stream.indirect.gather [hbm4b:s1+s10], $0x80, s25, s10, $0xb8;
	[tilespmem:$0x1F080] =	vst v63  }
0x29d: {  	s5 =	simm.s32 $0x13980  }
0x29e: {  	[tilespmem:s16], [sflag:$0x3] =	stream.indirect.gather [hbm4b:s1+s10], $0x80, s5, s10, $0xb8;
	[tilespmem:$0x1F080] =	vst v63  }
0x29f: {  	s24 =	simm.s32 $0x139A8  }
0x2a0: {  	[tilespmem:s18], [sflag:$0x3] =	stream.indirect.gather [hbm4b:s1+s10], $0x80, s24, s10, $0xb8;
	[tilespmem:$0x1F080] =	vst v63  }
0x2a1: {  	_ =	swait.ge [sflag:s19], $0x2800  }
0x2a2: {  	[sflag:s19] =	ssyncset.done $0x0  }
0x2a3: {  	[sflag:s19] =	ssyncadd.s32 $0xFFFFD800  }
0x2a4: {  	[tilespmem:s6], [sflag:$0x1] =	stream.indirect.gather [hbm4b:s1+s10], $0x80, s0, s10, $0xb8;
	[tilespmem:$0x1F080] =	vst v63  }
0x2a5: {  	s25 =	simm.s32 $0x138A8  }
0x2a6: {  	[tilespmem:s21], [sflag:$0x1] =	stream.indirect.gather [hbm4b:s1+s10], $0x80, s25, s10, $0xb8;
	[tilespmem:$0x1F080] =	vst v63  }
0x2a7: {  	_ =	swait.ge [sflag:s22], $0x1400  }
0x2a8: {  	[sflag:s22] =	ssyncset.done $0x0  }
0x2a9: {  	[sflag:s22] =	ssyncadd.s32 $0xFFFFEC00  }
0x2aa: {  	_ =	swait.ge [sflag:s22], $0x1400  }
0x2ab: {  	[sflag:s22] =	ssyncset.done $0x0  }
0x2ac: {  	[sflag:s22] =	ssyncadd.s32 $0xFFFFEC00  }
0x2ad: {  	[spmem:s3] =	stream.indirect.scatter.add.f32 [tilespmem:s6], [sflag:$0x4], $0x80, s26, s23, $0xb8;
	[tilespmem:$0x1F080] =	vst v63  }
0x2ae: {  	_ =	swait.ge [sflag:s19], $0x2800  }
0x2af: {  	[sflag:s19] =	ssyncset.done $0x0  }
0x2b0: {  	s0 =	simm.s32 $0x13A00;
	[sflag:s19] =	ssyncadd.s32 $0xFFFFD800  }
0x2b1: {  	[tilespmem:s6], [sflag:$0x1] =	stream.indirect.gather [hbm4b:s1+s10], $0x80, s0, s10, $0xb8;
	[tilespmem:$0x1F080] =	vst v63  }
0x2b2: {  	s24 =	simm.s32 $0x13A28  }
0x2b3: {  	[tilespmem:s21], [sflag:$0x1] =	stream.indirect.gather [hbm4b:s1+s10], $0x80, s24, s10, $0xb8;
	[tilespmem:$0x1F080] =	vst v63  }
0x2b4: {  	_ =	swait.ge [sflag:s11], $0x1400  }
0x2b5: {  	[sflag:s11] =	ssyncset.done $0x0  }
0x2b6: {  	[sflag:s11] =	ssyncadd.s32 $0xFFFFEC00  }
0x2b7: {  	_ =	swait.ge [sflag:s11], $0x1400  }
0x2b8: {  	[sflag:s11] =	ssyncset.done $0x0  }
0x2b9: {  	s25 =	simm.s32 $0x14900;
	[sflag:s11] =	ssyncadd.s32 $0xFFFFEC00  }
0x2ba: {  	[spmem:s3] =	stream.indirect.scatter.add.f32 [tilespmem:s12], [sflag:$0x5], $0x80, s25, s23, $0xb8;
	[tilespmem:$0x1F080] =	vst v63  }
0x2bb: {  	_ =	swait.ge [sflag:s13], $0x2800  }
0x2bc: {  	[sflag:s13] =	ssyncset.done $0x0  }
0x2bd: {  	s26 =	simm.s32 $0x13A80;
	[sflag:s13] =	ssyncadd.s32 $0xFFFFD800  }
0x2be: {  	[tilespmem:s12], [sflag:$0x2] =	stream.indirect.gather [hbm4b:s1+s10], $0x80, s26, s10, $0xb8;
	[tilespmem:$0x1F080] =	vst v63  }
0x2bf: {  	s0 =	simm.s32 $0x13AA8  }
0x2c0: {  	[tilespmem:s14], [sflag:$0x2] =	stream.indirect.gather [hbm4b:s1+s10], $0x80, s0, s10, $0xb8;
	[tilespmem:$0x1F080] =	vst v63  }
0x2c1: {  	_ =	swait.ge [sflag:s15], $0x1400  }
0x2c2: {  	[sflag:s15] =	ssyncset.done $0x0  }
0x2c3: {  	[sflag:s15] =	ssyncadd.s32 $0xFFFFEC00  }
0x2c4: {  	_ =	swait.ge [sflag:s15], $0x1400  }
0x2c5: {  	[sflag:s15] =	ssyncset.done $0x0  }
0x2c6: {  	s24 =	simm.s32 $0x14980;
	[sflag:s15] =	ssyncadd.s32 $0xFFFFEC00  }
0x2c7: {  	[spmem:s3] =	stream.indirect.scatter.add.f32 [tilespmem:s16], [sflag:$0x6], $0x80, s24, s23, $0xb8;
	[tilespmem:$0x1F080] =	vst v63  }
0x2c8: {  	_ =	swait.ge [sflag:s17], $0x2800  }
0x2c9: {  	[sflag:s17] =	ssyncset.done $0x0  }
0x2ca: {  	s25 =	simm.s32 $0x13B00;
	[sflag:s17] =	ssyncadd.s32 $0xFFFFD800  }
0x2cb: {  	[tilespmem:s16], [sflag:$0x3] =	stream.indirect.gather [hbm4b:s1+s10], $0x80, s25, s10, $0xb8;
	[tilespmem:$0x1F080] =	vst v63  }
0x2cc: {  	s26 =	simm.s32 $0x13B28  }
0x2cd: {  	[tilespmem:s18], [sflag:$0x3] =	stream.indirect.gather [hbm4b:s1+s10], $0x80, s26, s10, $0xb8;
	[tilespmem:$0x1F080] =	vst v63  }
0x2ce: {  	_ =	swait.ge [sflag:s22], $0x1400  }
0x2cf: {  	[sflag:s22] =	ssyncset.done $0x0  }
0x2d0: {  	[sflag:s22] =	ssyncadd.s32 $0xFFFFEC00  }
0x2d1: {  	_ =	swait.ge [sflag:s22], $0x1400  }
0x2d2: {  	s4 =	simm.s32 $0x600;
	[sflag:s22] =	ssyncset.done $0x0  }
0x2d3: {  	s5 =	simm.s32 $0x13880;
	s24 =	simm.s32 $0x14A00;
	[sflag:s22] =	ssyncadd.s32 $0xFFFFEC00  }
.LBB2_12:
0x2d4: {  	[spmem:s3] =	stream.indirect.scatter.add.f32 [tilespmem:s6], [sflag:$0x4], $0x80, s24, s23, $0xb8;
	[tilespmem:$0x1F080] =	vst v63  }
0x2d5: {  	s24 =	smov.u32 s4  }
0x2d6: {  	p0 =	sne.s32 s4, $0x2400;
	s4 =	sadd.s32 $0x600, s4;
	_ =	swait.ge [sflag:s19], $0x2800  }
0x2d7: {  	s24 =	sshra.s32 s24, $0x2;
	[sflag:s19] =	ssyncset.done $0x0  }
0x2d8: {  	s25 =	sadd.s32 $0x13A00, s24;
	[sflag:s19] =	ssyncadd.s32 $0xFFFFD800  }
0x2d9: {  	[tilespmem:s6], [sflag:$0x1] =	stream.indirect.gather [hbm4b:s1+s10], $0x80, s25, s10, $0xb8;
	[tilespmem:$0x1F080] =	vst v63  }
0x2da: {  	s25 =	sadd.s32 $0x13A28, s24  }
0x2db: {  	[tilespmem:s21], [sflag:$0x1] =	stream.indirect.gather [hbm4b:s1+s10], $0x80, s25, s10, $0xb8;
	[tilespmem:$0x1F080] =	vst v63  }
0x2dc: {  	_ =	swait.ge [sflag:s11], $0x1400  }
0x2dd: {  	[sflag:s11] =	ssyncset.done $0x0  }
0x2de: {  	[sflag:s11] =	ssyncadd.s32 $0xFFFFEC00  }
0x2df: {  	_ =	swait.ge [sflag:s11], $0x1400  }
0x2e0: {  	[sflag:s11] =	ssyncset.done $0x0  }
0x2e1: {  	s25 =	sadd.s32 $0x14900, s24;
	[sflag:s11] =	ssyncadd.s32 $0xFFFFEC00  }
0x2e2: {  	[spmem:s3] =	stream.indirect.scatter.add.f32 [tilespmem:s12], [sflag:$0x5], $0x80, s25, s23, $0xb8;
	[tilespmem:$0x1F080] =	vst v63  }
0x2e3: {  	_ =	swait.ge [sflag:s13], $0x2800  }
0x2e4: {  	[sflag:s13] =	ssyncset.done $0x0  }
0x2e5: {  	s25 =	sadd.s32 $0x13A80, s24;
	[sflag:s13] =	ssyncadd.s32 $0xFFFFD800  }
0x2e6: {  	[tilespmem:s12], [sflag:$0x2] =	stream.indirect.gather [hbm4b:s1+s10], $0x80, s25, s10, $0xb8;
	[tilespmem:$0x1F080] =	vst v63  }
0x2e7: {  	s25 =	sadd.s32 $0x13AA8, s24  }
0x2e8: {  	[tilespmem:s14], [sflag:$0x2] =	stream.indirect.gather [hbm4b:s1+s10], $0x80, s25, s10, $0xb8;
	[tilespmem:$0x1F080] =	vst v63  }
0x2e9: {  	_ =	swait.ge [sflag:s15], $0x1400  }
0x2ea: {  	[sflag:s15] =	ssyncset.done $0x0  }
0x2eb: {  	[sflag:s15] =	ssyncadd.s32 $0xFFFFEC00  }
0x2ec: {  	_ =	swait.ge [sflag:s15], $0x1400  }
0x2ed: {  	[sflag:s15] =	ssyncset.done $0x0  }
0x2ee: {  	s25 =	sadd.s32 $0x14980, s24;
	[sflag:s15] =	ssyncadd.s32 $0xFFFFEC00  }
0x2ef: {  	[spmem:s3] =	stream.indirect.scatter.add.f32 [tilespmem:s16], [sflag:$0x6], $0x80, s25, s23, $0xb8;
	[tilespmem:$0x1F080] =	vst v63  }
0x2f0: {  	_ =	swait.ge [sflag:s17], $0x2800  }
0x2f1: {  	[sflag:s17] =	ssyncset.done $0x0  }
0x2f2: {  	s25 =	sadd.s32 $0x13B00, s24;
	[sflag:s17] =	ssyncadd.s32 $0xFFFFD800  }
0x2f3: {  	[tilespmem:s16], [sflag:$0x3] =	stream.indirect.gather [hbm4b:s1+s10], $0x80, s25, s10, $0xb8;
	[tilespmem:$0x1F080] =	vst v63  }
0x2f4: {  	s25 =	sadd.s32 $0x13B28, s24  }
0x2f5: {  	[tilespmem:s18], [sflag:$0x3] =	stream.indirect.gather [hbm4b:s1+s10], $0x80, s25, s10, $0xb8;
	[tilespmem:$0x1F080] =	vst v63  }
0x2f6: {  	_ =	swait.ge [sflag:s22], $0x1400  }
.Ltmp5:
0x2f7: {  	[sflag:s22] =	ssyncset.done $0x0;
	(pc) =	sbr.rel @p0 .LBB2_12-.Ltmp5, $4  }
0x2f8: {  	[sflag:s22] =	ssyncadd.s32 $0xFFFFEC00  }
0x2f9: {  	_ =	swait.ge [sflag:s22], $0x1400  }
0x2fa: {  	[sflag:s22] =	ssyncset.done $0x0  }
0x2fb: {  	s24 =	sadd.s32 $0x14A00, s24;
	[sflag:s22] =	ssyncadd.s32 $0xFFFFEC00  }
0x2fc: {  	[spmem:s3] =	stream.indirect.scatter.add.f32 [tilespmem:s6], [sflag:$0x4], $0x80, s24, s23, $0xb8;
	[tilespmem:$0x1F080] =	vst v63  }
0x2fd: {  	_ =	swait.ge [sflag:s19], $0x2800  }
0x2fe: {  	[sflag:s19] =	ssyncset.done $0x0  }
0x2ff: {  	s0 =	simm.s32 $0x14480;
	[sflag:s19] =	ssyncadd.s32 $0xFFFFD800  }
0x300: {  	[tilespmem:s6], [sflag:$0x1] =	stream.indirect.gather [hbm4b:s1+s10], $0x80, s0, s10, $0xb8;
	[tilespmem:$0x1F080] =	vst v63  }
0x301: {  	s4 =	simm.s32 $0x144A8  }
0x302: {  	[tilespmem:s21], [sflag:$0x1] =	stream.indirect.gather [hbm4b:s1+s10], $0x80, s4, s10, $0xb8;
	[tilespmem:$0x1F080] =	vst v63  }
0x303: {  	_ =	swait.ge [sflag:s11], $0x1400  }
0x304: {  	[sflag:s11] =	ssyncset.done $0x0  }
0x305: {  	[sflag:s11] =	ssyncadd.s32 $0xFFFFEC00  }
0x306: {  	_ =	swait.ge [sflag:s11], $0x1400  }
0x307: {  	[sflag:s11] =	ssyncset.done $0x0  }
0x308: {  	s24 =	simm.s32 $0x15380;
	[sflag:s11] =	ssyncadd.s32 $0xFFFFEC00  }
0x309: {  	[spmem:s3] =	stream.indirect.scatter.add.f32 [tilespmem:s12], [sflag:$0x5], $0x80, s24, s23, $0xb8;
	[tilespmem:$0x1F080] =	vst v63  }
0x30a: {  	_ =	swait.ge [sflag:s13], $0x2800  }
0x30b: {  	[sflag:s13] =	ssyncset.done $0x0  }
0x30c: {  	[sflag:s13] =	ssyncadd.s32 $0xFFFFD800  }
0x30d: {  	_ =	swait.ge [sflag:s15], $0x1400  }
0x30e: {  	[sflag:s15] =	ssyncset.done $0x0  }
0x30f: {  	[sflag:s15] =	ssyncadd.s32 $0xFFFFEC00  }
0x310: {  	_ =	swait.ge [sflag:s15], $0x1400  }
0x311: {  	[sflag:s15] =	ssyncset.done $0x0  }
0x312: {  	s25 =	simm.s32 $0x15400;
	[sflag:s15] =	ssyncadd.s32 $0xFFFFEC00  }
0x313: {  	[spmem:s3] =	stream.indirect.scatter.add.f32 [tilespmem:s16], [sflag:$0x6], $0x80, s25, s23, $0xb8;
	[tilespmem:$0x1F080] =	vst v63  }
0x314: {  	_ =	swait.ge [sflag:s17], $0x2800  }
0x315: {  	[sflag:s17] =	ssyncset.done $0x0  }
0x316: {  	[sflag:s17] =	ssyncadd.s32 $0xFFFFD800  }
0x317: {  	_ =	swait.ge [sflag:s22], $0x1400  }
0x318: {  	[sflag:s22] =	ssyncset.done $0x0  }
0x319: {  	[sflag:s22] =	ssyncadd.s32 $0xFFFFEC00  }
0x31a: {  	_ =	swait.ge [sflag:s22], $0x1400  }
0x31b: {  	[sflag:s22] =	ssyncset.done $0x0  }
0x31c: {  	s26 =	simm.s32 $0x15480;
	[sflag:s22] =	ssyncadd.s32 $0xFFFFEC00  }
0x31d: {  	[spmem:s3] =	stream.indirect.scatter.add.f32 [tilespmem:s6], [sflag:$0x4], $0x80, s26, s23, $0xb8;
	[tilespmem:$0x1F080] =	vst v63  }
0x31e: {  	_ =	swait.ge [sflag:s19], $0x2800  }
0x31f: {  	[sflag:s19] =	ssyncset.done $0x0  }
0x320: {  	[sflag:s19] =	ssyncadd.s32 $0xFFFFD800  }
0x321: {  	s4 =	stileid.u32;
	[bflag:$0x0] =	sbarrier.arrive $0xFFFF  }
0x322: {  	s4 =	sshll.u32 s4, $0x6;
	s26 =	rddreg [dreg:$0x17]  }
0x323: {  	s4 =	sor.u32 $0x1C04, s4;
	s25 =	rddreg [dreg:$0x7];
	s0 =	sshrl.u32 s26, $0x3  }
0x324: {  	[hbm:s25], [sflag:s4] =	dma.local [spmem:s0], $0x500  }
0x325: {  	s0 =	sshrl.u32 s28, $0x3;
	s25 =	rddreg [dreg:$0x8]  }
0x326: {  	[hbm:s25], [sflag:s4] =	dma.local [spmem:s0], $0x500  }
0x327: {  	s0 =	sshrl.u32 s8, $0x3;
	s25 =	rddreg [dreg:$0x9]  }
0x328: {  	[hbm:s25], [sflag:s4] =	dma.local [spmem:s0], $0x500  }
0x329: {  	s0 =	sshrl.u32 s29, $0x3;
	s25 =	rddreg [dreg:$0xa]  }
0x32a: {  	[hbm:s25], [sflag:s4] =	dma.local [spmem:s0], $0x500  }
0x32b: {  	s0 =	sshrl.u32 s9, $0x3;
	s25 =	rddreg [dreg:$0xb]  }
0x32c: {  	[hbm:s25], [sflag:s4] =	dma.local [spmem:s0], $0x500  }
0x32d: {  	s0 =	sshrl.u32 s30, $0x3;
	s25 =	rddreg [dreg:$0xc]  }
0x32e: {  	[hbm:s25], [sflag:s4] =	dma.local [spmem:s0], $0x500  }
0x32f: {  	s0 =	sshrl.u32 s31, $0x3;
	s25 =	rddreg [dreg:$0xd]  }
0x330: {  	[hbm:s25], [sflag:s4] =	dma.local [spmem:s0], $0x500  }
0x331: {  	s0 =	sshrl.u32 s2, $0x3;
	s25 =	rddreg [dreg:$0xe]  }
0x332: {  	[hbm:s25], [sflag:s4] =	dma.local [spmem:s0], $0x500  }
0x333: {  	_ =	swait.ge [sflag:s19], $0x500  }
0x334: {  	[sflag:s19] =	ssyncset.done $0x0  }
0x335: {  	[sflag:s19] =	ssyncadd.s32 $0xFFFFFB00  }
0x336: {  	_ =	swait.ge [sflag:s19], $0x500  }
0x337: {  	[sflag:s19] =	ssyncset.done $0x0  }
0x338: {  	[sflag:s19] =	ssyncadd.s32 $0xFFFFFB00  }
0x339: {  	_ =	swait.ge [sflag:s19], $0x500  }
0x33a: {  	[sflag:s19] =	ssyncset.done $0x0  }
0x33b: {  	[sflag:s19] =	ssyncadd.s32 $0xFFFFFB00  }
0x33c: {  	_ =	swait.ge [sflag:s19], $0x500  }
0x33d: {  	[sflag:s19] =	ssyncset.done $0x0  }
0x33e: {  	[sflag:s19] =	ssyncadd.s32 $0xFFFFFB00  }
0x33f: {  	_ =	swait.ge [sflag:s19], $0x500  }
0x340: {  	[sflag:s19] =	ssyncset.done $0x0  }
0x341: {  	[sflag:s19] =	ssyncadd.s32 $0xFFFFFB00  }
0x342: {  	_ =	swait.ge [sflag:s19], $0x500  }
0x343: {  	[sflag:s19] =	ssyncset.done $0x0  }
0x344: {  	[sflag:s19] =	ssyncadd.s32 $0xFFFFFB00  }
0x345: {  	_ =	swait.ge [sflag:s19], $0x500  }
0x346: {  	[sflag:s19] =	ssyncset.done $0x0  }
0x347: {  	[sflag:s19] =	ssyncadd.s32 $0xFFFFFB00  }
0x348: {  	_ =	swait.ge [sflag:s19], $0x500  }
0x349: {  	s20 =	sadd.s32 $0x1, s20;
	s25 =	rddreg [dreg:$0x16]  }
0x34a: {  	p0 =	sne.s32 s20, s25  }
.Ltmp6:
0x34b: {  	_ = 	snop;
	(pc) =	sbr.rel @p0 .LBB2_1-.Ltmp6, $3  }
0x34c: {  	_ =	sdelay $0x1  }
0x34d: {  	[sflag:s19] =	ssyncset.done $0x0  }
0x34e: {  	[sflag:s19] =	ssyncadd.s32 $0xFFFFFB00  }
0x34f: {  	_ =	sfence.sel $0x180000  }
0x350: {  	[bflag:$0x0] =	sbarrier.arrive $0xFFFF  }
0x351: {  	_ =	strace $0x90000047  }
0x352: {  	s0 =	stileid.u32;
	[bflag:$0x2] =	sbarrier.arrive $0xFFFF  }
0x353: {  	p0 =	sne.s32 s0, $0x0;
	s0 =	rddreg [dreg:$0x3]  }
0x354: {  	s0 =	sadd.s32 @!p0 $0x100000, s0  }
0x355: {  	[sflag:s0] =	ssyncadd.tile.s32 @!p0 $0x1;
	_ =	shalt  }
.Lfunc_end2:
_tile_overlayer_lowered:
.L_overlay_start_2:
0x356: {  	(tag) =	ssettag $0x2  }
0x357: {  	s0 =	rddreg [dreg:$0x0];
	s2 =	stileid.u32  }
0x358: {  	s1 =	rddreg [dreg:$0x1];
	p0 =	sne.s32 s2, $0x0  }
0x359: {  	s3 =	rddreg [dreg:$0x2];
	[bflag:$0x3] =	sbarrier.arrive $0xFFFF;
	s2 =	simm.s32 @!p0 $0x1C08  }
0x35a: {  	[timem:s3], [sflag:s2] =	dma.local @!p0 [hbm:s0], s1  }
0x35b: {  	s0 =	simm.s32 @!p0 $0x8  }
0x35c: {  	_ =	swait.ge @!p0 [sflag:s0], s1  }
0x35d: {  	s1 =	ssub.s32 @!p0 $0x0, s1;
	[sflag:s0] =	ssyncset.done @!p0 $0x0  }
0x35e: {  	[sflag:s0] =	ssyncadd.s32 @!p0 s1  }
0x35f: {  	[bflag:$0x3] =	sbarrier.arrive $0xFFFF  }
0x360: {  	_ =	shalt  }

</sc_bundles>
